<compile_context>
chip_gen: v7x
topology: tpu7x:2x2x1
jax: 0.10.2.dev20260603
libtpu: 0.0.44.dev20260713+nightly
codegen_flags: <defaults>
</compile_context>

<pallas_src>
import functools

import jax
import jax.numpy as jnp
from jax import lax
from jax.experimental import pallas as pl
from jax.experimental.pallas import tpu as pltpu
from jax.experimental.pallas import tpu_sc as plsc

_WIDTH = 512
_SCALE = 0.001
_ROWS = 64 * 3 * 512
_NC, _NS, _L = 2, 16, 16
_NW = _NC * _NS
_RPW = _ROWS // _NW
_NBUF = 4
_CHUNK = 48
_NCHUNK = _RPW // _CHUNK
_NGROUP = _NCHUNK // _NBUF


def _scores() -> jnp.ndarray:
    xs = jnp.linspace(-15.0, 15.0, _WIDTH)
    a = 0.0014888176096
    b = 0.0
    c = 0.0152831145355
    parabola = a * (xs - b) ** 2 + c
    parabola = parabola / parabola.sum()
    gkey = jax.random.key(42)
    u = jax.random.uniform(gkey, (_WIDTH,), minval=1e-10, maxval=1.0)
    gumbel = -jnp.log(-jnp.log(u))
    return jnp.log(parabola) + gumbel


_NEG = float(jnp.finfo(jnp.float32).min)


def _rotate(v, sh):
    idx = lax.iota(jnp.int32, _L) + sh
    idx = jnp.where(idx >= _L, idx - _L, idx)
    return v.at[idx].get(mode="promise_in_bounds")


def _all_lanes_max(v):
    for sh in (1, 2, 4, 8):
        v = jnp.maximum(v, _rotate(v, sh))
    return v


def _all_lanes_min(v):
    for sh in (1, 2, 4, 8):
        v = jnp.minimum(v, _rotate(v, sh))
    return v


def _top2(scores_v):
    nseg = _WIDTH // _L
    iota = lax.iota(jnp.int32, _L)

    def seg(j):
        return scores_v[pl.ds(j * _L, _L)], iota + j * _L

    def argmax_excluding(excl):
        m = jnp.full((_L,), _NEG, jnp.float32)
        for j in range(nseg):
            v, lanes = seg(j)
            if excl is not None:
                v = jnp.where(lanes == excl, _NEG, v)
            m = jnp.maximum(m, v)
        g = _all_lanes_max(m)
        cand = jnp.full((_L,), _WIDTH, jnp.int32)
        for j in range(nseg):
            v, lanes = seg(j)
            if excl is not None:
                v = jnp.where(lanes == excl, _NEG, v)
            cand = jnp.minimum(cand, jnp.where(v == g, lanes, _WIDTH))
        return _all_lanes_min(cand)

    i1 = argmax_excluding(None)
    i2 = argmax_excluding(i1)
    return i1, i2


def _sc_erase(scores_hbm, x_hbm, out_hbm, scores_v, bufs, sins, souts):
    wid = lax.axis_index("s") * _NC + lax.axis_index("c")
    wrow = wid * _RPW

    def in_cp(g, b):
        return pltpu.make_async_copy(
            x_hbm.at[pl.ds(wrow + g * _CHUNK, _CHUNK), :], bufs[b], sins[b])

    def out_cp(g, b):
        return pltpu.make_async_copy(
            bufs[b], out_hbm.at[pl.ds(wrow + g * _CHUNK, _CHUNK), :], souts[b])

    for b in range(_NBUF):
        in_cp(b, b).start()

    pltpu.sync_copy(scores_hbm, scores_v)
    i1v, i2v = _top2(scores_v)
    iota = lax.iota(jnp.int32, _L)

    def patch(b):
        buf = bufs[b]
        for j in range(_CHUNK // _L):
            rows = iota + j * _L
            for cv in (i1v, i2v):
                v = plsc.load_gather(buf, [rows, cv])
                plsc.store_scatter(buf, [rows, cv], v * jnp.float32(_SCALE))

    def turn(i, carry):
        g0 = i * _NBUF
        for b in range(_NBUF):
            in_cp(g0 + b, b).wait()
            patch(b)
            out_cp(g0 + b, b).start()
        for b in range(_NBUF):
            out_cp(g0 + b, b).wait()

            @pl.when(g0 + b + _NBUF < _NCHUNK)
            def _():
                in_cp(g0 + b + _NBUF, b).start()

        return carry

    lax.fori_loop(0, _NGROUP, turn, 0)


def kernel(x):
    n, c, h, w = x.shape
    x2 = x.reshape(n * c * h, w)

    def body(scores_hbm, x_hbm, out_hbm, scores_v, *rest):
        bufs = rest[:_NBUF]
        sins = rest[_NBUF:2 * _NBUF]
        souts = rest[2 * _NBUF:]
        _sc_erase(scores_hbm, x_hbm, out_hbm, scores_v, bufs, sins, souts)

    run = functools.partial(
        pl.kernel,
        out_type=jax.ShapeDtypeStruct((n * c * h, w), x.dtype),
        mesh=plsc.VectorSubcoreMesh(core_axis_name="c", subcore_axis_name="s"),
        compiler_params=pltpu.CompilerParams(
            needs_layout_passes=False, use_tc_tiling_on_sc=True),
        scratch_types=[
            pltpu.VMEM((_WIDTH,), jnp.float32),
            *[pltpu.VMEM((_CHUNK, _WIDTH), jnp.float32) for _ in range(_NBUF)],
            *[pltpu.SemaphoreType.DMA for _ in range(2 * _NBUF)],
        ],
    )(body)
    out = run(_scores(), x2)
    return out.reshape(n, c, h, w)

# --- scband reference (transcript-rebuilt; emitter-appended) ---
"""Pipeline reference for scband-erase-columns-10986526343404 (READ-ONLY COPY).

The authoritative reference and input builder live on the scoring server;
editing this copy changes nothing except your own understanding.
"""

import jax, jax.numpy as jnp
import numpy as np


def setup_inputs(seed: int = 0) -> dict:
    key = jax.random.key(seed)
    x = jax.random.normal(key, (64, 3, 512, 512), dtype=jnp.float32)
    return {"x": x}


def reference(x):
    num_columns = 2
    width = x.shape[3]
    xs = jnp.linspace(-15.0, 15.0, width)
    a = 0.0014888176096
    b = 0.0
    c = 0.0152831145355
    parabola = a * (xs - b) ** 2 + c
    parabola = parabola / parabola.sum()
    # torch.multinomial(parabola, num_columns) without replacement ->
    # Gumbel top-k trick: argtop_k(log p + Gumbel noise)
    gkey = jax.random.key(42)
    u = jax.random.uniform(gkey, (width,), minval=1e-10, maxval=1.0)
    gumbel = -jnp.log(-jnp.log(u))
    _, cols = jax.lax.top_k(jnp.log(parabola) + gumbel, num_columns)
    mask = jnp.ones_like(x)
    mask = mask.at[:, :, :, cols].set(0.001)
    erased = x * mask
    return erased

if __name__ == "__main__":
    import jax
    _d = setup_inputs()
    print(jax.jit(kernel)(*tuple(_d.values())))

</pallas_src>

<mosaic_0001>
#map = affine_map<(d0, d1) -> (0)>
#map1 = affine_map<(d0, d1) -> (0, 0)>
module attributes {stable_mosaic.version = 14 : i64} {
  func.func @body(%arg0: i32, %arg1: i32, %arg2: memref<512xf32, #tpu.memory_space<hbm>>, %arg3: memref<98304x512xf32, #tpu.memory_space<hbm>>, %arg4: memref<98304x512xf32, #tpu.memory_space<hbm>>, %arg5: memref<512xf32, #tpu.memory_space<vmem>>, %arg6: memref<48x512xf32, #tpu.memory_space<vmem>>, %arg7: memref<48x512xf32, #tpu.memory_space<vmem>>, %arg8: memref<48x512xf32, #tpu.memory_space<vmem>>, %arg9: memref<48x512xf32, #tpu.memory_space<vmem>>, %arg10: memref<!tpu.dma_semaphore, #tpu.memory_space<semaphore_mem>>, %arg11: memref<!tpu.dma_semaphore, #tpu.memory_space<semaphore_mem>>, %arg12: memref<!tpu.dma_semaphore, #tpu.memory_space<semaphore_mem>>, %arg13: memref<!tpu.dma_semaphore, #tpu.memory_space<semaphore_mem>>, %arg14: memref<!tpu.dma_semaphore, #tpu.memory_space<semaphore_mem>>, %arg15: memref<!tpu.dma_semaphore, #tpu.memory_space<semaphore_mem>>, %arg16: memref<!tpu.dma_semaphore, #tpu.memory_space<semaphore_mem>>, %arg17: memref<!tpu.dma_semaphore, #tpu.memory_space<semaphore_mem>>) attributes {dimension_semantics = [#tpu.dimension_semantics<core_parallel>, #tpu.dimension_semantics<subcore_parallel>], iteration_bounds = array<i64: 2, 16>, scalar_prefetch = 0 : i64, scratch_operands = 13 : i64, tpu.core_type = #tpu.core_type<sc_vector_subcore>, window_params = [{transform_indices = #map}, {transform_indices = #map1}, {transform_indices = #map1}]} {
    %mul3A = arith.constant 2 : i32
    %mul3A_0 = arith.muli %arg1, %mul3A : i32
    %add3A = arith.addi %mul3A_0, %arg0 : i32
    %mul3A_1 = arith.constant 3072 : i32
    %mul3A_2 = arith.muli %add3A, %mul3A_1 : i32
    %add3A_3 = arith.constant 0 : i32
    %add3A_4 = arith.addi %mul3A_2, %add3A_3 : i32
    %dma_start3A = arith.constant 0 : i32
    %dma_start3A_5 = tpu.memref_slice %arg3[%add3A_4, %dma_start3A] : memref<98304x512xf32, #tpu.memory_space<hbm>> -> memref<48x512xf32, #tpu.memory_space<hbm>>
    %dma_start3A_6 = arith.constant 0 : i32
    %dma_start3A_7 = tpu.memref_slice %arg3[%add3A_4, %dma_start3A_6] : memref<98304x512xf32, #tpu.memory_space<hbm>> -> memref<48x512xf32, #tpu.memory_space<hbm>>
    tpu.enqueue_dma source(%dma_start3A_7 : memref<48x512xf32, #tpu.memory_space<hbm>>) target(%arg6 : memref<48x512xf32, #tpu.memory_space<vmem>>) target_semaphore(%arg10 : memref<!tpu.dma_semaphore, #tpu.memory_space<semaphore_mem>>)
    %add3A_8 = arith.constant 48 : i32
    %add3A_9 = arith.addi %mul3A_2, %add3A_8 : i32
    %dma_start3A_10 = arith.constant 0 : i32
    %dma_start3A_11 = tpu.memref_slice %arg3[%add3A_9, %dma_start3A_10] : memref<98304x512xf32, #tpu.memory_space<hbm>> -> memref<48x512xf32, #tpu.memory_space<hbm>>
    %dma_start3A_12 = arith.constant 0 : i32
    %dma_start3A_13 = tpu.memref_slice %arg3[%add3A_9, %dma_start3A_12] : memref<98304x512xf32, #tpu.memory_space<hbm>> -> memref<48x512xf32, #tpu.memory_space<hbm>>
    tpu.enqueue_dma source(%dma_start3A_13 : memref<48x512xf32, #tpu.memory_space<hbm>>) target(%arg7 : memref<48x512xf32, #tpu.memory_space<vmem>>) target_semaphore(%arg11 : memref<!tpu.dma_semaphore, #tpu.memory_space<semaphore_mem>>)
    %add3A_14 = arith.constant 96 : i32
    %add3A_15 = arith.addi %mul3A_2, %add3A_14 : i32
    %dma_start3A_16 = arith.constant 0 : i32
    %dma_start3A_17 = tpu.memref_slice %arg3[%add3A_15, %dma_start3A_16] : memref<98304x512xf32, #tpu.memory_space<hbm>> -> memref<48x512xf32, #tpu.memory_space<hbm>>
    %dma_start3A_18 = arith.constant 0 : i32
    %dma_start3A_19 = tpu.memref_slice %arg3[%add3A_15, %dma_start3A_18] : memref<98304x512xf32, #tpu.memory_space<hbm>> -> memref<48x512xf32, #tpu.memory_space<hbm>>
    tpu.enqueue_dma source(%dma_start3A_19 : memref<48x512xf32, #tpu.memory_space<hbm>>) target(%arg8 : memref<48x512xf32, #tpu.memory_space<vmem>>) target_semaphore(%arg12 : memref<!tpu.dma_semaphore, #tpu.memory_space<semaphore_mem>>)
    %add3A_20 = arith.constant 144 : i32
    %add3A_21 = arith.addi %mul3A_2, %add3A_20 : i32
    %dma_start3A_22 = arith.constant 0 : i32
    %dma_start3A_23 = tpu.memref_slice %arg3[%add3A_21, %dma_start3A_22] : memref<98304x512xf32, #tpu.memory_space<hbm>> -> memref<48x512xf32, #tpu.memory_space<hbm>>
    %dma_start3A_24 = arith.constant 0 : i32
    %dma_start3A_25 = tpu.memref_slice %arg3[%add3A_21, %dma_start3A_24] : memref<98304x512xf32, #tpu.memory_space<hbm>> -> memref<48x512xf32, #tpu.memory_space<hbm>>
    tpu.enqueue_dma source(%dma_start3A_25 : memref<48x512xf32, #tpu.memory_space<hbm>>) target(%arg9 : memref<48x512xf32, #tpu.memory_space<vmem>>) target_semaphore(%arg13 : memref<!tpu.dma_semaphore, #tpu.memory_space<semaphore_mem>>)
    "tpu.region"() ({
      %run_scoped3A = tpu.sem_alloc : memref<!tpu.dma_semaphore, #tpu.memory_space<semaphore_mem>>
      tpu.enqueue_dma source(%arg2 : memref<512xf32, #tpu.memory_space<hbm>>) target(%arg5 : memref<512xf32, #tpu.memory_space<vmem>>) target_semaphore(%run_scoped3A : memref<!tpu.dma_semaphore, #tpu.memory_space<semaphore_mem>>)
      tpu.wait_dma2 semaphore(%run_scoped3A : memref<!tpu.dma_semaphore, #tpu.memory_space<semaphore_mem>>) src(%arg2 : memref<512xf32, #tpu.memory_space<hbm>>) dst(%arg5 : memref<512xf32, #tpu.memory_space<vmem>>)
      tpu.yield
    }) : () -> ()
    %iota3A = tpu.iota {dimensions = array<i32: 0>} : vector<16xi32>
    %broadcast_in_dim3A = arith.constant -3.40282347E+38 : f32
    %broadcast_in_dim3A_26 = vector.broadcast %broadcast_in_dim3A : f32 to vector<16xf32>
    %get3A = arith.constant 0 : index
    %get3A_27 = tpu.vector_load %arg5[%get3A] {strides = array<i32>} : memref<512xf32, #tpu.memory_space<vmem>>, vector<16xf32>,
    %add3A_28 = arith.constant 0 : i32
    %add3A_29 = vector.broadcast %add3A_28 : i32 to vector<16xi32>
    %add3A_30 = arith.addi %iota3A, %add3A_29 : vector<16xi32>
    %max3A = arith.maximumf %broadcast_in_dim3A_26, %get3A_27 : vector<16xf32>
    %get3A_31 = arith.constant 16 : index
    %get3A_32 = tpu.vector_load %arg5[%get3A_31] {strides = array<i32>} : memref<512xf32, #tpu.memory_space<vmem>>, vector<16xf32>,
    %add3A_33 = arith.constant 16 : i32
    %add3A_34 = vector.broadcast %add3A_33 : i32 to vector<16xi32>
    %add3A_35 = arith.addi %iota3A, %add3A_34 : vector<16xi32>
    %max3A_36 = arith.maximumf %max3A, %get3A_32 : vector<16xf32>
    %get3A_37 = arith.constant 32 : index
    %get3A_38 = tpu.vector_load %arg5[%get3A_37] {strides = array<i32>} : memref<512xf32, #tpu.memory_space<vmem>>, vector<16xf32>,
    %add3A_39 = arith.constant 32 : i32
    %add3A_40 = vector.broadcast %add3A_39 : i32 to vector<16xi32>
    %add3A_41 = arith.addi %iota3A, %add3A_40 : vector<16xi32>
    %max3A_42 = arith.maximumf %max3A_36, %get3A_38 : vector<16xf32>
    %get3A_43 = arith.constant 48 : index
    %get3A_44 = tpu.vector_load %arg5[%get3A_43] {strides = array<i32>} : memref<512xf32, #tpu.memory_space<vmem>>, vector<16xf32>,
    %add3A_45 = arith.constant 48 : i32
    %add3A_46 = vector.broadcast %add3A_45 : i32 to vector<16xi32>
    %add3A_47 = arith.addi %iota3A, %add3A_46 : vector<16xi32>
    %max3A_48 = arith.maximumf %max3A_42, %get3A_44 : vector<16xf32>
    %get3A_49 = arith.constant 64 : index
    %get3A_50 = tpu.vector_load %arg5[%get3A_49] {strides = array<i32>} : memref<512xf32, #tpu.memory_space<vmem>>, vector<16xf32>,
    %add3A_51 = arith.constant 64 : i32
    %add3A_52 = vector.broadcast %add3A_51 : i32 to vector<16xi32>
    %add3A_53 = arith.addi %iota3A, %add3A_52 : vector<16xi32>
    %max3A_54 = arith.maximumf %max3A_48, %get3A_50 : vector<16xf32>
    %get3A_55 = arith.constant 80 : index
    %get3A_56 = tpu.vector_load %arg5[%get3A_55] {strides = array<i32>} : memref<512xf32, #tpu.memory_space<vmem>>, vector<16xf32>,
    %add3A_57 = arith.constant 80 : i32
    %add3A_58 = vector.broadcast %add3A_57 : i32 to vector<16xi32>
    %add3A_59 = arith.addi %iota3A, %add3A_58 : vector<16xi32>
    %max3A_60 = arith.maximumf %max3A_54, %get3A_56 : vector<16xf32>
    %get3A_61 = arith.constant 96 : index
    %get3A_62 = tpu.vector_load %arg5[%get3A_61] {strides = array<i32>} : memref<512xf32, #tpu.memory_space<vmem>>, vector<16xf32>,
    %add3A_63 = arith.constant 96 : i32
    %add3A_64 = vector.broadcast %add3A_63 : i32 to vector<16xi32>
    %add3A_65 = arith.addi %iota3A, %add3A_64 : vector<16xi32>
    %max3A_66 = arith.maximumf %max3A_60, %get3A_62 : vector<16xf32>
    %get3A_67 = arith.constant 112 : index
    %get3A_68 = tpu.vector_load %arg5[%get3A_67] {strides = array<i32>} : memref<512xf32, #tpu.memory_space<vmem>>, vector<16xf32>,
    %add3A_69 = arith.constant 112 : i32
    %add3A_70 = vector.broadcast %add3A_69 : i32 to vector<16xi32>
    %add3A_71 = arith.addi %iota3A, %add3A_70 : vector<16xi32>
    %max3A_72 = arith.maximumf %max3A_66, %get3A_68 : vector<16xf32>
    %get3A_73 = arith.constant 128 : index
    %get3A_74 = tpu.vector_load %arg5[%get3A_73] {strides = array<i32>} : memref<512xf32, #tpu.memory_space<vmem>>, vector<16xf32>,
    %add3A_75 = arith.constant 128 : i32
    %add3A_76 = vector.broadcast %add3A_75 : i32 to vector<16xi32>
    %add3A_77 = arith.addi %iota3A, %add3A_76 : vector<16xi32>
    %max3A_78 = arith.maximumf %max3A_72, %get3A_74 : vector<16xf32>
    %get3A_79 = arith.constant 144 : index
    %get3A_80 = tpu.vector_load %arg5[%get3A_79] {strides = array<i32>} : memref<512xf32, #tpu.memory_space<vmem>>, vector<16xf32>,
    %add3A_81 = arith.constant 144 : i32
    %add3A_82 = vector.broadcast %add3A_81 : i32 to vector<16xi32>
    %add3A_83 = arith.addi %iota3A, %add3A_82 : vector<16xi32>
    %max3A_84 = arith.maximumf %max3A_78, %get3A_80 : vector<16xf32>
    %get3A_85 = arith.constant 160 : index
    %get3A_86 = tpu.vector_load %arg5[%get3A_85] {strides = array<i32>} : memref<512xf32, #tpu.memory_space<vmem>>, vector<16xf32>,
    %add3A_87 = arith.constant 160 : i32
    %add3A_88 = vector.broadcast %add3A_87 : i32 to vector<16xi32>
    %add3A_89 = arith.addi %iota3A, %add3A_88 : vector<16xi32>
    %max3A_90 = arith.maximumf %max3A_84, %get3A_86 : vector<16xf32>
    %get3A_91 = arith.constant 176 : index
    %get3A_92 = tpu.vector_load %arg5[%get3A_91] {strides = array<i32>} : memref<512xf32, #tpu.memory_space<vmem>>, vector<16xf32>,
    %add3A_93 = arith.constant 176 : i32
    %add3A_94 = vector.broadcast %add3A_93 : i32 to vector<16xi32>
    %add3A_95 = arith.addi %iota3A, %add3A_94 : vector<16xi32>
    %max3A_96 = arith.maximumf %max3A_90, %get3A_92 : vector<16xf32>
    %get3A_97 = arith.constant 192 : index
    %get3A_98 = tpu.vector_load %arg5[%get3A_97] {strides = array<i32>} : memref<512xf32, #tpu.memory_space<vmem>>, vector<16xf32>,
    %add3A_99 = arith.constant 192 : i32
    %add3A_100 = vector.broadcast %add3A_99 : i32 to vector<16xi32>
    %add3A_101 = arith.addi %iota3A, %add3A_100 : vector<16xi32>
    %max3A_102 = arith.maximumf %max3A_96, %get3A_98 : vector<16xf32>
    %get3A_103 = arith.constant 208 : index
    %get3A_104 = tpu.vector_load %arg5[%get3A_103] {strides = array<i32>} : memref<512xf32, #tpu.memory_space<vmem>>, vector<16xf32>,
    %add3A_105 = arith.constant 208 : i32
    %add3A_106 = vector.broadcast %add3A_105 : i32 to vector<16xi32>
    %add3A_107 = arith.addi %iota3A, %add3A_106 : vector<16xi32>
    %max3A_108 = arith.maximumf %max3A_102, %get3A_104 : vector<16xf32>
    %get3A_109 = arith.constant 224 : index
    %get3A_110 = tpu.vector_load %arg5[%get3A_109] {strides = array<i32>} : memref<512xf32, #tpu.memory_space<vmem>>, vector<16xf32>,
    %add3A_111 = arith.constant 224 : i32
    %add3A_112 = vector.broadcast %add3A_111 : i32 to vector<16xi32>
    %add3A_113 = arith.addi %iota3A, %add3A_112 : vector<16xi32>
    %max3A_114 = arith.maximumf %max3A_108, %get3A_110 : vector<16xf32>
    %get3A_115 = arith.constant 240 : index
    %get3A_116 = tpu.vector_load %arg5[%get3A_115] {strides = array<i32>} : memref<512xf32, #tpu.memory_space<vmem>>, vector<16xf32>,
    %add3A_117 = arith.constant 240 : i32
    %add3A_118 = vector.broadcast %add3A_117 : i32 to vector<16xi32>
    %add3A_119 = arith.addi %iota3A, %add3A_118 : vector<16xi32>
    %max3A_120 = arith.maximumf %max3A_114, %get3A_116 : vector<16xf32>
    %get3A_121 = arith.constant 256 : index
    %get3A_122 = tpu.vector_load %arg5[%get3A_121] {strides = array<i32>} : memref<512xf32, #tpu.memory_space<vmem>>, vector<16xf32>,
    %add3A_123 = arith.constant 256 : i32
    %add3A_124 = vector.broadcast %add3A_123 : i32 to vector<16xi32>
    %add3A_125 = arith.addi %iota3A, %add3A_124 : vector<16xi32>
    %max3A_126 = arith.maximumf %max3A_120, %get3A_122 : vector<16xf32>
    %get3A_127 = arith.constant 272 : index
    %get3A_128 = tpu.vector_load %arg5[%get3A_127] {strides = array<i32>} : memref<512xf32, #tpu.memory_space<vmem>>, vector<16xf32>,
    %add3A_129 = arith.constant 272 : i32
    %add3A_130 = vector.broadcast %add3A_129 : i32 to vector<16xi32>
    %add3A_131 = arith.addi %iota3A, %add3A_130 : vector<16xi32>
    %max3A_132 = arith.maximumf %max3A_126, %get3A_128 : vector<16xf32>
    %get3A_133 = arith.constant 288 : index
    %get3A_134 = tpu.vector_load %arg5[%get3A_133] {strides = array<i32>} : memref<512xf32, #tpu.memory_space<vmem>>, vector<16xf32>,
    %add3A_135 = arith.constant 288 : i32
    %add3A_136 = vector.broadcast %add3A_135 : i32 to vector<16xi32>
    %add3A_137 = arith.addi %iota3A, %add3A_136 : vector<16xi32>
    %max3A_138 = arith.maximumf %max3A_132, %get3A_134 : vector<16xf32>
    %get3A_139 = arith.constant 304 : index
    %get3A_140 = tpu.vector_load %arg5[%get3A_139] {strides = array<i32>} : memref<512xf32, #tpu.memory_space<vmem>>, vector<16xf32>,
    %add3A_141 = arith.constant 304 : i32
    %add3A_142 = vector.broadcast %add3A_141 : i32 to vector<16xi32>
    %add3A_143 = arith.addi %iota3A, %add3A_142 : vector<16xi32>
    %max3A_144 = arith.maximumf %max3A_138, %get3A_140 : vector<16xf32>
    %get3A_145 = arith.constant 320 : index
    %get3A_146 = tpu.vector_load %arg5[%get3A_145] {strides = array<i32>} : memref<512xf32, #tpu.memory_space<vmem>>, vector<16xf32>,
    %add3A_147 = arith.constant 320 : i32
    %add3A_148 = vector.broadcast %add3A_147 : i32 to vector<16xi32>
    %add3A_149 = arith.addi %iota3A, %add3A_148 : vector<16xi32>
    %max3A_150 = arith.maximumf %max3A_144, %get3A_146 : vector<16xf32>
    %get3A_151 = arith.constant 336 : index
    %get3A_152 = tpu.vector_load %arg5[%get3A_151] {strides = array<i32>} : memref<512xf32, #tpu.memory_space<vmem>>, vector<16xf32>,
    %add3A_153 = arith.constant 336 : i32
    %add3A_154 = vector.broadcast %add3A_153 : i32 to vector<16xi32>
    %add3A_155 = arith.addi %iota3A, %add3A_154 : vector<16xi32>
    %max3A_156 = arith.maximumf %max3A_150, %get3A_152 : vector<16xf32>
    %get3A_157 = arith.constant 352 : index
    %get3A_158 = tpu.vector_load %arg5[%get3A_157] {strides = array<i32>} : memref<512xf32, #tpu.memory_space<vmem>>, vector<16xf32>,
    %add3A_159 = arith.constant 352 : i32
    %add3A_160 = vector.broadcast %add3A_159 : i32 to vector<16xi32>
    %add3A_161 = arith.addi %iota3A, %add3A_160 : vector<16xi32>
    %max3A_162 = arith.maximumf %max3A_156, %get3A_158 : vector<16xf32>
    %get3A_163 = arith.constant 368 : index
    %get3A_164 = tpu.vector_load %arg5[%get3A_163] {strides = array<i32>} : memref<512xf32, #tpu.memory_space<vmem>>, vector<16xf32>,
    %add3A_165 = arith.constant 368 : i32
    %add3A_166 = vector.broadcast %add3A_165 : i32 to vector<16xi32>
    %add3A_167 = arith.addi %iota3A, %add3A_166 : vector<16xi32>
    %max3A_168 = arith.maximumf %max3A_162, %get3A_164 : vector<16xf32>
    %get3A_169 = arith.constant 384 : index
    %get3A_170 = tpu.vector_load %arg5[%get3A_169] {strides = array<i32>} : memref<512xf32, #tpu.memory_space<vmem>>, vector<16xf32>,
    %add3A_171 = arith.constant 384 : i32
    %add3A_172 = vector.broadcast %add3A_171 : i32 to vector<16xi32>
    %add3A_173 = arith.addi %iota3A, %add3A_172 : vector<16xi32>
    %max3A_174 = arith.maximumf %max3A_168, %get3A_170 : vector<16xf32>
    %get3A_175 = arith.constant 400 : index
    %get3A_176 = tpu.vector_load %arg5[%get3A_175] {strides = array<i32>} : memref<512xf32, #tpu.memory_space<vmem>>, vector<16xf32>,
    %add3A_177 = arith.constant 400 : i32
    %add3A_178 = vector.broadcast %add3A_177 : i32 to vector<16xi32>
    %add3A_179 = arith.addi %iota3A, %add3A_178 : vector<16xi32>
    %max3A_180 = arith.maximumf %max3A_174, %get3A_176 : vector<16xf32>
    %get3A_181 = arith.constant 416 : index
    %get3A_182 = tpu.vector_load %arg5[%get3A_181] {strides = array<i32>} : memref<512xf32, #tpu.memory_space<vmem>>, vector<16xf32>,
    %add3A_183 = arith.constant 416 : i32
    %add3A_184 = vector.broadcast %add3A_183 : i32 to vector<16xi32>
    %add3A_185 = arith.addi %iota3A, %add3A_184 : vector<16xi32>
    %max3A_186 = arith.maximumf %max3A_180, %get3A_182 : vector<16xf32>
    %get3A_187 = arith.constant 432 : index
    %get3A_188 = tpu.vector_load %arg5[%get3A_187] {strides = array<i32>} : memref<512xf32, #tpu.memory_space<vmem>>, vector<16xf32>,
    %add3A_189 = arith.constant 432 : i32
    %add3A_190 = vector.broadcast %add3A_189 : i32 to vector<16xi32>
    %add3A_191 = arith.addi %iota3A, %add3A_190 : vector<16xi32>
    %max3A_192 = arith.maximumf %max3A_186, %get3A_188 : vector<16xf32>
    %get3A_193 = arith.constant 448 : index
    %get3A_194 = tpu.vector_load %arg5[%get3A_193] {strides = array<i32>} : memref<512xf32, #tpu.memory_space<vmem>>, vector<16xf32>,
    %add3A_195 = arith.constant 448 : i32
    %add3A_196 = vector.broadcast %add3A_195 : i32 to vector<16xi32>
    %add3A_197 = arith.addi %iota3A, %add3A_196 : vector<16xi32>
    %max3A_198 = arith.maximumf %max3A_192, %get3A_194 : vector<16xf32>
    %get3A_199 = arith.constant 464 : index
    %get3A_200 = tpu.vector_load %arg5[%get3A_199] {strides = array<i32>} : memref<512xf32, #tpu.memory_space<vmem>>, vector<16xf32>,
    %add3A_201 = arith.constant 464 : i32
    %add3A_202 = vector.broadcast %add3A_201 : i32 to vector<16xi32>
    %add3A_203 = arith.addi %iota3A, %add3A_202 : vector<16xi32>
    %max3A_204 = arith.maximumf %max3A_198, %get3A_200 : vector<16xf32>
    %get3A_205 = arith.constant 480 : index
    %get3A_206 = tpu.vector_load %arg5[%get3A_205] {strides = array<i32>} : memref<512xf32, #tpu.memory_space<vmem>>, vector<16xf32>,
    %add3A_207 = arith.constant 480 : i32
    %add3A_208 = vector.broadcast %add3A_207 : i32 to vector<16xi32>
    %add3A_209 = arith.addi %iota3A, %add3A_208 : vector<16xi32>
    %max3A_210 = arith.maximumf %max3A_204, %get3A_206 : vector<16xf32>
    %get3A_211 = arith.constant 496 : index
    %get3A_212 = tpu.vector_load %arg5[%get3A_211] {strides = array<i32>} : memref<512xf32, #tpu.memory_space<vmem>>, vector<16xf32>,
    %add3A_213 = arith.constant 496 : i32
    %add3A_214 = vector.broadcast %add3A_213 : i32 to vector<16xi32>
    %add3A_215 = arith.addi %iota3A, %add3A_214 : vector<16xi32>
    %max3A_216 = arith.maximumf %max3A_210, %get3A_212 : vector<16xf32>
    %iota3A_217 = tpu.iota {dimensions = array<i32: 0>} : vector<16xi32>
    %add3A_218 = arith.constant 1 : i32
    %add3A_219 = vector.broadcast %add3A_218 : i32 to vector<16xi32>
    %add3A_220 = arith.addi %iota3A_217, %add3A_219 : vector<16xi32>
    %ge3A = arith.constant 16 : i32
    %ge3A_221 = vector.broadcast %ge3A : i32 to vector<16xi32>
    %ge3A_222 = arith.cmpi sge, %add3A_220, %ge3A_221 : vector<16xi32>
    %sub3A = arith.constant 16 : i32
    %sub3A_223 = vector.broadcast %sub3A : i32 to vector<16xi32>
    %sub3A_224 = arith.subi %add3A_220, %sub3A_223 : vector<16xi32>
    %select_n3A = arith.select %ge3A_222, %sub3A_224, %add3A_220 : vector<16xi1>, vector<16xi32>
    %lt3A = arith.constant 0 : i32
    %lt3A_225 = vector.broadcast %lt3A : i32 to vector<16xi32>
    %lt3A_226 = arith.cmpi slt, %select_n3A, %lt3A_225 : vector<16xi32>
    %add3A_227 = arith.constant 16 : i32
    %add3A_228 = vector.broadcast %add3A_227 : i32 to vector<16xi32>
    %add3A_229 = arith.addi %select_n3A, %add3A_228 : vector<16xi32>
    %select_n3A_230 = arith.select %lt3A_226, %add3A_229, %select_n3A : vector<16xi1>, vector<16xi32>
    %broadcast_in_dim3A_231 = vector.shape_cast %select_n3A_230 : vector<16xi32> to vector<16x1xi32>
    %gather3A = vector.shape_cast %broadcast_in_dim3A_231 : vector<16x1xi32> to vector<16xi32>
    %gather3A_232 = tpu.dynamic_gather %max3A_216[%gather3A] in [0] : vector<16xf32>, vector<16xi32> -> vector<16xf32>
    %max3A_233 = arith.maximumf %max3A_216, %gather3A_232 : vector<16xf32>
    %iota3A_234 = tpu.iota {dimensions = array<i32: 0>} : vector<16xi32>
    %add3A_235 = arith.constant 2 : i32
    %add3A_236 = vector.broadcast %add3A_235 : i32 to vector<16xi32>
    %add3A_237 = arith.addi %iota3A_234, %add3A_236 : vector<16xi32>
    %ge3A_238 = arith.constant 16 : i32
    %ge3A_239 = vector.broadcast %ge3A_238 : i32 to vector<16xi32>
    %ge3A_240 = arith.cmpi sge, %add3A_237, %ge3A_239 : vector<16xi32>
    %sub3A_241 = arith.constant 16 : i32
    %sub3A_242 = vector.broadcast %sub3A_241 : i32 to vector<16xi32>
    %sub3A_243 = arith.subi %add3A_237, %sub3A_242 : vector<16xi32>
    %select_n3A_244 = arith.select %ge3A_240, %sub3A_243, %add3A_237 : vector<16xi1>, vector<16xi32>
    %lt3A_245 = arith.constant 0 : i32
    %lt3A_246 = vector.broadcast %lt3A_245 : i32 to vector<16xi32>
    %lt3A_247 = arith.cmpi slt, %select_n3A_244, %lt3A_246 : vector<16xi32>
    %add3A_248 = arith.constant 16 : i32
    %add3A_249 = vector.broadcast %add3A_248 : i32 to vector<16xi32>
    %add3A_250 = arith.addi %select_n3A_244, %add3A_249 : vector<16xi32>
    %select_n3A_251 = arith.select %lt3A_247, %add3A_250, %select_n3A_244 : vector<16xi1>, vector<16xi32>
    %broadcast_in_dim3A_252 = vector.shape_cast %select_n3A_251 : vector<16xi32> to vector<16x1xi32>
    %gather3A_253 = vector.shape_cast %broadcast_in_dim3A_252 : vector<16x1xi32> to vector<16xi32>
    %gather3A_254 = tpu.dynamic_gather %max3A_233[%gather3A_253] in [0] : vector<16xf32>, vector<16xi32> -> vector<16xf32>
    %max3A_255 = arith.maximumf %max3A_233, %gather3A_254 : vector<16xf32>
    %iota3A_256 = tpu.iota {dimensions = array<i32: 0>} : vector<16xi32>
    %add3A_257 = arith.constant 4 : i32
    %add3A_258 = vector.broadcast %add3A_257 : i32 to vector<16xi32>
    %add3A_259 = arith.addi %iota3A_256, %add3A_258 : vector<16xi32>
    %ge3A_260 = arith.constant 16 : i32
    %ge3A_261 = vector.broadcast %ge3A_260 : i32 to vector<16xi32>
    %ge3A_262 = arith.cmpi sge, %add3A_259, %ge3A_261 : vector<16xi32>
    %sub3A_263 = arith.constant 16 : i32
    %sub3A_264 = vector.broadcast %sub3A_263 : i32 to vector<16xi32>
    %sub3A_265 = arith.subi %add3A_259, %sub3A_264 : vector<16xi32>
    %select_n3A_266 = arith.select %ge3A_262, %sub3A_265, %add3A_259 : vector<16xi1>, vector<16xi32>
    %lt3A_267 = arith.constant 0 : i32
    %lt3A_268 = vector.broadcast %lt3A_267 : i32 to vector<16xi32>
    %lt3A_269 = arith.cmpi slt, %select_n3A_266, %lt3A_268 : vector<16xi32>
    %add3A_270 = arith.constant 16 : i32
    %add3A_271 = vector.broadcast %add3A_270 : i32 to vector<16xi32>
    %add3A_272 = arith.addi %select_n3A_266, %add3A_271 : vector<16xi32>
    %select_n3A_273 = arith.select %lt3A_269, %add3A_272, %select_n3A_266 : vector<16xi1>, vector<16xi32>
    %broadcast_in_dim3A_274 = vector.shape_cast %select_n3A_273 : vector<16xi32> to vector<16x1xi32>
    %gather3A_275 = vector.shape_cast %broadcast_in_dim3A_274 : vector<16x1xi32> to vector<16xi32>
    %gather3A_276 = tpu.dynamic_gather %max3A_255[%gather3A_275] in [0] : vector<16xf32>, vector<16xi32> -> vector<16xf32>
    %max3A_277 = arith.maximumf %max3A_255, %gather3A_276 : vector<16xf32>
    %iota3A_278 = tpu.iota {dimensions = array<i32: 0>} : vector<16xi32>
    %add3A_279 = arith.constant 8 : i32
    %add3A_280 = vector.broadcast %add3A_279 : i32 to vector<16xi32>
    %add3A_281 = arith.addi %iota3A_278, %add3A_280 : vector<16xi32>
    %ge3A_282 = arith.constant 16 : i32
    %ge3A_283 = vector.broadcast %ge3A_282 : i32 to vector<16xi32>
    %ge3A_284 = arith.cmpi sge, %add3A_281, %ge3A_283 : vector<16xi32>
    %sub3A_285 = arith.constant 16 : i32
    %sub3A_286 = vector.broadcast %sub3A_285 : i32 to vector<16xi32>
    %sub3A_287 = arith.subi %add3A_281, %sub3A_286 : vector<16xi32>
    %select_n3A_288 = arith.select %ge3A_284, %sub3A_287, %add3A_281 : vector<16xi1>, vector<16xi32>
    %lt3A_289 = arith.constant 0 : i32
    %lt3A_290 = vector.broadcast %lt3A_289 : i32 to vector<16xi32>
    %lt3A_291 = arith.cmpi slt, %select_n3A_288, %lt3A_290 : vector<16xi32>
    %add3A_292 = arith.constant 16 : i32
    %add3A_293 = vector.broadcast %add3A_292 : i32 to vector<16xi32>
    %add3A_294 = arith.addi %select_n3A_288, %add3A_293 : vector<16xi32>
    %select_n3A_295 = arith.select %lt3A_291, %add3A_294, %select_n3A_288 : vector<16xi1>, vector<16xi32>
    %broadcast_in_dim3A_296 = vector.shape_cast %select_n3A_295 : vector<16xi32> to vector<16x1xi32>
    %gather3A_297 = vector.shape_cast %broadcast_in_dim3A_296 : vector<16x1xi32> to vector<16xi32>
    %gather3A_298 = tpu.dynamic_gather %max3A_277[%gather3A_297] in [0] : vector<16xf32>, vector<16xi32> -> vector<16xf32>
    %max3A_299 = arith.maximumf %max3A_277, %gather3A_298 : vector<16xf32>
    %broadcast_in_dim3A_300 = arith.constant 512 : i32
    %broadcast_in_dim3A_301 = vector.broadcast %broadcast_in_dim3A_300 : i32 to vector<16xi32>
    %get3A_302 = arith.constant 0 : index
    %get3A_303 = tpu.vector_load %arg5[%get3A_302] {strides = array<i32>} : memref<512xf32, #tpu.memory_space<vmem>>, vector<16xf32>,
    %add3A_304 = arith.constant 0 : i32
    %add3A_305 = vector.broadcast %add3A_304 : i32 to vector<16xi32>
    %add3A_306 = arith.addi %iota3A, %add3A_305 : vector<16xi32>
    %eq3A = arith.cmpf oeq, %get3A_303, %max3A_299 : vector<16xf32>
    %jit3A = arith.constant 512 : i32
    %broadcast_in_dim3A_307 = vector.broadcast %jit3A : i32 to vector<16xi32>
    %select_n3A_308 = arith.select %eq3A, %add3A_306, %broadcast_in_dim3A_307 : vector<16xi1>, vector<16xi32>
    %min3A = arith.minsi %broadcast_in_dim3A_301, %select_n3A_308 : vector<16xi32>
    %get3A_309 = arith.constant 16 : index
    %get3A_310 = tpu.vector_load %arg5[%get3A_309] {strides = array<i32>} : memref<512xf32, #tpu.memory_space<vmem>>, vector<16xf32>,
    %add3A_311 = arith.constant 16 : i32
    %add3A_312 = vector.broadcast %add3A_311 : i32 to vector<16xi32>
    %add3A_313 = arith.addi %iota3A, %add3A_312 : vector<16xi32>
    %eq3A_314 = arith.cmpf oeq, %get3A_310, %max3A_299 : vector<16xf32>
    %jit3A_315 = arith.constant 512 : i32
    %broadcast_in_dim3A_316 = vector.broadcast %jit3A_315 : i32 to vector<16xi32>
    %select_n3A_317 = arith.select %eq3A_314, %add3A_313, %broadcast_in_dim3A_316 : vector<16xi1>, vector<16xi32>
    %min3A_318 = arith.minsi %min3A, %select_n3A_317 : vector<16xi32>
    %get3A_319 = arith.constant 32 : index
    %get3A_320 = tpu.vector_load %arg5[%get3A_319] {strides = array<i32>} : memref<512xf32, #tpu.memory_space<vmem>>, vector<16xf32>,
    %add3A_321 = arith.constant 32 : i32
    %add3A_322 = vector.broadcast %add3A_321 : i32 to vector<16xi32>
    %add3A_323 = arith.addi %iota3A, %add3A_322 : vector<16xi32>
    %eq3A_324 = arith.cmpf oeq, %get3A_320, %max3A_299 : vector<16xf32>
    %jit3A_325 = arith.constant 512 : i32
    %broadcast_in_dim3A_326 = vector.broadcast %jit3A_325 : i32 to vector<16xi32>
    %select_n3A_327 = arith.select %eq3A_324, %add3A_323, %broadcast_in_dim3A_326 : vector<16xi1>, vector<16xi32>
    %min3A_328 = arith.minsi %min3A_318, %select_n3A_327 : vector<16xi32>
    %get3A_329 = arith.constant 48 : index
    %get3A_330 = tpu.vector_load %arg5[%get3A_329] {strides = array<i32>} : memref<512xf32, #tpu.memory_space<vmem>>, vector<16xf32>,
    %add3A_331 = arith.constant 48 : i32
    %add3A_332 = vector.broadcast %add3A_331 : i32 to vector<16xi32>
    %add3A_333 = arith.addi %iota3A, %add3A_332 : vector<16xi32>
    %eq3A_334 = arith.cmpf oeq, %get3A_330, %max3A_299 : vector<16xf32>
    %jit3A_335 = arith.constant 512 : i32
    %broadcast_in_dim3A_336 = vector.broadcast %jit3A_335 : i32 to vector<16xi32>
    %select_n3A_337 = arith.select %eq3A_334, %add3A_333, %broadcast_in_dim3A_336 : vector<16xi1>, vector<16xi32>
    %min3A_338 = arith.minsi %min3A_328, %select_n3A_337 : vector<16xi32>
    %get3A_339 = arith.constant 64 : index
    %get3A_340 = tpu.vector_load %arg5[%get3A_339] {strides = array<i32>} : memref<512xf32, #tpu.memory_space<vmem>>, vector<16xf32>,
    %add3A_341 = arith.constant 64 : i32
    %add3A_342 = vector.broadcast %add3A_341 : i32 to vector<16xi32>
    %add3A_343 = arith.addi %iota3A, %add3A_342 : vector<16xi32>
    %eq3A_344 = arith.cmpf oeq, %get3A_340, %max3A_299 : vector<16xf32>
    %jit3A_345 = arith.constant 512 : i32
    %broadcast_in_dim3A_346 = vector.broadcast %jit3A_345 : i32 to vector<16xi32>
    %select_n3A_347 = arith.select %eq3A_344, %add3A_343, %broadcast_in_dim3A_346 : vector<16xi1>, vector<16xi32>
    %min3A_348 = arith.minsi %min3A_338, %select_n3A_347 : vector<16xi32>
    %get3A_349 = arith.constant 80 : index
    %get3A_350 = tpu.vector_load %arg5[%get3A_349] {strides = array<i32>} : memref<512xf32, #tpu.memory_space<vmem>>, vector<16xf32>,
    %add3A_351 = arith.constant 80 : i32
    %add3A_352 = vector.broadcast %add3A_351 : i32 to vector<16xi32>
    %add3A_353 = arith.addi %iota3A, %add3A_352 : vector<16xi32>
    %eq3A_354 = arith.cmpf oeq, %get3A_350, %max3A_299 : vector<16xf32>
    %jit3A_355 = arith.constant 512 : i32
    %broadcast_in_dim3A_356 = vector.broadcast %jit3A_355 : i32 to vector<16xi32>
    %select_n3A_357 = arith.select %eq3A_354, %add3A_353, %broadcast_in_dim3A_356 : vector<16xi1>, vector<16xi32>
    %min3A_358 = arith.minsi %min3A_348, %select_n3A_357 : vector<16xi32>
    %get3A_359 = arith.constant 96 : index
    %get3A_360 = tpu.vector_load %arg5[%get3A_359] {strides = array<i32>} : memref<512xf32, #tpu.memory_space<vmem>>, vector<16xf32>,
    %add3A_361 = arith.constant 96 : i32
    %add3A_362 = vector.broadcast %add3A_361 : i32 to vector<16xi32>
    %add3A_363 = arith.addi %iota3A, %add3A_362 : vector<16xi32>
    %eq3A_364 = arith.cmpf oeq, %get3A_360, %max3A_299 : vector<16xf32>
    %jit3A_365 = arith.constant 512 : i32
    %broadcast_in_dim3A_366 = vector.broadcast %jit3A_365 : i32 to vector<16xi32>
    %select_n3A_367 = arith.select %eq3A_364, %add3A_363, %broadcast_in_dim3A_366 : vector<16xi1>, vector<16xi32>
    %min3A_368 = arith.minsi %min3A_358, %select_n3A_367 : vector<16xi32>
    %get3A_369 = arith.constant 112 : index
    %get3A_370 = tpu.vector_load %arg5[%get3A_369] {strides = array<i32>} : memref<512xf32, #tpu.memory_space<vmem>>, vector<16xf32>,
    %add3A_371 = arith.constant 112 : i32
    %add3A_372 = vector.broadcast %add3A_371 : i32 to vector<16xi32>
    %add3A_373 = arith.addi %iota3A, %add3A_372 : vector<16xi32>
    %eq3A_374 = arith.cmpf oeq, %get3A_370, %max3A_299 : vector<16xf32>
    %jit3A_375 = arith.constant 512 : i32
    %broadcast_in_dim3A_376 = vector.broadcast %jit3A_375 : i32 to vector<16xi32>
    %select_n3A_377 = arith.select %eq3A_374, %add3A_373, %broadcast_in_dim3A_376 : vector<16xi1>, vector<16xi32>
    %min3A_378 = arith.minsi %min3A_368, %select_n3A_377 : vector<16xi32>
    %get3A_379 = arith.constant 128 : index
    %get3A_380 = tpu.vector_load %arg5[%get3A_379] {strides = array<i32>} : memref<512xf32, #tpu.memory_space<vmem>>, vector<16xf32>,
    %add3A_381 = arith.constant 128 : i32
    %add3A_382 = vector.broadcast %add3A_381 : i32 to vector<16xi32>
    %add3A_383 = arith.addi %iota3A, %add3A_382 : vector<16xi32>
    %eq3A_384 = arith.cmpf oeq, %get3A_380, %max3A_299 : vector<16xf32>
    %jit3A_385 = arith.constant 512 : i32
    %broadcast_in_dim3A_386 = vector.broadcast %jit3A_385 : i32 to vector<16xi32>
    %select_n3A_387 = arith.select %eq3A_384, %add3A_383, %broadcast_in_dim3A_386 : vector<16xi1>, vector<16xi32>
    %min3A_388 = arith.minsi %min3A_378, %select_n3A_387 : vector<16xi32>
    %get3A_389 = arith.constant 144 : index
    %get3A_390 = tpu.vector_load %arg5[%get3A_389] {strides = array<i32>} : memref<512xf32, #tpu.memory_space<vmem>>, vector<16xf32>,
    %add3A_391 = arith.constant 144 : i32
    %add3A_392 = vector.broadcast %add3A_391 : i32 to vector<16xi32>
    %add3A_393 = arith.addi %iota3A, %add3A_392 : vector<16xi32>
    %eq3A_394 = arith.cmpf oeq, %get3A_390, %max3A_299 : vector<16xf32>
    %jit3A_395 = arith.constant 512 : i32
    %broadcast_in_dim3A_396 = vector.broadcast %jit3A_395 : i32 to vector<16xi32>
    %select_n3A_397 = arith.select %eq3A_394, %add3A_393, %broadcast_in_dim3A_396 : vector<16xi1>, vector<16xi32>
    %min3A_398 = arith.minsi %min3A_388, %select_n3A_397 : vector<16xi32>
    %get3A_399 = arith.constant 160 : index
    %get3A_400 = tpu.vector_load %arg5[%get3A_399] {strides = array<i32>} : memref<512xf32, #tpu.memory_space<vmem>>, vector<16xf32>,
    %add3A_401 = arith.constant 160 : i32
    %add3A_402 = vector.broadcast %add3A_401 : i32 to vector<16xi32>
    %add3A_403 = arith.addi %iota3A, %add3A_402 : vector<16xi32>
    %eq3A_404 = arith.cmpf oeq, %get3A_400, %max3A_299 : vector<16xf32>
    %jit3A_405 = arith.constant 512 : i32
    %broadcast_in_dim3A_406 = vector.broadcast %jit3A_405 : i32 to vector<16xi32>
    %select_n3A_407 = arith.select %eq3A_404, %add3A_403, %broadcast_in_dim3A_406 : vector<16xi1>, vector<16xi32>
    %min3A_408 = arith.minsi %min3A_398, %select_n3A_407 : vector<16xi32>
    %get3A_409 = arith.constant 176 : index
    %get3A_410 = tpu.vector_load %arg5[%get3A_409] {strides = array<i32>} : memref<512xf32, #tpu.memory_space<vmem>>, vector<16xf32>,
    %add3A_411 = arith.constant 176 : i32
    %add3A_412 = vector.broadcast %add3A_411 : i32 to vector<16xi32>
    %add3A_413 = arith.addi %iota3A, %add3A_412 : vector<16xi32>
    %eq3A_414 = arith.cmpf oeq, %get3A_410, %max3A_299 : vector<16xf32>
    %jit3A_415 = arith.constant 512 : i32
    %broadcast_in_dim3A_416 = vector.broadcast %jit3A_415 : i32 to vector<16xi32>
    %select_n3A_417 = arith.select %eq3A_414, %add3A_413, %broadcast_in_dim3A_416 : vector<16xi1>, vector<16xi32>
    %min3A_418 = arith.minsi %min3A_408, %select_n3A_417 : vector<16xi32>
    %get3A_419 = arith.constant 192 : index
    %get3A_420 = tpu.vector_load %arg5[%get3A_419] {strides = array<i32>} : memref<512xf32, #tpu.memory_space<vmem>>, vector<16xf32>,
    %add3A_421 = arith.constant 192 : i32
    %add3A_422 = vector.broadcast %add3A_421 : i32 to vector<16xi32>
    %add3A_423 = arith.addi %iota3A, %add3A_422 : vector<16xi32>
    %eq3A_424 = arith.cmpf oeq, %get3A_420, %max3A_299 : vector<16xf32>
    %jit3A_425 = arith.constant 512 : i32
    %broadcast_in_dim3A_426 = vector.broadcast %jit3A_425 : i32 to vector<16xi32>
    %select_n3A_427 = arith.select %eq3A_424, %add3A_423, %broadcast_in_dim3A_426 : vector<16xi1>, vector<16xi32>
    %min3A_428 = arith.minsi %min3A_418, %select_n3A_427 : vector<16xi32>
    %get3A_429 = arith.constant 208 : index
    %get3A_430 = tpu.vector_load %arg5[%get3A_429] {strides = array<i32>} : memref<512xf32, #tpu.memory_space<vmem>>, vector<16xf32>,
    %add3A_431 = arith.constant 208 : i32
    %add3A_432 = vector.broadcast %add3A_431 : i32 to vector<16xi32>
    %add3A_433 = arith.addi %iota3A, %add3A_432 : vector<16xi32>
    %eq3A_434 = arith.cmpf oeq, %get3A_430, %max3A_299 : vector<16xf32>
    %jit3A_435 = arith.constant 512 : i32
    %broadcast_in_dim3A_436 = vector.broadcast %jit3A_435 : i32 to vector<16xi32>
    %select_n3A_437 = arith.select %eq3A_434, %add3A_433, %broadcast_in_dim3A_436 : vector<16xi1>, vector<16xi32>
    %min3A_438 = arith.minsi %min3A_428, %select_n3A_437 : vector<16xi32>
    %get3A_439 = arith.constant 224 : index
    %get3A_440 = tpu.vector_load %arg5[%get3A_439] {strides = array<i32>} : memref<512xf32, #tpu.memory_space<vmem>>, vector<16xf32>,
    %add3A_441 = arith.constant 224 : i32
    %add3A_442 = vector.broadcast %add3A_441 : i32 to vector<16xi32>
    %add3A_443 = arith.addi %iota3A, %add3A_442 : vector<16xi32>
    %eq3A_444 = arith.cmpf oeq, %get3A_440, %max3A_299 : vector<16xf32>
    %jit3A_445 = arith.constant 512 : i32
    %broadcast_in_dim3A_446 = vector.broadcast %jit3A_445 : i32 to vector<16xi32>
    %select_n3A_447 = arith.select %eq3A_444, %add3A_443, %broadcast_in_dim3A_446 : vector<16xi1>, vector<16xi32>
    %min3A_448 = arith.minsi %min3A_438, %select_n3A_447 : vector<16xi32>
    %get3A_449 = arith.constant 240 : index
    %get3A_450 = tpu.vector_load %arg5[%get3A_449] {strides = array<i32>} : memref<512xf32, #tpu.memory_space<vmem>>, vector<16xf32>,
    %add3A_451 = arith.constant 240 : i32
    %add3A_452 = vector.broadcast %add3A_451 : i32 to vector<16xi32>
    %add3A_453 = arith.addi %iota3A, %add3A_452 : vector<16xi32>
    %eq3A_454 = arith.cmpf oeq, %get3A_450, %max3A_299 : vector<16xf32>
    %jit3A_455 = arith.constant 512 : i32
    %broadcast_in_dim3A_456 = vector.broadcast %jit3A_455 : i32 to vector<16xi32>
    %select_n3A_457 = arith.select %eq3A_454, %add3A_453, %broadcast_in_dim3A_456 : vector<16xi1>, vector<16xi32>
    %min3A_458 = arith.minsi %min3A_448, %select_n3A_457 : vector<16xi32>
    %get3A_459 = arith.constant 256 : index
    %get3A_460 = tpu.vector_load %arg5[%get3A_459] {strides = array<i32>} : memref<512xf32, #tpu.memory_space<vmem>>, vector<16xf32>,
    %add3A_461 = arith.constant 256 : i32
    %add3A_462 = vector.broadcast %add3A_461 : i32 to vector<16xi32>
    %add3A_463 = arith.addi %iota3A, %add3A_462 : vector<16xi32>
    %eq3A_464 = arith.cmpf oeq, %get3A_460, %max3A_299 : vector<16xf32>
    %jit3A_465 = arith.constant 512 : i32
    %broadcast_in_dim3A_466 = vector.broadcast %jit3A_465 : i32 to vector<16xi32>
    %select_n3A_467 = arith.select %eq3A_464, %add3A_463, %broadcast_in_dim3A_466 : vector<16xi1>, vector<16xi32>
    %min3A_468 = arith.minsi %min3A_458, %select_n3A_467 : vector<16xi32>
    %get3A_469 = arith.constant 272 : index
    %get3A_470 = tpu.vector_load %arg5[%get3A_469] {strides = array<i32>} : memref<512xf32, #tpu.memory_space<vmem>>, vector<16xf32>,
    %add3A_471 = arith.constant 272 : i32
    %add3A_472 = vector.broadcast %add3A_471 : i32 to vector<16xi32>
    %add3A_473 = arith.addi %iota3A, %add3A_472 : vector<16xi32>
    %eq3A_474 = arith.cmpf oeq, %get3A_470, %max3A_299 : vector<16xf32>
    %jit3A_475 = arith.constant 512 : i32
    %broadcast_in_dim3A_476 = vector.broadcast %jit3A_475 : i32 to vector<16xi32>
    %select_n3A_477 = arith.select %eq3A_474, %add3A_473, %broadcast_in_dim3A_476 : vector<16xi1>, vector<16xi32>
    %min3A_478 = arith.minsi %min3A_468, %select_n3A_477 : vector<16xi32>
    %get3A_479 = arith.constant 288 : index
    %get3A_480 = tpu.vector_load %arg5[%get3A_479] {strides = array<i32>} : memref<512xf32, #tpu.memory_space<vmem>>, vector<16xf32>,
    %add3A_481 = arith.constant 288 : i32
    %add3A_482 = vector.broadcast %add3A_481 : i32 to vector<16xi32>
    %add3A_483 = arith.addi %iota3A, %add3A_482 : vector<16xi32>
    %eq3A_484 = arith.cmpf oeq, %get3A_480, %max3A_299 : vector<16xf32>
    %jit3A_485 = arith.constant 512 : i32
    %broadcast_in_dim3A_486 = vector.broadcast %jit3A_485 : i32 to vector<16xi32>
    %select_n3A_487 = arith.select %eq3A_484, %add3A_483, %broadcast_in_dim3A_486 : vector<16xi1>, vector<16xi32>
    %min3A_488 = arith.minsi %min3A_478, %select_n3A_487 : vector<16xi32>
    %get3A_489 = arith.constant 304 : index
    %get3A_490 = tpu.vector_load %arg5[%get3A_489] {strides = array<i32>} : memref<512xf32, #tpu.memory_space<vmem>>, vector<16xf32>,
    %add3A_491 = arith.constant 304 : i32
    %add3A_492 = vector.broadcast %add3A_491 : i32 to vector<16xi32>
    %add3A_493 = arith.addi %iota3A, %add3A_492 : vector<16xi32>
    %eq3A_494 = arith.cmpf oeq, %get3A_490, %max3A_299 : vector<16xf32>
    %jit3A_495 = arith.constant 512 : i32
    %broadcast_in_dim3A_496 = vector.broadcast %jit3A_495 : i32 to vector<16xi32>
    %select_n3A_497 = arith.select %eq3A_494, %add3A_493, %broadcast_in_dim3A_496 : vector<16xi1>, vector<16xi32>
    %min3A_498 = arith.minsi %min3A_488, %select_n3A_497 : vector<16xi32>
    %get3A_499 = arith.constant 320 : index
    %get3A_500 = tpu.vector_load %arg5[%get3A_499] {strides = array<i32>} : memref<512xf32, #tpu.memory_space<vmem>>, vector<16xf32>,
    %add3A_501 = arith.constant 320 : i32
    %add3A_502 = vector.broadcast %add3A_501 : i32 to vector<16xi32>
    %add3A_503 = arith.addi %iota3A, %add3A_502 : vector<16xi32>
    %eq3A_504 = arith.cmpf oeq, %get3A_500, %max3A_299 : vector<16xf32>
    %jit3A_505 = arith.constant 512 : i32
    %broadcast_in_dim3A_506 = vector.broadcast %jit3A_505 : i32 to vector<16xi32>
    %select_n3A_507 = arith.select %eq3A_504, %add3A_503, %broadcast_in_dim3A_506 : vector<16xi1>, vector<16xi32>
    %min3A_508 = arith.minsi %min3A_498, %select_n3A_507 : vector<16xi32>
    %get3A_509 = arith.constant 336 : index
    %get3A_510 = tpu.vector_load %arg5[%get3A_509] {strides = array<i32>} : memref<512xf32, #tpu.memory_space<vmem>>, vector<16xf32>,
    %add3A_511 = arith.constant 336 : i32
    %add3A_512 = vector.broadcast %add3A_511 : i32 to vector<16xi32>
    %add3A_513 = arith.addi %iota3A, %add3A_512 : vector<16xi32>
    %eq3A_514 = arith.cmpf oeq, %get3A_510, %max3A_299 : vector<16xf32>
    %jit3A_515 = arith.constant 512 : i32
    %broadcast_in_dim3A_516 = vector.broadcast %jit3A_515 : i32 to vector<16xi32>
    %select_n3A_517 = arith.select %eq3A_514, %add3A_513, %broadcast_in_dim3A_516 : vector<16xi1>, vector<16xi32>
    %min3A_518 = arith.minsi %min3A_508, %select_n3A_517 : vector<16xi32>
    %get3A_519 = arith.constant 352 : index
    %get3A_520 = tpu.vector_load %arg5[%get3A_519] {strides = array<i32>} : memref<512xf32, #tpu.memory_space<vmem>>, vector<16xf32>,
    %add3A_521 = arith.constant 352 : i32
    %add3A_522 = vector.broadcast %add3A_521 : i32 to vector<16xi32>
    %add3A_523 = arith.addi %iota3A, %add3A_522 : vector<16xi32>
    %eq3A_524 = arith.cmpf oeq, %get3A_520, %max3A_299 : vector<16xf32>
    %jit3A_525 = arith.constant 512 : i32
    %broadcast_in_dim3A_526 = vector.broadcast %jit3A_525 : i32 to vector<16xi32>
    %select_n3A_527 = arith.select %eq3A_524, %add3A_523, %broadcast_in_dim3A_526 : vector<16xi1>, vector<16xi32>
    %min3A_528 = arith.minsi %min3A_518, %select_n3A_527 : vector<16xi32>
    %get3A_529 = arith.constant 368 : index
    %get3A_530 = tpu.vector_load %arg5[%get3A_529] {strides = array<i32>} : memref<512xf32, #tpu.memory_space<vmem>>, vector<16xf32>,
    %add3A_531 = arith.constant 368 : i32
    %add3A_532 = vector.broadcast %add3A_531 : i32 to vector<16xi32>
    %add3A_533 = arith.addi %iota3A, %add3A_532 : vector<16xi32>
    %eq3A_534 = arith.cmpf oeq, %get3A_530, %max3A_299 : vector<16xf32>
    %jit3A_535 = arith.constant 512 : i32
    %broadcast_in_dim3A_536 = vector.broadcast %jit3A_535 : i32 to vector<16xi32>
    %select_n3A_537 = arith.select %eq3A_534, %add3A_533, %broadcast_in_dim3A_536 : vector<16xi1>, vector<16xi32>
    %min3A_538 = arith.minsi %min3A_528, %select_n3A_537 : vector<16xi32>
    %get3A_539 = arith.constant 384 : index
    %get3A_540 = tpu.vector_load %arg5[%get3A_539] {strides = array<i32>} : memref<512xf32, #tpu.memory_space<vmem>>, vector<16xf32>,
    %add3A_541 = arith.constant 384 : i32
    %add3A_542 = vector.broadcast %add3A_541 : i32 to vector<16xi32>
    %add3A_543 = arith.addi %iota3A, %add3A_542 : vector<16xi32>
    %eq3A_544 = arith.cmpf oeq, %get3A_540, %max3A_299 : vector<16xf32>
    %jit3A_545 = arith.constant 512 : i32
    %broadcast_in_dim3A_546 = vector.broadcast %jit3A_545 : i32 to vector<16xi32>
    %select_n3A_547 = arith.select %eq3A_544, %add3A_543, %broadcast_in_dim3A_546 : vector<16xi1>, vector<16xi32>
    %min3A_548 = arith.minsi %min3A_538, %select_n3A_547 : vector<16xi32>
    %get3A_549 = arith.constant 400 : index
    %get3A_550 = tpu.vector_load %arg5[%get3A_549] {strides = array<i32>} : memref<512xf32, #tpu.memory_space<vmem>>, vector<16xf32>,
    %add3A_551 = arith.constant 400 : i32
    %add3A_552 = vector.broadcast %add3A_551 : i32 to vector<16xi32>
    %add3A_553 = arith.addi %iota3A, %add3A_552 : vector<16xi32>
    %eq3A_554 = arith.cmpf oeq, %get3A_550, %max3A_299 : vector<16xf32>
    %jit3A_555 = arith.constant 512 : i32
    %broadcast_in_dim3A_556 = vector.broadcast %jit3A_555 : i32 to vector<16xi32>
    %select_n3A_557 = arith.select %eq3A_554, %add3A_553, %broadcast_in_dim3A_556 : vector<16xi1>, vector<16xi32>
    %min3A_558 = arith.minsi %min3A_548, %select_n3A_557 : vector<16xi32>
    %get3A_559 = arith.constant 416 : index
    %get3A_560 = tpu.vector_load %arg5[%get3A_559] {strides = array<i32>} : memref<512xf32, #tpu.memory_space<vmem>>, vector<16xf32>,
    %add3A_561 = arith.constant 416 : i32
    %add3A_562 = vector.broadcast %add3A_561 : i32 to vector<16xi32>
    %add3A_563 = arith.addi %iota3A, %add3A_562 : vector<16xi32>
    %eq3A_564 = arith.cmpf oeq, %get3A_560, %max3A_299 : vector<16xf32>
    %jit3A_565 = arith.constant 512 : i32
    %broadcast_in_dim3A_566 = vector.broadcast %jit3A_565 : i32 to vector<16xi32>
    %select_n3A_567 = arith.select %eq3A_564, %add3A_563, %broadcast_in_dim3A_566 : vector<16xi1>, vector<16xi32>
    %min3A_568 = arith.minsi %min3A_558, %select_n3A_567 : vector<16xi32>
    %get3A_569 = arith.constant 432 : index
    %get3A_570 = tpu.vector_load %arg5[%get3A_569] {strides = array<i32>} : memref<512xf32, #tpu.memory_space<vmem>>, vector<16xf32>,
    %add3A_571 = arith.constant 432 : i32
    %add3A_572 = vector.broadcast %add3A_571 : i32 to vector<16xi32>
    %add3A_573 = arith.addi %iota3A, %add3A_572 : vector<16xi32>
    %eq3A_574 = arith.cmpf oeq, %get3A_570, %max3A_299 : vector<16xf32>
    %jit3A_575 = arith.constant 512 : i32
    %broadcast_in_dim3A_576 = vector.broadcast %jit3A_575 : i32 to vector<16xi32>
    %select_n3A_577 = arith.select %eq3A_574, %add3A_573, %broadcast_in_dim3A_576 : vector<16xi1>, vector<16xi32>
    %min3A_578 = arith.minsi %min3A_568, %select_n3A_577 : vector<16xi32>
    %get3A_579 = arith.constant 448 : index
    %get3A_580 = tpu.vector_load %arg5[%get3A_579] {strides = array<i32>} : memref<512xf32, #tpu.memory_space<vmem>>, vector<16xf32>,
    %add3A_581 = arith.constant 448 : i32
    %add3A_582 = vector.broadcast %add3A_581 : i32 to vector<16xi32>
    %add3A_583 = arith.addi %iota3A, %add3A_582 : vector<16xi32>
    %eq3A_584 = arith.cmpf oeq, %get3A_580, %max3A_299 : vector<16xf32>
    %jit3A_585 = arith.constant 512 : i32
    %broadcast_in_dim3A_586 = vector.broadcast %jit3A_585 : i32 to vector<16xi32>
    %select_n3A_587 = arith.select %eq3A_584, %add3A_583, %broadcast_in_dim3A_586 : vector<16xi1>, vector<16xi32>
    %min3A_588 = arith.minsi %min3A_578, %select_n3A_587 : vector<16xi32>
    %get3A_589 = arith.constant 464 : index
    %get3A_590 = tpu.vector_load %arg5[%get3A_589] {strides = array<i32>} : memref<512xf32, #tpu.memory_space<vmem>>, vector<16xf32>,
    %add3A_591 = arith.constant 464 : i32
    %add3A_592 = vector.broadcast %add3A_591 : i32 to vector<16xi32>
    %add3A_593 = arith.addi %iota3A, %add3A_592 : vector<16xi32>
    %eq3A_594 = arith.cmpf oeq, %get3A_590, %max3A_299 : vector<16xf32>
    %jit3A_595 = arith.constant 512 : i32
    %broadcast_in_dim3A_596 = vector.broadcast %jit3A_595 : i32 to vector<16xi32>
    %select_n3A_597 = arith.select %eq3A_594, %add3A_593, %broadcast_in_dim3A_596 : vector<16xi1>, vector<16xi32>
    %min3A_598 = arith.minsi %min3A_588, %select_n3A_597 : vector<16xi32>
    %get3A_599 = arith.constant 480 : index
    %get3A_600 = tpu.vector_load %arg5[%get3A_599] {strides = array<i32>} : memref<512xf32, #tpu.memory_space<vmem>>, vector<16xf32>,
    %add3A_601 = arith.constant 480 : i32
    %add3A_602 = vector.broadcast %add3A_601 : i32 to vector<16xi32>
    %add3A_603 = arith.addi %iota3A, %add3A_602 : vector<16xi32>
    %eq3A_604 = arith.cmpf oeq, %get3A_600, %max3A_299 : vector<16xf32>
    %jit3A_605 = arith.constant 512 : i32
    %broadcast_in_dim3A_606 = vector.broadcast %jit3A_605 : i32 to vector<16xi32>
    %select_n3A_607 = arith.select %eq3A_604, %add3A_603, %broadcast_in_dim3A_606 : vector<16xi1>, vector<16xi32>
    %min3A_608 = arith.minsi %min3A_598, %select_n3A_607 : vector<16xi32>
    %get3A_609 = arith.constant 496 : index
    %get3A_610 = tpu.vector_load %arg5[%get3A_609] {strides = array<i32>} : memref<512xf32, #tpu.memory_space<vmem>>, vector<16xf32>,
    %add3A_611 = arith.constant 496 : i32
    %add3A_612 = vector.broadcast %add3A_611 : i32 to vector<16xi32>
    %add3A_613 = arith.addi %iota3A, %add3A_612 : vector<16xi32>
    %eq3A_614 = arith.cmpf oeq, %get3A_610, %max3A_299 : vector<16xf32>
    %jit3A_615 = arith.constant 512 : i32
    %broadcast_in_dim3A_616 = vector.broadcast %jit3A_615 : i32 to vector<16xi32>
    %select_n3A_617 = arith.select %eq3A_614, %add3A_613, %broadcast_in_dim3A_616 : vector<16xi1>, vector<16xi32>
    %min3A_618 = arith.minsi %min3A_608, %select_n3A_617 : vector<16xi32>
    %iota3A_619 = tpu.iota {dimensions = array<i32: 0>} : vector<16xi32>
    %add3A_620 = arith.constant 1 : i32
    %add3A_621 = vector.broadcast %add3A_620 : i32 to vector<16xi32>
    %add3A_622 = arith.addi %iota3A_619, %add3A_621 : vector<16xi32>
    %ge3A_623 = arith.constant 16 : i32
    %ge3A_624 = vector.broadcast %ge3A_623 : i32 to vector<16xi32>
    %ge3A_625 = arith.cmpi sge, %add3A_622, %ge3A_624 : vector<16xi32>
    %sub3A_626 = arith.constant 16 : i32
    %sub3A_627 = vector.broadcast %sub3A_626 : i32 to vector<16xi32>
    %sub3A_628 = arith.subi %add3A_622, %sub3A_627 : vector<16xi32>
    %select_n3A_629 = arith.select %ge3A_625, %sub3A_628, %add3A_622 : vector<16xi1>, vector<16xi32>
    %lt3A_630 = arith.constant 0 : i32
    %lt3A_631 = vector.broadcast %lt3A_630 : i32 to vector<16xi32>
    %lt3A_632 = arith.cmpi slt, %select_n3A_629, %lt3A_631 : vector<16xi32>
    %add3A_633 = arith.constant 16 : i32
    %add3A_634 = vector.broadcast %add3A_633 : i32 to vector<16xi32>
    %add3A_635 = arith.addi %select_n3A_629, %add3A_634 : vector<16xi32>
    %select_n3A_636 = arith.select %lt3A_632, %add3A_635, %select_n3A_629 : vector<16xi1>, vector<16xi32>
    %broadcast_in_dim3A_637 = vector.shape_cast %select_n3A_636 : vector<16xi32> to vector<16x1xi32>
    %gather3A_638 = vector.shape_cast %broadcast_in_dim3A_637 : vector<16x1xi32> to vector<16xi32>
    %gather3A_639 = tpu.dynamic_gather %min3A_618[%gather3A_638] in [0] : vector<16xi32>, vector<16xi32> -> vector<16xi32>
    %min3A_640 = arith.minsi %min3A_618, %gather3A_639 : vector<16xi32>
    %iota3A_641 = tpu.iota {dimensions = array<i32: 0>} : vector<16xi32>
    %add3A_642 = arith.constant 2 : i32
    %add3A_643 = vector.broadcast %add3A_642 : i32 to vector<16xi32>
    %add3A_644 = arith.addi %iota3A_641, %add3A_643 : vector<16xi32>
    %ge3A_645 = arith.constant 16 : i32
    %ge3A_646 = vector.broadcast %ge3A_645 : i32 to vector<16xi32>
    %ge3A_647 = arith.cmpi sge, %add3A_644, %ge3A_646 : vector<16xi32>
    %sub3A_648 = arith.constant 16 : i32
    %sub3A_649 = vector.broadcast %sub3A_648 : i32 to vector<16xi32>
    %sub3A_650 = arith.subi %add3A_644, %sub3A_649 : vector<16xi32>
    %select_n3A_651 = arith.select %ge3A_647, %sub3A_650, %add3A_644 : vector<16xi1>, vector<16xi32>
    %lt3A_652 = arith.constant 0 : i32
    %lt3A_653 = vector.broadcast %lt3A_652 : i32 to vector<16xi32>
    %lt3A_654 = arith.cmpi slt, %select_n3A_651, %lt3A_653 : vector<16xi32>
    %add3A_655 = arith.constant 16 : i32
    %add3A_656 = vector.broadcast %add3A_655 : i32 to vector<16xi32>
    %add3A_657 = arith.addi %select_n3A_651, %add3A_656 : vector<16xi32>
    %select_n3A_658 = arith.select %lt3A_654, %add3A_657, %select_n3A_651 : vector<16xi1>, vector<16xi32>
    %broadcast_in_dim3A_659 = vector.shape_cast %select_n3A_658 : vector<16xi32> to vector<16x1xi32>
    %gather3A_660 = vector.shape_cast %broadcast_in_dim3A_659 : vector<16x1xi32> to vector<16xi32>
    %gather3A_661 = tpu.dynamic_gather %min3A_640[%gather3A_660] in [0] : vector<16xi32>, vector<16xi32> -> vector<16xi32>
    %min3A_662 = arith.minsi %min3A_640, %gather3A_661 : vector<16xi32>
    %iota3A_663 = tpu.iota {dimensions = array<i32: 0>} : vector<16xi32>
    %add3A_664 = arith.constant 4 : i32
    %add3A_665 = vector.broadcast %add3A_664 : i32 to vector<16xi32>
    %add3A_666 = arith.addi %iota3A_663, %add3A_665 : vector<16xi32>
    %ge3A_667 = arith.constant 16 : i32
    %ge3A_668 = vector.broadcast %ge3A_667 : i32 to vector<16xi32>
    %ge3A_669 = arith.cmpi sge, %add3A_666, %ge3A_668 : vector<16xi32>
    %sub3A_670 = arith.constant 16 : i32
    %sub3A_671 = vector.broadcast %sub3A_670 : i32 to vector<16xi32>
    %sub3A_672 = arith.subi %add3A_666, %sub3A_671 : vector<16xi32>
    %select_n3A_673 = arith.select %ge3A_669, %sub3A_672, %add3A_666 : vector<16xi1>, vector<16xi32>
    %lt3A_674 = arith.constant 0 : i32
    %lt3A_675 = vector.broadcast %lt3A_674 : i32 to vector<16xi32>
    %lt3A_676 = arith.cmpi slt, %select_n3A_673, %lt3A_675 : vector<16xi32>
    %add3A_677 = arith.constant 16 : i32
    %add3A_678 = vector.broadcast %add3A_677 : i32 to vector<16xi32>
    %add3A_679 = arith.addi %select_n3A_673, %add3A_678 : vector<16xi32>
    %select_n3A_680 = arith.select %lt3A_676, %add3A_679, %select_n3A_673 : vector<16xi1>, vector<16xi32>
    %broadcast_in_dim3A_681 = vector.shape_cast %select_n3A_680 : vector<16xi32> to vector<16x1xi32>
    %gather3A_682 = vector.shape_cast %broadcast_in_dim3A_681 : vector<16x1xi32> to vector<16xi32>
    %gather3A_683 = tpu.dynamic_gather %min3A_662[%gather3A_682] in [0] : vector<16xi32>, vector<16xi32> -> vector<16xi32>
    %min3A_684 = arith.minsi %min3A_662, %gather3A_683 : vector<16xi32>
    %iota3A_685 = tpu.iota {dimensions = array<i32: 0>} : vector<16xi32>
    %add3A_686 = arith.constant 8 : i32
    %add3A_687 = vector.broadcast %add3A_686 : i32 to vector<16xi32>
    %add3A_688 = arith.addi %iota3A_685, %add3A_687 : vector<16xi32>
    %ge3A_689 = arith.constant 16 : i32
    %ge3A_690 = vector.broadcast %ge3A_689 : i32 to vector<16xi32>
    %ge3A_691 = arith.cmpi sge, %add3A_688, %ge3A_690 : vector<16xi32>
    %sub3A_692 = arith.constant 16 : i32
    %sub3A_693 = vector.broadcast %sub3A_692 : i32 to vector<16xi32>
    %sub3A_694 = arith.subi %add3A_688, %sub3A_693 : vector<16xi32>
    %select_n3A_695 = arith.select %ge3A_691, %sub3A_694, %add3A_688 : vector<16xi1>, vector<16xi32>
    %lt3A_696 = arith.constant 0 : i32
    %lt3A_697 = vector.broadcast %lt3A_696 : i32 to vector<16xi32>
    %lt3A_698 = arith.cmpi slt, %select_n3A_695, %lt3A_697 : vector<16xi32>
    %add3A_699 = arith.constant 16 : i32
    %add3A_700 = vector.broadcast %add3A_699 : i32 to vector<16xi32>
    %add3A_701 = arith.addi %select_n3A_695, %add3A_700 : vector<16xi32>
    %select_n3A_702 = arith.select %lt3A_698, %add3A_701, %select_n3A_695 : vector<16xi1>, vector<16xi32>
    %broadcast_in_dim3A_703 = vector.shape_cast %select_n3A_702 : vector<16xi32> to vector<16x1xi32>
    %gather3A_704 = vector.shape_cast %broadcast_in_dim3A_703 : vector<16x1xi32> to vector<16xi32>
    %gather3A_705 = tpu.dynamic_gather %min3A_684[%gather3A_704] in [0] : vector<16xi32>, vector<16xi32> -> vector<16xi32>
    %min3A_706 = arith.minsi %min3A_684, %gather3A_705 : vector<16xi32>
    %broadcast_in_dim3A_707 = arith.constant -3.40282347E+38 : f32
    %broadcast_in_dim3A_708 = vector.broadcast %broadcast_in_dim3A_707 : f32 to vector<16xf32>
    %get3A_709 = arith.constant 0 : index
    %get3A_710 = tpu.vector_load %arg5[%get3A_709] {strides = array<i32>} : memref<512xf32, #tpu.memory_space<vmem>>, vector<16xf32>,
    %add3A_711 = arith.constant 0 : i32
    %add3A_712 = vector.broadcast %add3A_711 : i32 to vector<16xi32>
    %add3A_713 = arith.addi %iota3A, %add3A_712 : vector<16xi32>
    %eq3A_714 = arith.cmpi eq, %add3A_713, %min3A_706 : vector<16xi32>
    %jit3A_715 = arith.constant -3.40282347E+38 : f32
    %broadcast_in_dim3A_716 = vector.broadcast %jit3A_715 : f32 to vector<16xf32>
    %select_n3A_717 = arith.select %eq3A_714, %broadcast_in_dim3A_716, %get3A_710 : vector<16xi1>, vector<16xf32>
    %max3A_718 = arith.maximumf %broadcast_in_dim3A_708, %select_n3A_717 : vector<16xf32>
    %get3A_719 = arith.constant 16 : index
    %get3A_720 = tpu.vector_load %arg5[%get3A_719] {strides = array<i32>} : memref<512xf32, #tpu.memory_space<vmem>>, vector<16xf32>,
    %add3A_721 = arith.constant 16 : i32
    %add3A_722 = vector.broadcast %add3A_721 : i32 to vector<16xi32>
    %add3A_723 = arith.addi %iota3A, %add3A_722 : vector<16xi32>
    %eq3A_724 = arith.cmpi eq, %add3A_723, %min3A_706 : vector<16xi32>
    %jit3A_725 = arith.constant -3.40282347E+38 : f32
    %broadcast_in_dim3A_726 = vector.broadcast %jit3A_725 : f32 to vector<16xf32>
    %select_n3A_727 = arith.select %eq3A_724, %broadcast_in_dim3A_726, %get3A_720 : vector<16xi1>, vector<16xf32>
    %max3A_728 = arith.maximumf %max3A_718, %select_n3A_727 : vector<16xf32>
    %get3A_729 = arith.constant 32 : index
    %get3A_730 = tpu.vector_load %arg5[%get3A_729] {strides = array<i32>} : memref<512xf32, #tpu.memory_space<vmem>>, vector<16xf32>,
    %add3A_731 = arith.constant 32 : i32
    %add3A_732 = vector.broadcast %add3A_731 : i32 to vector<16xi32>
    %add3A_733 = arith.addi %iota3A, %add3A_732 : vector<16xi32>
    %eq3A_734 = arith.cmpi eq, %add3A_733, %min3A_706 : vector<16xi32>
    %jit3A_735 = arith.constant -3.40282347E+38 : f32
    %broadcast_in_dim3A_736 = vector.broadcast %jit3A_735 : f32 to vector<16xf32>
    %select_n3A_737 = arith.select %eq3A_734, %broadcast_in_dim3A_736, %get3A_730 : vector<16xi1>, vector<16xf32>
    %max3A_738 = arith.maximumf %max3A_728, %select_n3A_737 : vector<16xf32>
    %get3A_739 = arith.constant 48 : index
    %get3A_740 = tpu.vector_load %arg5[%get3A_739] {strides = array<i32>} : memref<512xf32, #tpu.memory_space<vmem>>, vector<16xf32>,
    %add3A_741 = arith.constant 48 : i32
    %add3A_742 = vector.broadcast %add3A_741 : i32 to vector<16xi32>
    %add3A_743 = arith.addi %iota3A, %add3A_742 : vector<16xi32>
    %eq3A_744 = arith.cmpi eq, %add3A_743, %min3A_706 : vector<16xi32>
    %jit3A_745 = arith.constant -3.40282347E+38 : f32
    %broadcast_in_dim3A_746 = vector.broadcast %jit3A_745 : f32 to vector<16xf32>
    %select_n3A_747 = arith.select %eq3A_744, %broadcast_in_dim3A_746, %get3A_740 : vector<16xi1>, vector<16xf32>
    %max3A_748 = arith.maximumf %max3A_738, %select_n3A_747 : vector<16xf32>
    %get3A_749 = arith.constant 64 : index
    %get3A_750 = tpu.vector_load %arg5[%get3A_749] {strides = array<i32>} : memref<512xf32, #tpu.memory_space<vmem>>, vector<16xf32>,
    %add3A_751 = arith.constant 64 : i32
    %add3A_752 = vector.broadcast %add3A_751 : i32 to vector<16xi32>
    %add3A_753 = arith.addi %iota3A, %add3A_752 : vector<16xi32>
    %eq3A_754 = arith.cmpi eq, %add3A_753, %min3A_706 : vector<16xi32>
    %jit3A_755 = arith.constant -3.40282347E+38 : f32
    %broadcast_in_dim3A_756 = vector.broadcast %jit3A_755 : f32 to vector<16xf32>
    %select_n3A_757 = arith.select %eq3A_754, %broadcast_in_dim3A_756, %get3A_750 : vector<16xi1>, vector<16xf32>
    %max3A_758 = arith.maximumf %max3A_748, %select_n3A_757 : vector<16xf32>
    %get3A_759 = arith.constant 80 : index
    %get3A_760 = tpu.vector_load %arg5[%get3A_759] {strides = array<i32>} : memref<512xf32, #tpu.memory_space<vmem>>, vector<16xf32>,
    %add3A_761 = arith.constant 80 : i32
    %add3A_762 = vector.broadcast %add3A_761 : i32 to vector<16xi32>
    %add3A_763 = arith.addi %iota3A, %add3A_762 : vector<16xi32>
    %eq3A_764 = arith.cmpi eq, %add3A_763, %min3A_706 : vector<16xi32>
    %jit3A_765 = arith.constant -3.40282347E+38 : f32
    %broadcast_in_dim3A_766 = vector.broadcast %jit3A_765 : f32 to vector<16xf32>
    %select_n3A_767 = arith.select %eq3A_764, %broadcast_in_dim3A_766, %get3A_760 : vector<16xi1>, vector<16xf32>
    %max3A_768 = arith.maximumf %max3A_758, %select_n3A_767 : vector<16xf32>
    %get3A_769 = arith.constant 96 : index
    %get3A_770 = tpu.vector_load %arg5[%get3A_769] {strides = array<i32>} : memref<512xf32, #tpu.memory_space<vmem>>, vector<16xf32>,
    %add3A_771 = arith.constant 96 : i32
    %add3A_772 = vector.broadcast %add3A_771 : i32 to vector<16xi32>
    %add3A_773 = arith.addi %iota3A, %add3A_772 : vector<16xi32>
    %eq3A_774 = arith.cmpi eq, %add3A_773, %min3A_706 : vector<16xi32>
    %jit3A_775 = arith.constant -3.40282347E+38 : f32
    %broadcast_in_dim3A_776 = vector.broadcast %jit3A_775 : f32 to vector<16xf32>
    %select_n3A_777 = arith.select %eq3A_774, %broadcast_in_dim3A_776, %get3A_770 : vector<16xi1>, vector<16xf32>
    %max3A_778 = arith.maximumf %max3A_768, %select_n3A_777 : vector<16xf32>
    %get3A_779 = arith.constant 112 : index
    %get3A_780 = tpu.vector_load %arg5[%get3A_779] {strides = array<i32>} : memref<512xf32, #tpu.memory_space<vmem>>, vector<16xf32>,
    %add3A_781 = arith.constant 112 : i32
    %add3A_782 = vector.broadcast %add3A_781 : i32 to vector<16xi32>
    %add3A_783 = arith.addi %iota3A, %add3A_782 : vector<16xi32>
    %eq3A_784 = arith.cmpi eq, %add3A_783, %min3A_706 : vector<16xi32>
    %jit3A_785 = arith.constant -3.40282347E+38 : f32
    %broadcast_in_dim3A_786 = vector.broadcast %jit3A_785 : f32 to vector<16xf32>
    %select_n3A_787 = arith.select %eq3A_784, %broadcast_in_dim3A_786, %get3A_780 : vector<16xi1>, vector<16xf32>
    %max3A_788 = arith.maximumf %max3A_778, %select_n3A_787 : vector<16xf32>
    %get3A_789 = arith.constant 128 : index
    %get3A_790 = tpu.vector_load %arg5[%get3A_789] {strides = array<i32>} : memref<512xf32, #tpu.memory_space<vmem>>, vector<16xf32>,
    %add3A_791 = arith.constant 128 : i32
    %add3A_792 = vector.broadcast %add3A_791 : i32 to vector<16xi32>
    %add3A_793 = arith.addi %iota3A, %add3A_792 : vector<16xi32>
    %eq3A_794 = arith.cmpi eq, %add3A_793, %min3A_706 : vector<16xi32>
    %jit3A_795 = arith.constant -3.40282347E+38 : f32
    %broadcast_in_dim3A_796 = vector.broadcast %jit3A_795 : f32 to vector<16xf32>
    %select_n3A_797 = arith.select %eq3A_794, %broadcast_in_dim3A_796, %get3A_790 : vector<16xi1>, vector<16xf32>
    %max3A_798 = arith.maximumf %max3A_788, %select_n3A_797 : vector<16xf32>
    %get3A_799 = arith.constant 144 : index
    %get3A_800 = tpu.vector_load %arg5[%get3A_799] {strides = array<i32>} : memref<512xf32, #tpu.memory_space<vmem>>, vector<16xf32>,
    %add3A_801 = arith.constant 144 : i32
    %add3A_802 = vector.broadcast %add3A_801 : i32 to vector<16xi32>
    %add3A_803 = arith.addi %iota3A, %add3A_802 : vector<16xi32>
    %eq3A_804 = arith.cmpi eq, %add3A_803, %min3A_706 : vector<16xi32>
    %jit3A_805 = arith.constant -3.40282347E+38 : f32
    %broadcast_in_dim3A_806 = vector.broadcast %jit3A_805 : f32 to vector<16xf32>
    %select_n3A_807 = arith.select %eq3A_804, %broadcast_in_dim3A_806, %get3A_800 : vector<16xi1>, vector<16xf32>
    %max3A_808 = arith.maximumf %max3A_798, %select_n3A_807 : vector<16xf32>
    %get3A_809 = arith.constant 160 : index
    %get3A_810 = tpu.vector_load %arg5[%get3A_809] {strides = array<i32>} : memref<512xf32, #tpu.memory_space<vmem>>, vector<16xf32>,
    %add3A_811 = arith.constant 160 : i32
    %add3A_812 = vector.broadcast %add3A_811 : i32 to vector<16xi32>
    %add3A_813 = arith.addi %iota3A, %add3A_812 : vector<16xi32>
    %eq3A_814 = arith.cmpi eq, %add3A_813, %min3A_706 : vector<16xi32>
    %jit3A_815 = arith.constant -3.40282347E+38 : f32
    %broadcast_in_dim3A_816 = vector.broadcast %jit3A_815 : f32 to vector<16xf32>
    %select_n3A_817 = arith.select %eq3A_814, %broadcast_in_dim3A_816, %get3A_810 : vector<16xi1>, vector<16xf32>
    %max3A_818 = arith.maximumf %max3A_808, %select_n3A_817 : vector<16xf32>
    %get3A_819 = arith.constant 176 : index
    %get3A_820 = tpu.vector_load %arg5[%get3A_819] {strides = array<i32>} : memref<512xf32, #tpu.memory_space<vmem>>, vector<16xf32>,
    %add3A_821 = arith.constant 176 : i32
    %add3A_822 = vector.broadcast %add3A_821 : i32 to vector<16xi32>
    %add3A_823 = arith.addi %iota3A, %add3A_822 : vector<16xi32>
    %eq3A_824 = arith.cmpi eq, %add3A_823, %min3A_706 : vector<16xi32>
    %jit3A_825 = arith.constant -3.40282347E+38 : f32
    %broadcast_in_dim3A_826 = vector.broadcast %jit3A_825 : f32 to vector<16xf32>
    %select_n3A_827 = arith.select %eq3A_824, %broadcast_in_dim3A_826, %get3A_820 : vector<16xi1>, vector<16xf32>
    %max3A_828 = arith.maximumf %max3A_818, %select_n3A_827 : vector<16xf32>
    %get3A_829 = arith.constant 192 : index
    %get3A_830 = tpu.vector_load %arg5[%get3A_829] {strides = array<i32>} : memref<512xf32, #tpu.memory_space<vmem>>, vector<16xf32>,
    %add3A_831 = arith.constant 192 : i32
    %add3A_832 = vector.broadcast %add3A_831 : i32 to vector<16xi32>
    %add3A_833 = arith.addi %iota3A, %add3A_832 : vector<16xi32>
    %eq3A_834 = arith.cmpi eq, %add3A_833, %min3A_706 : vector<16xi32>
    %jit3A_835 = arith.constant -3.40282347E+38 : f32
    %broadcast_in_dim3A_836 = vector.broadcast %jit3A_835 : f32 to vector<16xf32>
    %select_n3A_837 = arith.select %eq3A_834, %broadcast_in_dim3A_836, %get3A_830 : vector<16xi1>, vector<16xf32>
    %max3A_838 = arith.maximumf %max3A_828, %select_n3A_837 : vector<16xf32>
    %get3A_839 = arith.constant 208 : index
    %get3A_840 = tpu.vector_load %arg5[%get3A_839] {strides = array<i32>} : memref<512xf32, #tpu.memory_space<vmem>>, vector<16xf32>,
    %add3A_841 = arith.constant 208 : i32
    %add3A_842 = vector.broadcast %add3A_841 : i32 to vector<16xi32>
    %add3A_843 = arith.addi %iota3A, %add3A_842 : vector<16xi32>
    %eq3A_844 = arith.cmpi eq, %add3A_843, %min3A_706 : vector<16xi32>
    %jit3A_845 = arith.constant -3.40282347E+38 : f32
    %broadcast_in_dim3A_846 = vector.broadcast %jit3A_845 : f32 to vector<16xf32>
    %select_n3A_847 = arith.select %eq3A_844, %broadcast_in_dim3A_846, %get3A_840 : vector<16xi1>, vector<16xf32>
    %max3A_848 = arith.maximumf %max3A_838, %select_n3A_847 : vector<16xf32>
    %get3A_849 = arith.constant 224 : index
    %get3A_850 = tpu.vector_load %arg5[%get3A_849] {strides = array<i32>} : memref<512xf32, #tpu.memory_space<vmem>>, vector<16xf32>,
    %add3A_851 = arith.constant 224 : i32
    %add3A_852 = vector.broadcast %add3A_851 : i32 to vector<16xi32>
    %add3A_853 = arith.addi %iota3A, %add3A_852 : vector<16xi32>
    %eq3A_854 = arith.cmpi eq, %add3A_853, %min3A_706 : vector<16xi32>
    %jit3A_855 = arith.constant -3.40282347E+38 : f32
    %broadcast_in_dim3A_856 = vector.broadcast %jit3A_855 : f32 to vector<16xf32>
    %select_n3A_857 = arith.select %eq3A_854, %broadcast_in_dim3A_856, %get3A_850 : vector<16xi1>, vector<16xf32>
    %max3A_858 = arith.maximumf %max3A_848, %select_n3A_857 : vector<16xf32>
    %get3A_859 = arith.constant 240 : index
    %get3A_860 = tpu.vector_load %arg5[%get3A_859] {strides = array<i32>} : memref<512xf32, #tpu.memory_space<vmem>>, vector<16xf32>,
    %add3A_861 = arith.constant 240 : i32
    %add3A_862 = vector.broadcast %add3A_861 : i32 to vector<16xi32>
    %add3A_863 = arith.addi %iota3A, %add3A_862 : vector<16xi32>
    %eq3A_864 = arith.cmpi eq, %add3A_863, %min3A_706 : vector<16xi32>
    %jit3A_865 = arith.constant -3.40282347E+38 : f32
    %broadcast_in_dim3A_866 = vector.broadcast %jit3A_865 : f32 to vector<16xf32>
    %select_n3A_867 = arith.select %eq3A_864, %broadcast_in_dim3A_866, %get3A_860 : vector<16xi1>, vector<16xf32>
    %max3A_868 = arith.maximumf %max3A_858, %select_n3A_867 : vector<16xf32>
    %get3A_869 = arith.constant 256 : index
    %get3A_870 = tpu.vector_load %arg5[%get3A_869] {strides = array<i32>} : memref<512xf32, #tpu.memory_space<vmem>>, vector<16xf32>,
    %add3A_871 = arith.constant 256 : i32
    %add3A_872 = vector.broadcast %add3A_871 : i32 to vector<16xi32>
    %add3A_873 = arith.addi %iota3A, %add3A_872 : vector<16xi32>
    %eq3A_874 = arith.cmpi eq, %add3A_873, %min3A_706 : vector<16xi32>
    %jit3A_875 = arith.constant -3.40282347E+38 : f32
    %broadcast_in_dim3A_876 = vector.broadcast %jit3A_875 : f32 to vector<16xf32>
    %select_n3A_877 = arith.select %eq3A_874, %broadcast_in_dim3A_876, %get3A_870 : vector<16xi1>, vector<16xf32>
    %max3A_878 = arith.maximumf %max3A_868, %select_n3A_877 : vector<16xf32>
    %get3A_879 = arith.constant 272 : index
    %get3A_880 = tpu.vector_load %arg5[%get3A_879] {strides = array<i32>} : memref<512xf32, #tpu.memory_space<vmem>>, vector<16xf32>,
    %add3A_881 = arith.constant 272 : i32
    %add3A_882 = vector.broadcast %add3A_881 : i32 to vector<16xi32>
    %add3A_883 = arith.addi %iota3A, %add3A_882 : vector<16xi32>
    %eq3A_884 = arith.cmpi eq, %add3A_883, %min3A_706 : vector<16xi32>
    %jit3A_885 = arith.constant -3.40282347E+38 : f32
    %broadcast_in_dim3A_886 = vector.broadcast %jit3A_885 : f32 to vector<16xf32>
    %select_n3A_887 = arith.select %eq3A_884, %broadcast_in_dim3A_886, %get3A_880 : vector<16xi1>, vector<16xf32>
    %max3A_888 = arith.maximumf %max3A_878, %select_n3A_887 : vector<16xf32>
    %get3A_889 = arith.constant 288 : index
    %get3A_890 = tpu.vector_load %arg5[%get3A_889] {strides = array<i32>} : memref<512xf32, #tpu.memory_space<vmem>>, vector<16xf32>,
    %add3A_891 = arith.constant 288 : i32
    %add3A_892 = vector.broadcast %add3A_891 : i32 to vector<16xi32>
    %add3A_893 = arith.addi %iota3A, %add3A_892 : vector<16xi32>
    %eq3A_894 = arith.cmpi eq, %add3A_893, %min3A_706 : vector<16xi32>
    %jit3A_895 = arith.constant -3.40282347E+38 : f32
    %broadcast_in_dim3A_896 = vector.broadcast %jit3A_895 : f32 to vector<16xf32>
    %select_n3A_897 = arith.select %eq3A_894, %broadcast_in_dim3A_896, %get3A_890 : vector<16xi1>, vector<16xf32>
    %max3A_898 = arith.maximumf %max3A_888, %select_n3A_897 : vector<16xf32>
    %get3A_899 = arith.constant 304 : index
    %get3A_900 = tpu.vector_load %arg5[%get3A_899] {strides = array<i32>} : memref<512xf32, #tpu.memory_space<vmem>>, vector<16xf32>,
    %add3A_901 = arith.constant 304 : i32
    %add3A_902 = vector.broadcast %add3A_901 : i32 to vector<16xi32>
    %add3A_903 = arith.addi %iota3A, %add3A_902 : vector<16xi32>
    %eq3A_904 = arith.cmpi eq, %add3A_903, %min3A_706 : vector<16xi32>
    %jit3A_905 = arith.constant -3.40282347E+38 : f32
    %broadcast_in_dim3A_906 = vector.broadcast %jit3A_905 : f32 to vector<16xf32>
    %select_n3A_907 = arith.select %eq3A_904, %broadcast_in_dim3A_906, %get3A_900 : vector<16xi1>, vector<16xf32>
    %max3A_908 = arith.maximumf %max3A_898, %select_n3A_907 : vector<16xf32>
    %get3A_909 = arith.constant 320 : index
    %get3A_910 = tpu.vector_load %arg5[%get3A_909] {strides = array<i32>} : memref<512xf32, #tpu.memory_space<vmem>>, vector<16xf32>,
    %add3A_911 = arith.constant 320 : i32
    %add3A_912 = vector.broadcast %add3A_911 : i32 to vector<16xi32>
    %add3A_913 = arith.addi %iota3A, %add3A_912 : vector<16xi32>
    %eq3A_914 = arith.cmpi eq, %add3A_913, %min3A_706 : vector<16xi32>
    %jit3A_915 = arith.constant -3.40282347E+38 : f32
    %broadcast_in_dim3A_916 = vector.broadcast %jit3A_915 : f32 to vector<16xf32>
    %select_n3A_917 = arith.select %eq3A_914, %broadcast_in_dim3A_916, %get3A_910 : vector<16xi1>, vector<16xf32>
    %max3A_918 = arith.maximumf %max3A_908, %select_n3A_917 : vector<16xf32>
    %get3A_919 = arith.constant 336 : index
    %get3A_920 = tpu.vector_load %arg5[%get3A_919] {strides = array<i32>} : memref<512xf32, #tpu.memory_space<vmem>>, vector<16xf32>,
    %add3A_921 = arith.constant 336 : i32
    %add3A_922 = vector.broadcast %add3A_921 : i32 to vector<16xi32>
    %add3A_923 = arith.addi %iota3A, %add3A_922 : vector<16xi32>
    %eq3A_924 = arith.cmpi eq, %add3A_923, %min3A_706 : vector<16xi32>
    %jit3A_925 = arith.constant -3.40282347E+38 : f32
    %broadcast_in_dim3A_926 = vector.broadcast %jit3A_925 : f32 to vector<16xf32>
    %select_n3A_927 = arith.select %eq3A_924, %broadcast_in_dim3A_926, %get3A_920 : vector<16xi1>, vector<16xf32>
    %max3A_928 = arith.maximumf %max3A_918, %select_n3A_927 : vector<16xf32>
    %get3A_929 = arith.constant 352 : index
    %get3A_930 = tpu.vector_load %arg5[%get3A_929] {strides = array<i32>} : memref<512xf32, #tpu.memory_space<vmem>>, vector<16xf32>,
    %add3A_931 = arith.constant 352 : i32
    %add3A_932 = vector.broadcast %add3A_931 : i32 to vector<16xi32>
    %add3A_933 = arith.addi %iota3A, %add3A_932 : vector<16xi32>
    %eq3A_934 = arith.cmpi eq, %add3A_933, %min3A_706 : vector<16xi32>
    %jit3A_935 = arith.constant -3.40282347E+38 : f32
    %broadcast_in_dim3A_936 = vector.broadcast %jit3A_935 : f32 to vector<16xf32>
    %select_n3A_937 = arith.select %eq3A_934, %broadcast_in_dim3A_936, %get3A_930 : vector<16xi1>, vector<16xf32>
    %max3A_938 = arith.maximumf %max3A_928, %select_n3A_937 : vector<16xf32>
    %get3A_939 = arith.constant 368 : index
    %get3A_940 = tpu.vector_load %arg5[%get3A_939] {strides = array<i32>} : memref<512xf32, #tpu.memory_space<vmem>>, vector<16xf32>,
    %add3A_941 = arith.constant 368 : i32
    %add3A_942 = vector.broadcast %add3A_941 : i32 to vector<16xi32>
    %add3A_943 = arith.addi %iota3A, %add3A_942 : vector<16xi32>
    %eq3A_944 = arith.cmpi eq, %add3A_943, %min3A_706 : vector<16xi32>
    %jit3A_945 = arith.constant -3.40282347E+38 : f32
    %broadcast_in_dim3A_946 = vector.broadcast %jit3A_945 : f32 to vector<16xf32>
    %select_n3A_947 = arith.select %eq3A_944, %broadcast_in_dim3A_946, %get3A_940 : vector<16xi1>, vector<16xf32>
    %max3A_948 = arith.maximumf %max3A_938, %select_n3A_947 : vector<16xf32>
    %get3A_949 = arith.constant 384 : index
    %get3A_950 = tpu.vector_load %arg5[%get3A_949] {strides = array<i32>} : memref<512xf32, #tpu.memory_space<vmem>>, vector<16xf32>,
    %add3A_951 = arith.constant 384 : i32
    %add3A_952 = vector.broadcast %add3A_951 : i32 to vector<16xi32>
    %add3A_953 = arith.addi %iota3A, %add3A_952 : vector<16xi32>
    %eq3A_954 = arith.cmpi eq, %add3A_953, %min3A_706 : vector<16xi32>
    %jit3A_955 = arith.constant -3.40282347E+38 : f32
    %broadcast_in_dim3A_956 = vector.broadcast %jit3A_955 : f32 to vector<16xf32>
    %select_n3A_957 = arith.select %eq3A_954, %broadcast_in_dim3A_956, %get3A_950 : vector<16xi1>, vector<16xf32>
    %max3A_958 = arith.maximumf %max3A_948, %select_n3A_957 : vector<16xf32>
    %get3A_959 = arith.constant 400 : index
    %get3A_960 = tpu.vector_load %arg5[%get3A_959] {strides = array<i32>} : memref<512xf32, #tpu.memory_space<vmem>>, vector<16xf32>,
    %add3A_961 = arith.constant 400 : i32
    %add3A_962 = vector.broadcast %add3A_961 : i32 to vector<16xi32>
    %add3A_963 = arith.addi %iota3A, %add3A_962 : vector<16xi32>
    %eq3A_964 = arith.cmpi eq, %add3A_963, %min3A_706 : vector<16xi32>
    %jit3A_965 = arith.constant -3.40282347E+38 : f32
    %broadcast_in_dim3A_966 = vector.broadcast %jit3A_965 : f32 to vector<16xf32>
    %select_n3A_967 = arith.select %eq3A_964, %broadcast_in_dim3A_966, %get3A_960 : vector<16xi1>, vector<16xf32>
    %max3A_968 = arith.maximumf %max3A_958, %select_n3A_967 : vector<16xf32>
    %get3A_969 = arith.constant 416 : index
    %get3A_970 = tpu.vector_load %arg5[%get3A_969] {strides = array<i32>} : memref<512xf32, #tpu.memory_space<vmem>>, vector<16xf32>,
    %add3A_971 = arith.constant 416 : i32
    %add3A_972 = vector.broadcast %add3A_971 : i32 to vector<16xi32>
    %add3A_973 = arith.addi %iota3A, %add3A_972 : vector<16xi32>
    %eq3A_974 = arith.cmpi eq, %add3A_973, %min3A_706 : vector<16xi32>
    %jit3A_975 = arith.constant -3.40282347E+38 : f32
    %broadcast_in_dim3A_976 = vector.broadcast %jit3A_975 : f32 to vector<16xf32>
    %select_n3A_977 = arith.select %eq3A_974, %broadcast_in_dim3A_976, %get3A_970 : vector<16xi1>, vector<16xf32>
    %max3A_978 = arith.maximumf %max3A_968, %select_n3A_977 : vector<16xf32>
    %get3A_979 = arith.constant 432 : index
    %get3A_980 = tpu.vector_load %arg5[%get3A_979] {strides = array<i32>} : memref<512xf32, #tpu.memory_space<vmem>>, vector<16xf32>,
    %add3A_981 = arith.constant 432 : i32
    %add3A_982 = vector.broadcast %add3A_981 : i32 to vector<16xi32>
    %add3A_983 = arith.addi %iota3A, %add3A_982 : vector<16xi32>
    %eq3A_984 = arith.cmpi eq, %add3A_983, %min3A_706 : vector<16xi32>
    %jit3A_985 = arith.constant -3.40282347E+38 : f32
    %broadcast_in_dim3A_986 = vector.broadcast %jit3A_985 : f32 to vector<16xf32>
    %select_n3A_987 = arith.select %eq3A_984, %broadcast_in_dim3A_986, %get3A_980 : vector<16xi1>, vector<16xf32>
    %max3A_988 = arith.maximumf %max3A_978, %select_n3A_987 : vector<16xf32>
    %get3A_989 = arith.constant 448 : index
    %get3A_990 = tpu.vector_load %arg5[%get3A_989] {strides = array<i32>} : memref<512xf32, #tpu.memory_space<vmem>>, vector<16xf32>,
    %add3A_991 = arith.constant 448 : i32
    %add3A_992 = vector.broadcast %add3A_991 : i32 to vector<16xi32>
    %add3A_993 = arith.addi %iota3A, %add3A_992 : vector<16xi32>
    %eq3A_994 = arith.cmpi eq, %add3A_993, %min3A_706 : vector<16xi32>
    %jit3A_995 = arith.constant -3.40282347E+38 : f32
    %broadcast_in_dim3A_996 = vector.broadcast %jit3A_995 : f32 to vector<16xf32>
    %select_n3A_997 = arith.select %eq3A_994, %broadcast_in_dim3A_996, %get3A_990 : vector<16xi1>, vector<16xf32>
    %max3A_998 = arith.maximumf %max3A_988, %select_n3A_997 : vector<16xf32>
    %get3A_999 = arith.constant 464 : index
    %get3A_1000 = tpu.vector_load %arg5[%get3A_999] {strides = array<i32>} : memref<512xf32, #tpu.memory_space<vmem>>, vector<16xf32>,
    %add3A_1001 = arith.constant 464 : i32
    %add3A_1002 = vector.broadcast %add3A_1001 : i32 to vector<16xi32>
    %add3A_1003 = arith.addi %iota3A, %add3A_1002 : vector<16xi32>
    %eq3A_1004 = arith.cmpi eq, %add3A_1003, %min3A_706 : vector<16xi32>
    %jit3A_1005 = arith.constant -3.40282347E+38 : f32
    %broadcast_in_dim3A_1006 = vector.broadcast %jit3A_1005 : f32 to vector<16xf32>
    %select_n3A_1007 = arith.select %eq3A_1004, %broadcast_in_dim3A_1006, %get3A_1000 : vector<16xi1>, vector<16xf32>
    %max3A_1008 = arith.maximumf %max3A_998, %select_n3A_1007 : vector<16xf32>
    %get3A_1009 = arith.constant 480 : index
    %get3A_1010 = tpu.vector_load %arg5[%get3A_1009] {strides = array<i32>} : memref<512xf32, #tpu.memory_space<vmem>>, vector<16xf32>,
    %add3A_1011 = arith.constant 480 : i32
    %add3A_1012 = vector.broadcast %add3A_1011 : i32 to vector<16xi32>
    %add3A_1013 = arith.addi %iota3A, %add3A_1012 : vector<16xi32>
    %eq3A_1014 = arith.cmpi eq, %add3A_1013, %min3A_706 : vector<16xi32>
    %jit3A_1015 = arith.constant -3.40282347E+38 : f32
    %broadcast_in_dim3A_1016 = vector.broadcast %jit3A_1015 : f32 to vector<16xf32>
    %select_n3A_1017 = arith.select %eq3A_1014, %broadcast_in_dim3A_1016, %get3A_1010 : vector<16xi1>, vector<16xf32>
    %max3A_1018 = arith.maximumf %max3A_1008, %select_n3A_1017 : vector<16xf32>
    %get3A_1019 = arith.constant 496 : index
    %get3A_1020 = tpu.vector_load %arg5[%get3A_1019] {strides = array<i32>} : memref<512xf32, #tpu.memory_space<vmem>>, vector<16xf32>,
    %add3A_1021 = arith.constant 496 : i32
    %add3A_1022 = vector.broadcast %add3A_1021 : i32 to vector<16xi32>
    %add3A_1023 = arith.addi %iota3A, %add3A_1022 : vector<16xi32>
    %eq3A_1024 = arith.cmpi eq, %add3A_1023, %min3A_706 : vector<16xi32>
    %jit3A_1025 = arith.constant -3.40282347E+38 : f32
    %broadcast_in_dim3A_1026 = vector.broadcast %jit3A_1025 : f32 to vector<16xf32>
    %select_n3A_1027 = arith.select %eq3A_1024, %broadcast_in_dim3A_1026, %get3A_1020 : vector<16xi1>, vector<16xf32>
    %max3A_1028 = arith.maximumf %max3A_1018, %select_n3A_1027 : vector<16xf32>
    %iota3A_1029 = tpu.iota {dimensions = array<i32: 0>} : vector<16xi32>
    %add3A_1030 = arith.constant 1 : i32
    %add3A_1031 = vector.broadcast %add3A_1030 : i32 to vector<16xi32>
    %add3A_1032 = arith.addi %iota3A_1029, %add3A_1031 : vector<16xi32>
    %ge3A_1033 = arith.constant 16 : i32
    %ge3A_1034 = vector.broadcast %ge3A_1033 : i32 to vector<16xi32>
    %ge3A_1035 = arith.cmpi sge, %add3A_1032, %ge3A_1034 : vector<16xi32>
    %sub3A_1036 = arith.constant 16 : i32
    %sub3A_1037 = vector.broadcast %sub3A_1036 : i32 to vector<16xi32>
    %sub3A_1038 = arith.subi %add3A_1032, %sub3A_1037 : vector<16xi32>
    %select_n3A_1039 = arith.select %ge3A_1035, %sub3A_1038, %add3A_1032 : vector<16xi1>, vector<16xi32>
    %lt3A_1040 = arith.constant 0 : i32
    %lt3A_1041 = vector.broadcast %lt3A_1040 : i32 to vector<16xi32>
    %lt3A_1042 = arith.cmpi slt, %select_n3A_1039, %lt3A_1041 : vector<16xi32>
    %add3A_1043 = arith.constant 16 : i32
    %add3A_1044 = vector.broadcast %add3A_1043 : i32 to vector<16xi32>
    %add3A_1045 = arith.addi %select_n3A_1039, %add3A_1044 : vector<16xi32>
    %select_n3A_1046 = arith.select %lt3A_1042, %add3A_1045, %select_n3A_1039 : vector<16xi1>, vector<16xi32>
    %broadcast_in_dim3A_1047 = vector.shape_cast %select_n3A_1046 : vector<16xi32> to vector<16x1xi32>
    %gather3A_1048 = vector.shape_cast %broadcast_in_dim3A_1047 : vector<16x1xi32> to vector<16xi32>
    %gather3A_1049 = tpu.dynamic_gather %max3A_1028[%gather3A_1048] in [0] : vector<16xf32>, vector<16xi32> -> vector<16xf32>
    %max3A_1050 = arith.maximumf %max3A_1028, %gather3A_1049 : vector<16xf32>
    %iota3A_1051 = tpu.iota {dimensions = array<i32: 0>} : vector<16xi32>
    %add3A_1052 = arith.constant 2 : i32
    %add3A_1053 = vector.broadcast %add3A_1052 : i32 to vector<16xi32>
    %add3A_1054 = arith.addi %iota3A_1051, %add3A_1053 : vector<16xi32>
    %ge3A_1055 = arith.constant 16 : i32
    %ge3A_1056 = vector.broadcast %ge3A_1055 : i32 to vector<16xi32>
    %ge3A_1057 = arith.cmpi sge, %add3A_1054, %ge3A_1056 : vector<16xi32>
    %sub3A_1058 = arith.constant 16 : i32
    %sub3A_1059 = vector.broadcast %sub3A_1058 : i32 to vector<16xi32>
    %sub3A_1060 = arith.subi %add3A_1054, %sub3A_1059 : vector<16xi32>
    %select_n3A_1061 = arith.select %ge3A_1057, %sub3A_1060, %add3A_1054 : vector<16xi1>, vector<16xi32>
    %lt3A_1062 = arith.constant 0 : i32
    %lt3A_1063 = vector.broadcast %lt3A_1062 : i32 to vector<16xi32>
    %lt3A_1064 = arith.cmpi slt, %select_n3A_1061, %lt3A_1063 : vector<16xi32>
    %add3A_1065 = arith.constant 16 : i32
    %add3A_1066 = vector.broadcast %add3A_1065 : i32 to vector<16xi32>
    %add3A_1067 = arith.addi %select_n3A_1061, %add3A_1066 : vector<16xi32>
    %select_n3A_1068 = arith.select %lt3A_1064, %add3A_1067, %select_n3A_1061 : vector<16xi1>, vector<16xi32>
    %broadcast_in_dim3A_1069 = vector.shape_cast %select_n3A_1068 : vector<16xi32> to vector<16x1xi32>
    %gather3A_1070 = vector.shape_cast %broadcast_in_dim3A_1069 : vector<16x1xi32> to vector<16xi32>
    %gather3A_1071 = tpu.dynamic_gather %max3A_1050[%gather3A_1070] in [0] : vector<16xf32>, vector<16xi32> -> vector<16xf32>
    %max3A_1072 = arith.maximumf %max3A_1050, %gather3A_1071 : vector<16xf32>
    %iota3A_1073 = tpu.iota {dimensions = array<i32: 0>} : vector<16xi32>
    %add3A_1074 = arith.constant 4 : i32
    %add3A_1075 = vector.broadcast %add3A_1074 : i32 to vector<16xi32>
    %add3A_1076 = arith.addi %iota3A_1073, %add3A_1075 : vector<16xi32>
    %ge3A_1077 = arith.constant 16 : i32
    %ge3A_1078 = vector.broadcast %ge3A_1077 : i32 to vector<16xi32>
    %ge3A_1079 = arith.cmpi sge, %add3A_1076, %ge3A_1078 : vector<16xi32>
    %sub3A_1080 = arith.constant 16 : i32
    %sub3A_1081 = vector.broadcast %sub3A_1080 : i32 to vector<16xi32>
    %sub3A_1082 = arith.subi %add3A_1076, %sub3A_1081 : vector<16xi32>
    %select_n3A_1083 = arith.select %ge3A_1079, %sub3A_1082, %add3A_1076 : vector<16xi1>, vector<16xi32>
    %lt3A_1084 = arith.constant 0 : i32
    %lt3A_1085 = vector.broadcast %lt3A_1084 : i32 to vector<16xi32>
    %lt3A_1086 = arith.cmpi slt, %select_n3A_1083, %lt3A_1085 : vector<16xi32>
    %add3A_1087 = arith.constant 16 : i32
    %add3A_1088 = vector.broadcast %add3A_1087 : i32 to vector<16xi32>
    %add3A_1089 = arith.addi %select_n3A_1083, %add3A_1088 : vector<16xi32>
    %select_n3A_1090 = arith.select %lt3A_1086, %add3A_1089, %select_n3A_1083 : vector<16xi1>, vector<16xi32>
    %broadcast_in_dim3A_1091 = vector.shape_cast %select_n3A_1090 : vector<16xi32> to vector<16x1xi32>
    %gather3A_1092 = vector.shape_cast %broadcast_in_dim3A_1091 : vector<16x1xi32> to vector<16xi32>
    %gather3A_1093 = tpu.dynamic_gather %max3A_1072[%gather3A_1092] in [0] : vector<16xf32>, vector<16xi32> -> vector<16xf32>
    %max3A_1094 = arith.maximumf %max3A_1072, %gather3A_1093 : vector<16xf32>
    %iota3A_1095 = tpu.iota {dimensions = array<i32: 0>} : vector<16xi32>
    %add3A_1096 = arith.constant 8 : i32
    %add3A_1097 = vector.broadcast %add3A_1096 : i32 to vector<16xi32>
    %add3A_1098 = arith.addi %iota3A_1095, %add3A_1097 : vector<16xi32>
    %ge3A_1099 = arith.constant 16 : i32
    %ge3A_1100 = vector.broadcast %ge3A_1099 : i32 to vector<16xi32>
    %ge3A_1101 = arith.cmpi sge, %add3A_1098, %ge3A_1100 : vector<16xi32>
    %sub3A_1102 = arith.constant 16 : i32
    %sub3A_1103 = vector.broadcast %sub3A_1102 : i32 to vector<16xi32>
    %sub3A_1104 = arith.subi %add3A_1098, %sub3A_1103 : vector<16xi32>
    %select_n3A_1105 = arith.select %ge3A_1101, %sub3A_1104, %add3A_1098 : vector<16xi1>, vector<16xi32>
    %lt3A_1106 = arith.constant 0 : i32
    %lt3A_1107 = vector.broadcast %lt3A_1106 : i32 to vector<16xi32>
    %lt3A_1108 = arith.cmpi slt, %select_n3A_1105, %lt3A_1107 : vector<16xi32>
    %add3A_1109 = arith.constant 16 : i32
    %add3A_1110 = vector.broadcast %add3A_1109 : i32 to vector<16xi32>
    %add3A_1111 = arith.addi %select_n3A_1105, %add3A_1110 : vector<16xi32>
    %select_n3A_1112 = arith.select %lt3A_1108, %add3A_1111, %select_n3A_1105 : vector<16xi1>, vector<16xi32>
    %broadcast_in_dim3A_1113 = vector.shape_cast %select_n3A_1112 : vector<16xi32> to vector<16x1xi32>
    %gather3A_1114 = vector.shape_cast %broadcast_in_dim3A_1113 : vector<16x1xi32> to vector<16xi32>
    %gather3A_1115 = tpu.dynamic_gather %max3A_1094[%gather3A_1114] in [0] : vector<16xf32>, vector<16xi32> -> vector<16xf32>
    %max3A_1116 = arith.maximumf %max3A_1094, %gather3A_1115 : vector<16xf32>
    %broadcast_in_dim3A_1117 = arith.constant 512 : i32
    %broadcast_in_dim3A_1118 = vector.broadcast %broadcast_in_dim3A_1117 : i32 to vector<16xi32>
    %get3A_1119 = arith.constant 0 : index
    %get3A_1120 = tpu.vector_load %arg5[%get3A_1119] {strides = array<i32>} : memref<512xf32, #tpu.memory_space<vmem>>, vector<16xf32>,
    %add3A_1121 = arith.constant 0 : i32
    %add3A_1122 = vector.broadcast %add3A_1121 : i32 to vector<16xi32>
    %add3A_1123 = arith.addi %iota3A, %add3A_1122 : vector<16xi32>
    %eq3A_1124 = arith.cmpi eq, %add3A_1123, %min3A_706 : vector<16xi32>
    %jit3A_1125 = arith.constant -3.40282347E+38 : f32
    %broadcast_in_dim3A_1126 = vector.broadcast %jit3A_1125 : f32 to vector<16xf32>
    %select_n3A_1127 = arith.select %eq3A_1124, %broadcast_in_dim3A_1126, %get3A_1120 : vector<16xi1>, vector<16xf32>
    %eq3A_1128 = arith.cmpf oeq, %select_n3A_1127, %max3A_1116 : vector<16xf32>
    %jit3A_1129 = arith.constant 512 : i32
    %broadcast_in_dim3A_1130 = vector.broadcast %jit3A_1129 : i32 to vector<16xi32>
    %select_n3A_1131 = arith.select %eq3A_1128, %add3A_1123, %broadcast_in_dim3A_1130 : vector<16xi1>, vector<16xi32>
    %min3A_1132 = arith.minsi %broadcast_in_dim3A_1118, %select_n3A_1131 : vector<16xi32>
    %get3A_1133 = arith.constant 16 : index
    %get3A_1134 = tpu.vector_load %arg5[%get3A_1133] {strides = array<i32>} : memref<512xf32, #tpu.memory_space<vmem>>, vector<16xf32>,
    %add3A_1135 = arith.constant 16 : i32
    %add3A_1136 = vector.broadcast %add3A_1135 : i32 to vector<16xi32>
    %add3A_1137 = arith.addi %iota3A, %add3A_1136 : vector<16xi32>
    %eq3A_1138 = arith.cmpi eq, %add3A_1137, %min3A_706 : vector<16xi32>
    %jit3A_1139 = arith.constant -3.40282347E+38 : f32
    %broadcast_in_dim3A_1140 = vector.broadcast %jit3A_1139 : f32 to vector<16xf32>
    %select_n3A_1141 = arith.select %eq3A_1138, %broadcast_in_dim3A_1140, %get3A_1134 : vector<16xi1>, vector<16xf32>
    %eq3A_1142 = arith.cmpf oeq, %select_n3A_1141, %max3A_1116 : vector<16xf32>
    %jit3A_1143 = arith.constant 512 : i32
    %broadcast_in_dim3A_1144 = vector.broadcast %jit3A_1143 : i32 to vector<16xi32>
    %select_n3A_1145 = arith.select %eq3A_1142, %add3A_1137, %broadcast_in_dim3A_1144 : vector<16xi1>, vector<16xi32>
    %min3A_1146 = arith.minsi %min3A_1132, %select_n3A_1145 : vector<16xi32>
    %get3A_1147 = arith.constant 32 : index
    %get3A_1148 = tpu.vector_load %arg5[%get3A_1147] {strides = array<i32>} : memref<512xf32, #tpu.memory_space<vmem>>, vector<16xf32>,
    %add3A_1149 = arith.constant 32 : i32
    %add3A_1150 = vector.broadcast %add3A_1149 : i32 to vector<16xi32>
    %add3A_1151 = arith.addi %iota3A, %add3A_1150 : vector<16xi32>
    %eq3A_1152 = arith.cmpi eq, %add3A_1151, %min3A_706 : vector<16xi32>
    %jit3A_1153 = arith.constant -3.40282347E+38 : f32
    %broadcast_in_dim3A_1154 = vector.broadcast %jit3A_1153 : f32 to vector<16xf32>
    %select_n3A_1155 = arith.select %eq3A_1152, %broadcast_in_dim3A_1154, %get3A_1148 : vector<16xi1>, vector<16xf32>
    %eq3A_1156 = arith.cmpf oeq, %select_n3A_1155, %max3A_1116 : vector<16xf32>
    %jit3A_1157 = arith.constant 512 : i32
    %broadcast_in_dim3A_1158 = vector.broadcast %jit3A_1157 : i32 to vector<16xi32>
    %select_n3A_1159 = arith.select %eq3A_1156, %add3A_1151, %broadcast_in_dim3A_1158 : vector<16xi1>, vector<16xi32>
    %min3A_1160 = arith.minsi %min3A_1146, %select_n3A_1159 : vector<16xi32>
    %get3A_1161 = arith.constant 48 : index
    %get3A_1162 = tpu.vector_load %arg5[%get3A_1161] {strides = array<i32>} : memref<512xf32, #tpu.memory_space<vmem>>, vector<16xf32>,
    %add3A_1163 = arith.constant 48 : i32
    %add3A_1164 = vector.broadcast %add3A_1163 : i32 to vector<16xi32>
    %add3A_1165 = arith.addi %iota3A, %add3A_1164 : vector<16xi32>
    %eq3A_1166 = arith.cmpi eq, %add3A_1165, %min3A_706 : vector<16xi32>
    %jit3A_1167 = arith.constant -3.40282347E+38 : f32
    %broadcast_in_dim3A_1168 = vector.broadcast %jit3A_1167 : f32 to vector<16xf32>
    %select_n3A_1169 = arith.select %eq3A_1166, %broadcast_in_dim3A_1168, %get3A_1162 : vector<16xi1>, vector<16xf32>
    %eq3A_1170 = arith.cmpf oeq, %select_n3A_1169, %max3A_1116 : vector<16xf32>
    %jit3A_1171 = arith.constant 512 : i32
    %broadcast_in_dim3A_1172 = vector.broadcast %jit3A_1171 : i32 to vector<16xi32>
    %select_n3A_1173 = arith.select %eq3A_1170, %add3A_1165, %broadcast_in_dim3A_1172 : vector<16xi1>, vector<16xi32>
    %min3A_1174 = arith.minsi %min3A_1160, %select_n3A_1173 : vector<16xi32>
    %get3A_1175 = arith.constant 64 : index
    %get3A_1176 = tpu.vector_load %arg5[%get3A_1175] {strides = array<i32>} : memref<512xf32, #tpu.memory_space<vmem>>, vector<16xf32>,
    %add3A_1177 = arith.constant 64 : i32
    %add3A_1178 = vector.broadcast %add3A_1177 : i32 to vector<16xi32>
    %add3A_1179 = arith.addi %iota3A, %add3A_1178 : vector<16xi32>
    %eq3A_1180 = arith.cmpi eq, %add3A_1179, %min3A_706 : vector<16xi32>
    %jit3A_1181 = arith.constant -3.40282347E+38 : f32
    %broadcast_in_dim3A_1182 = vector.broadcast %jit3A_1181 : f32 to vector<16xf32>
    %select_n3A_1183 = arith.select %eq3A_1180, %broadcast_in_dim3A_1182, %get3A_1176 : vector<16xi1>, vector<16xf32>
    %eq3A_1184 = arith.cmpf oeq, %select_n3A_1183, %max3A_1116 : vector<16xf32>
    %jit3A_1185 = arith.constant 512 : i32
    %broadcast_in_dim3A_1186 = vector.broadcast %jit3A_1185 : i32 to vector<16xi32>
    %select_n3A_1187 = arith.select %eq3A_1184, %add3A_1179, %broadcast_in_dim3A_1186 : vector<16xi1>, vector<16xi32>
    %min3A_1188 = arith.minsi %min3A_1174, %select_n3A_1187 : vector<16xi32>
    %get3A_1189 = arith.constant 80 : index
    %get3A_1190 = tpu.vector_load %arg5[%get3A_1189] {strides = array<i32>} : memref<512xf32, #tpu.memory_space<vmem>>, vector<16xf32>,
    %add3A_1191 = arith.constant 80 : i32
    %add3A_1192 = vector.broadcast %add3A_1191 : i32 to vector<16xi32>
    %add3A_1193 = arith.addi %iota3A, %add3A_1192 : vector<16xi32>
    %eq3A_1194 = arith.cmpi eq, %add3A_1193, %min3A_706 : vector<16xi32>
    %jit3A_1195 = arith.constant -3.40282347E+38 : f32
    %broadcast_in_dim3A_1196 = vector.broadcast %jit3A_1195 : f32 to vector<16xf32>
    %select_n3A_1197 = arith.select %eq3A_1194, %broadcast_in_dim3A_1196, %get3A_1190 : vector<16xi1>, vector<16xf32>
    %eq3A_1198 = arith.cmpf oeq, %select_n3A_1197, %max3A_1116 : vector<16xf32>
    %jit3A_1199 = arith.constant 512 : i32
    %broadcast_in_dim3A_1200 = vector.broadcast %jit3A_1199 : i32 to vector<16xi32>
    %select_n3A_1201 = arith.select %eq3A_1198, %add3A_1193, %broadcast_in_dim3A_1200 : vector<16xi1>, vector<16xi32>
    %min3A_1202 = arith.minsi %min3A_1188, %select_n3A_1201 : vector<16xi32>
    %get3A_1203 = arith.constant 96 : index
    %get3A_1204 = tpu.vector_load %arg5[%get3A_1203] {strides = array<i32>} : memref<512xf32, #tpu.memory_space<vmem>>, vector<16xf32>,
    %add3A_1205 = arith.constant 96 : i32
    %add3A_1206 = vector.broadcast %add3A_1205 : i32 to vector<16xi32>
    %add3A_1207 = arith.addi %iota3A, %add3A_1206 : vector<16xi32>
    %eq3A_1208 = arith.cmpi eq, %add3A_1207, %min3A_706 : vector<16xi32>
    %jit3A_1209 = arith.constant -3.40282347E+38 : f32
    %broadcast_in_dim3A_1210 = vector.broadcast %jit3A_1209 : f32 to vector<16xf32>
    %select_n3A_1211 = arith.select %eq3A_1208, %broadcast_in_dim3A_1210, %get3A_1204 : vector<16xi1>, vector<16xf32>
    %eq3A_1212 = arith.cmpf oeq, %select_n3A_1211, %max3A_1116 : vector<16xf32>
    %jit3A_1213 = arith.constant 512 : i32
    %broadcast_in_dim3A_1214 = vector.broadcast %jit3A_1213 : i32 to vector<16xi32>
    %select_n3A_1215 = arith.select %eq3A_1212, %add3A_1207, %broadcast_in_dim3A_1214 : vector<16xi1>, vector<16xi32>
    %min3A_1216 = arith.minsi %min3A_1202, %select_n3A_1215 : vector<16xi32>
    %get3A_1217 = arith.constant 112 : index
    %get3A_1218 = tpu.vector_load %arg5[%get3A_1217] {strides = array<i32>} : memref<512xf32, #tpu.memory_space<vmem>>, vector<16xf32>,
    %add3A_1219 = arith.constant 112 : i32
    %add3A_1220 = vector.broadcast %add3A_1219 : i32 to vector<16xi32>
    %add3A_1221 = arith.addi %iota3A, %add3A_1220 : vector<16xi32>
    %eq3A_1222 = arith.cmpi eq, %add3A_1221, %min3A_706 : vector<16xi32>
    %jit3A_1223 = arith.constant -3.40282347E+38 : f32
    %broadcast_in_dim3A_1224 = vector.broadcast %jit3A_1223 : f32 to vector<16xf32>
    %select_n3A_1225 = arith.select %eq3A_1222, %broadcast_in_dim3A_1224, %get3A_1218 : vector<16xi1>, vector<16xf32>
    %eq3A_1226 = arith.cmpf oeq, %select_n3A_1225, %max3A_1116 : vector<16xf32>
    %jit3A_1227 = arith.constant 512 : i32
    %broadcast_in_dim3A_1228 = vector.broadcast %jit3A_1227 : i32 to vector<16xi32>
    %select_n3A_1229 = arith.select %eq3A_1226, %add3A_1221, %broadcast_in_dim3A_1228 : vector<16xi1>, vector<16xi32>
    %min3A_1230 = arith.minsi %min3A_1216, %select_n3A_1229 : vector<16xi32>
    %get3A_1231 = arith.constant 128 : index
    %get3A_1232 = tpu.vector_load %arg5[%get3A_1231] {strides = array<i32>} : memref<512xf32, #tpu.memory_space<vmem>>, vector<16xf32>,
    %add3A_1233 = arith.constant 128 : i32
    %add3A_1234 = vector.broadcast %add3A_1233 : i32 to vector<16xi32>
    %add3A_1235 = arith.addi %iota3A, %add3A_1234 : vector<16xi32>
    %eq3A_1236 = arith.cmpi eq, %add3A_1235, %min3A_706 : vector<16xi32>
    %jit3A_1237 = arith.constant -3.40282347E+38 : f32
    %broadcast_in_dim3A_1238 = vector.broadcast %jit3A_1237 : f32 to vector<16xf32>
    %select_n3A_1239 = arith.select %eq3A_1236, %broadcast_in_dim3A_1238, %get3A_1232 : vector<16xi1>, vector<16xf32>
    %eq3A_1240 = arith.cmpf oeq, %select_n3A_1239, %max3A_1116 : vector<16xf32>
    %jit3A_1241 = arith.constant 512 : i32
    %broadcast_in_dim3A_1242 = vector.broadcast %jit3A_1241 : i32 to vector<16xi32>
    %select_n3A_1243 = arith.select %eq3A_1240, %add3A_1235, %broadcast_in_dim3A_1242 : vector<16xi1>, vector<16xi32>
    %min3A_1244 = arith.minsi %min3A_1230, %select_n3A_1243 : vector<16xi32>
    %get3A_1245 = arith.constant 144 : index
    %get3A_1246 = tpu.vector_load %arg5[%get3A_1245] {strides = array<i32>} : memref<512xf32, #tpu.memory_space<vmem>>, vector<16xf32>,
    %add3A_1247 = arith.constant 144 : i32
    %add3A_1248 = vector.broadcast %add3A_1247 : i32 to vector<16xi32>
    %add3A_1249 = arith.addi %iota3A, %add3A_1248 : vector<16xi32>
    %eq3A_1250 = arith.cmpi eq, %add3A_1249, %min3A_706 : vector<16xi32>
    %jit3A_1251 = arith.constant -3.40282347E+38 : f32
    %broadcast_in_dim3A_1252 = vector.broadcast %jit3A_1251 : f32 to vector<16xf32>
    %select_n3A_1253 = arith.select %eq3A_1250, %broadcast_in_dim3A_1252, %get3A_1246 : vector<16xi1>, vector<16xf32>
    %eq3A_1254 = arith.cmpf oeq, %select_n3A_1253, %max3A_1116 : vector<16xf32>
    %jit3A_1255 = arith.constant 512 : i32
    %broadcast_in_dim3A_1256 = vector.broadcast %jit3A_1255 : i32 to vector<16xi32>
    %select_n3A_1257 = arith.select %eq3A_1254, %add3A_1249, %broadcast_in_dim3A_1256 : vector<16xi1>, vector<16xi32>
    %min3A_1258 = arith.minsi %min3A_1244, %select_n3A_1257 : vector<16xi32>
    %get3A_1259 = arith.constant 160 : index
    %get3A_1260 = tpu.vector_load %arg5[%get3A_1259] {strides = array<i32>} : memref<512xf32, #tpu.memory_space<vmem>>, vector<16xf32>,
    %add3A_1261 = arith.constant 160 : i32
    %add3A_1262 = vector.broadcast %add3A_1261 : i32 to vector<16xi32>
    %add3A_1263 = arith.addi %iota3A, %add3A_1262 : vector<16xi32>
    %eq3A_1264 = arith.cmpi eq, %add3A_1263, %min3A_706 : vector<16xi32>
    %jit3A_1265 = arith.constant -3.40282347E+38 : f32
    %broadcast_in_dim3A_1266 = vector.broadcast %jit3A_1265 : f32 to vector<16xf32>
    %select_n3A_1267 = arith.select %eq3A_1264, %broadcast_in_dim3A_1266, %get3A_1260 : vector<16xi1>, vector<16xf32>
    %eq3A_1268 = arith.cmpf oeq, %select_n3A_1267, %max3A_1116 : vector<16xf32>
    %jit3A_1269 = arith.constant 512 : i32
    %broadcast_in_dim3A_1270 = vector.broadcast %jit3A_1269 : i32 to vector<16xi32>
    %select_n3A_1271 = arith.select %eq3A_1268, %add3A_1263, %broadcast_in_dim3A_1270 : vector<16xi1>, vector<16xi32>
    %min3A_1272 = arith.minsi %min3A_1258, %select_n3A_1271 : vector<16xi32>
    %get3A_1273 = arith.constant 176 : index
    %get3A_1274 = tpu.vector_load %arg5[%get3A_1273] {strides = array<i32>} : memref<512xf32, #tpu.memory_space<vmem>>, vector<16xf32>,
    %add3A_1275 = arith.constant 176 : i32
    %add3A_1276 = vector.broadcast %add3A_1275 : i32 to vector<16xi32>
    %add3A_1277 = arith.addi %iota3A, %add3A_1276 : vector<16xi32>
    %eq3A_1278 = arith.cmpi eq, %add3A_1277, %min3A_706 : vector<16xi32>
    %jit3A_1279 = arith.constant -3.40282347E+38 : f32
    %broadcast_in_dim3A_1280 = vector.broadcast %jit3A_1279 : f32 to vector<16xf32>
    %select_n3A_1281 = arith.select %eq3A_1278, %broadcast_in_dim3A_1280, %get3A_1274 : vector<16xi1>, vector<16xf32>
    %eq3A_1282 = arith.cmpf oeq, %select_n3A_1281, %max3A_1116 : vector<16xf32>
    %jit3A_1283 = arith.constant 512 : i32
    %broadcast_in_dim3A_1284 = vector.broadcast %jit3A_1283 : i32 to vector<16xi32>
    %select_n3A_1285 = arith.select %eq3A_1282, %add3A_1277, %broadcast_in_dim3A_1284 : vector<16xi1>, vector<16xi32>
    %min3A_1286 = arith.minsi %min3A_1272, %select_n3A_1285 : vector<16xi32>
    %get3A_1287 = arith.constant 192 : index
    %get3A_1288 = tpu.vector_load %arg5[%get3A_1287] {strides = array<i32>} : memref<512xf32, #tpu.memory_space<vmem>>, vector<16xf32>,
    %add3A_1289 = arith.constant 192 : i32
    %add3A_1290 = vector.broadcast %add3A_1289 : i32 to vector<16xi32>
    %add3A_1291 = arith.addi %iota3A, %add3A_1290 : vector<16xi32>
    %eq3A_1292 = arith.cmpi eq, %add3A_1291, %min3A_706 : vector<16xi32>
    %jit3A_1293 = arith.constant -3.40282347E+38 : f32
    %broadcast_in_dim3A_1294 = vector.broadcast %jit3A_1293 : f32 to vector<16xf32>
    %select_n3A_1295 = arith.select %eq3A_1292, %broadcast_in_dim3A_1294, %get3A_1288 : vector<16xi1>, vector<16xf32>
    %eq3A_1296 = arith.cmpf oeq, %select_n3A_1295, %max3A_1116 : vector<16xf32>
    %jit3A_1297 = arith.constant 512 : i32
    %broadcast_in_dim3A_1298 = vector.broadcast %jit3A_1297 : i32 to vector<16xi32>
    %select_n3A_1299 = arith.select %eq3A_1296, %add3A_1291, %broadcast_in_dim3A_1298 : vector<16xi1>, vector<16xi32>
    %min3A_1300 = arith.minsi %min3A_1286, %select_n3A_1299 : vector<16xi32>
    %get3A_1301 = arith.constant 208 : index
    %get3A_1302 = tpu.vector_load %arg5[%get3A_1301] {strides = array<i32>} : memref<512xf32, #tpu.memory_space<vmem>>, vector<16xf32>,
    %add3A_1303 = arith.constant 208 : i32
    %add3A_1304 = vector.broadcast %add3A_1303 : i32 to vector<16xi32>
    %add3A_1305 = arith.addi %iota3A, %add3A_1304 : vector<16xi32>
    %eq3A_1306 = arith.cmpi eq, %add3A_1305, %min3A_706 : vector<16xi32>
    %jit3A_1307 = arith.constant -3.40282347E+38 : f32
    %broadcast_in_dim3A_1308 = vector.broadcast %jit3A_1307 : f32 to vector<16xf32>
    %select_n3A_1309 = arith.select %eq3A_1306, %broadcast_in_dim3A_1308, %get3A_1302 : vector<16xi1>, vector<16xf32>
    %eq3A_1310 = arith.cmpf oeq, %select_n3A_1309, %max3A_1116 : vector<16xf32>
    %jit3A_1311 = arith.constant 512 : i32
    %broadcast_in_dim3A_1312 = vector.broadcast %jit3A_1311 : i32 to vector<16xi32>
    %select_n3A_1313 = arith.select %eq3A_1310, %add3A_1305, %broadcast_in_dim3A_1312 : vector<16xi1>, vector<16xi32>
    %min3A_1314 = arith.minsi %min3A_1300, %select_n3A_1313 : vector<16xi32>
    %get3A_1315 = arith.constant 224 : index
    %get3A_1316 = tpu.vector_load %arg5[%get3A_1315] {strides = array<i32>} : memref<512xf32, #tpu.memory_space<vmem>>, vector<16xf32>,
    %add3A_1317 = arith.constant 224 : i32
    %add3A_1318 = vector.broadcast %add3A_1317 : i32 to vector<16xi32>
    %add3A_1319 = arith.addi %iota3A, %add3A_1318 : vector<16xi32>
    %eq3A_1320 = arith.cmpi eq, %add3A_1319, %min3A_706 : vector<16xi32>
    %jit3A_1321 = arith.constant -3.40282347E+38 : f32
    %broadcast_in_dim3A_1322 = vector.broadcast %jit3A_1321 : f32 to vector<16xf32>
    %select_n3A_1323 = arith.select %eq3A_1320, %broadcast_in_dim3A_1322, %get3A_1316 : vector<16xi1>, vector<16xf32>
    %eq3A_1324 = arith.cmpf oeq, %select_n3A_1323, %max3A_1116 : vector<16xf32>
    %jit3A_1325 = arith.constant 512 : i32
    %broadcast_in_dim3A_1326 = vector.broadcast %jit3A_1325 : i32 to vector<16xi32>
    %select_n3A_1327 = arith.select %eq3A_1324, %add3A_1319, %broadcast_in_dim3A_1326 : vector<16xi1>, vector<16xi32>
    %min3A_1328 = arith.minsi %min3A_1314, %select_n3A_1327 : vector<16xi32>
    %get3A_1329 = arith.constant 240 : index
    %get3A_1330 = tpu.vector_load %arg5[%get3A_1329] {strides = array<i32>} : memref<512xf32, #tpu.memory_space<vmem>>, vector<16xf32>,
    %add3A_1331 = arith.constant 240 : i32
    %add3A_1332 = vector.broadcast %add3A_1331 : i32 to vector<16xi32>
    %add3A_1333 = arith.addi %iota3A, %add3A_1332 : vector<16xi32>
    %eq3A_1334 = arith.cmpi eq, %add3A_1333, %min3A_706 : vector<16xi32>
    %jit3A_1335 = arith.constant -3.40282347E+38 : f32
    %broadcast_in_dim3A_1336 = vector.broadcast %jit3A_1335 : f32 to vector<16xf32>
    %select_n3A_1337 = arith.select %eq3A_1334, %broadcast_in_dim3A_1336, %get3A_1330 : vector<16xi1>, vector<16xf32>
    %eq3A_1338 = arith.cmpf oeq, %select_n3A_1337, %max3A_1116 : vector<16xf32>
    %jit3A_1339 = arith.constant 512 : i32
    %broadcast_in_dim3A_1340 = vector.broadcast %jit3A_1339 : i32 to vector<16xi32>
    %select_n3A_1341 = arith.select %eq3A_1338, %add3A_1333, %broadcast_in_dim3A_1340 : vector<16xi1>, vector<16xi32>
    %min3A_1342 = arith.minsi %min3A_1328, %select_n3A_1341 : vector<16xi32>
    %get3A_1343 = arith.constant 256 : index
    %get3A_1344 = tpu.vector_load %arg5[%get3A_1343] {strides = array<i32>} : memref<512xf32, #tpu.memory_space<vmem>>, vector<16xf32>,
    %add3A_1345 = arith.constant 256 : i32
    %add3A_1346 = vector.broadcast %add3A_1345 : i32 to vector<16xi32>
    %add3A_1347 = arith.addi %iota3A, %add3A_1346 : vector<16xi32>
    %eq3A_1348 = arith.cmpi eq, %add3A_1347, %min3A_706 : vector<16xi32>
    %jit3A_1349 = arith.constant -3.40282347E+38 : f32
    %broadcast_in_dim3A_1350 = vector.broadcast %jit3A_1349 : f32 to vector<16xf32>
    %select_n3A_1351 = arith.select %eq3A_1348, %broadcast_in_dim3A_1350, %get3A_1344 : vector<16xi1>, vector<16xf32>
    %eq3A_1352 = arith.cmpf oeq, %select_n3A_1351, %max3A_1116 : vector<16xf32>
    %jit3A_1353 = arith.constant 512 : i32
    %broadcast_in_dim3A_1354 = vector.broadcast %jit3A_1353 : i32 to vector<16xi32>
    %select_n3A_1355 = arith.select %eq3A_1352, %add3A_1347, %broadcast_in_dim3A_1354 : vector<16xi1>, vector<16xi32>
    %min3A_1356 = arith.minsi %min3A_1342, %select_n3A_1355 : vector<16xi32>
    %get3A_1357 = arith.constant 272 : index
    %get3A_1358 = tpu.vector_load %arg5[%get3A_1357] {strides = array<i32>} : memref<512xf32, #tpu.memory_space<vmem>>, vector<16xf32>,
    %add3A_1359 = arith.constant 272 : i32
    %add3A_1360 = vector.broadcast %add3A_1359 : i32 to vector<16xi32>
    %add3A_1361 = arith.addi %iota3A, %add3A_1360 : vector<16xi32>
    %eq3A_1362 = arith.cmpi eq, %add3A_1361, %min3A_706 : vector<16xi32>
    %jit3A_1363 = arith.constant -3.40282347E+38 : f32
    %broadcast_in_dim3A_1364 = vector.broadcast %jit3A_1363 : f32 to vector<16xf32>
    %select_n3A_1365 = arith.select %eq3A_1362, %broadcast_in_dim3A_1364, %get3A_1358 : vector<16xi1>, vector<16xf32>
    %eq3A_1366 = arith.cmpf oeq, %select_n3A_1365, %max3A_1116 : vector<16xf32>
    %jit3A_1367 = arith.constant 512 : i32
    %broadcast_in_dim3A_1368 = vector.broadcast %jit3A_1367 : i32 to vector<16xi32>
    %select_n3A_1369 = arith.select %eq3A_1366, %add3A_1361, %broadcast_in_dim3A_1368 : vector<16xi1>, vector<16xi32>
    %min3A_1370 = arith.minsi %min3A_1356, %select_n3A_1369 : vector<16xi32>
    %get3A_1371 = arith.constant 288 : index
    %get3A_1372 = tpu.vector_load %arg5[%get3A_1371] {strides = array<i32>} : memref<512xf32, #tpu.memory_space<vmem>>, vector<16xf32>,
    %add3A_1373 = arith.constant 288 : i32
    %add3A_1374 = vector.broadcast %add3A_1373 : i32 to vector<16xi32>
    %add3A_1375 = arith.addi %iota3A, %add3A_1374 : vector<16xi32>
    %eq3A_1376 = arith.cmpi eq, %add3A_1375, %min3A_706 : vector<16xi32>
    %jit3A_1377 = arith.constant -3.40282347E+38 : f32
    %broadcast_in_dim3A_1378 = vector.broadcast %jit3A_1377 : f32 to vector<16xf32>
    %select_n3A_1379 = arith.select %eq3A_1376, %broadcast_in_dim3A_1378, %get3A_1372 : vector<16xi1>, vector<16xf32>
    %eq3A_1380 = arith.cmpf oeq, %select_n3A_1379, %max3A_1116 : vector<16xf32>
    %jit3A_1381 = arith.constant 512 : i32
    %broadcast_in_dim3A_1382 = vector.broadcast %jit3A_1381 : i32 to vector<16xi32>
    %select_n3A_1383 = arith.select %eq3A_1380, %add3A_1375, %broadcast_in_dim3A_1382 : vector<16xi1>, vector<16xi32>
    %min3A_1384 = arith.minsi %min3A_1370, %select_n3A_1383 : vector<16xi32>
    %get3A_1385 = arith.constant 304 : index
    %get3A_1386 = tpu.vector_load %arg5[%get3A_1385] {strides = array<i32>} : memref<512xf32, #tpu.memory_space<vmem>>, vector<16xf32>,
    %add3A_1387 = arith.constant 304 : i32
    %add3A_1388 = vector.broadcast %add3A_1387 : i32 to vector<16xi32>
    %add3A_1389 = arith.addi %iota3A, %add3A_1388 : vector<16xi32>
    %eq3A_1390 = arith.cmpi eq, %add3A_1389, %min3A_706 : vector<16xi32>
    %jit3A_1391 = arith.constant -3.40282347E+38 : f32
    %broadcast_in_dim3A_1392 = vector.broadcast %jit3A_1391 : f32 to vector<16xf32>
    %select_n3A_1393 = arith.select %eq3A_1390, %broadcast_in_dim3A_1392, %get3A_1386 : vector<16xi1>, vector<16xf32>
    %eq3A_1394 = arith.cmpf oeq, %select_n3A_1393, %max3A_1116 : vector<16xf32>
    %jit3A_1395 = arith.constant 512 : i32
    %broadcast_in_dim3A_1396 = vector.broadcast %jit3A_1395 : i32 to vector<16xi32>
    %select_n3A_1397 = arith.select %eq3A_1394, %add3A_1389, %broadcast_in_dim3A_1396 : vector<16xi1>, vector<16xi32>
    %min3A_1398 = arith.minsi %min3A_1384, %select_n3A_1397 : vector<16xi32>
    %get3A_1399 = arith.constant 320 : index
    %get3A_1400 = tpu.vector_load %arg5[%get3A_1399] {strides = array<i32>} : memref<512xf32, #tpu.memory_space<vmem>>, vector<16xf32>,
    %add3A_1401 = arith.constant 320 : i32
    %add3A_1402 = vector.broadcast %add3A_1401 : i32 to vector<16xi32>
    %add3A_1403 = arith.addi %iota3A, %add3A_1402 : vector<16xi32>
    %eq3A_1404 = arith.cmpi eq, %add3A_1403, %min3A_706 : vector<16xi32>
    %jit3A_1405 = arith.constant -3.40282347E+38 : f32
    %broadcast_in_dim3A_1406 = vector.broadcast %jit3A_1405 : f32 to vector<16xf32>
    %select_n3A_1407 = arith.select %eq3A_1404, %broadcast_in_dim3A_1406, %get3A_1400 : vector<16xi1>, vector<16xf32>
    %eq3A_1408 = arith.cmpf oeq, %select_n3A_1407, %max3A_1116 : vector<16xf32>
    %jit3A_1409 = arith.constant 512 : i32
    %broadcast_in_dim3A_1410 = vector.broadcast %jit3A_1409 : i32 to vector<16xi32>
    %select_n3A_1411 = arith.select %eq3A_1408, %add3A_1403, %broadcast_in_dim3A_1410 : vector<16xi1>, vector<16xi32>
    %min3A_1412 = arith.minsi %min3A_1398, %select_n3A_1411 : vector<16xi32>
    %get3A_1413 = arith.constant 336 : index
    %get3A_1414 = tpu.vector_load %arg5[%get3A_1413] {strides = array<i32>} : memref<512xf32, #tpu.memory_space<vmem>>, vector<16xf32>,
    %add3A_1415 = arith.constant 336 : i32
    %add3A_1416 = vector.broadcast %add3A_1415 : i32 to vector<16xi32>
    %add3A_1417 = arith.addi %iota3A, %add3A_1416 : vector<16xi32>
    %eq3A_1418 = arith.cmpi eq, %add3A_1417, %min3A_706 : vector<16xi32>
    %jit3A_1419 = arith.constant -3.40282347E+38 : f32
    %broadcast_in_dim3A_1420 = vector.broadcast %jit3A_1419 : f32 to vector<16xf32>
    %select_n3A_1421 = arith.select %eq3A_1418, %broadcast_in_dim3A_1420, %get3A_1414 : vector<16xi1>, vector<16xf32>
    %eq3A_1422 = arith.cmpf oeq, %select_n3A_1421, %max3A_1116 : vector<16xf32>
    %jit3A_1423 = arith.constant 512 : i32
    %broadcast_in_dim3A_1424 = vector.broadcast %jit3A_1423 : i32 to vector<16xi32>
    %select_n3A_1425 = arith.select %eq3A_1422, %add3A_1417, %broadcast_in_dim3A_1424 : vector<16xi1>, vector<16xi32>
    %min3A_1426 = arith.minsi %min3A_1412, %select_n3A_1425 : vector<16xi32>
    %get3A_1427 = arith.constant 352 : index
    %get3A_1428 = tpu.vector_load %arg5[%get3A_1427] {strides = array<i32>} : memref<512xf32, #tpu.memory_space<vmem>>, vector<16xf32>,
    %add3A_1429 = arith.constant 352 : i32
    %add3A_1430 = vector.broadcast %add3A_1429 : i32 to vector<16xi32>
    %add3A_1431 = arith.addi %iota3A, %add3A_1430 : vector<16xi32>
    %eq3A_1432 = arith.cmpi eq, %add3A_1431, %min3A_706 : vector<16xi32>
    %jit3A_1433 = arith.constant -3.40282347E+38 : f32
    %broadcast_in_dim3A_1434 = vector.broadcast %jit3A_1433 : f32 to vector<16xf32>
    %select_n3A_1435 = arith.select %eq3A_1432, %broadcast_in_dim3A_1434, %get3A_1428 : vector<16xi1>, vector<16xf32>
    %eq3A_1436 = arith.cmpf oeq, %select_n3A_1435, %max3A_1116 : vector<16xf32>
    %jit3A_1437 = arith.constant 512 : i32
    %broadcast_in_dim3A_1438 = vector.broadcast %jit3A_1437 : i32 to vector<16xi32>
    %select_n3A_1439 = arith.select %eq3A_1436, %add3A_1431, %broadcast_in_dim3A_1438 : vector<16xi1>, vector<16xi32>
    %min3A_1440 = arith.minsi %min3A_1426, %select_n3A_1439 : vector<16xi32>
    %get3A_1441 = arith.constant 368 : index
    %get3A_1442 = tpu.vector_load %arg5[%get3A_1441] {strides = array<i32>} : memref<512xf32, #tpu.memory_space<vmem>>, vector<16xf32>,
    %add3A_1443 = arith.constant 368 : i32
    %add3A_1444 = vector.broadcast %add3A_1443 : i32 to vector<16xi32>
    %add3A_1445 = arith.addi %iota3A, %add3A_1444 : vector<16xi32>
    %eq3A_1446 = arith.cmpi eq, %add3A_1445, %min3A_706 : vector<16xi32>
    %jit3A_1447 = arith.constant -3.40282347E+38 : f32
    %broadcast_in_dim3A_1448 = vector.broadcast %jit3A_1447 : f32 to vector<16xf32>
    %select_n3A_1449 = arith.select %eq3A_1446, %broadcast_in_dim3A_1448, %get3A_1442 : vector<16xi1>, vector<16xf32>
    %eq3A_1450 = arith.cmpf oeq, %select_n3A_1449, %max3A_1116 : vector<16xf32>
    %jit3A_1451 = arith.constant 512 : i32
    %broadcast_in_dim3A_1452 = vector.broadcast %jit3A_1451 : i32 to vector<16xi32>
    %select_n3A_1453 = arith.select %eq3A_1450, %add3A_1445, %broadcast_in_dim3A_1452 : vector<16xi1>, vector<16xi32>
    %min3A_1454 = arith.minsi %min3A_1440, %select_n3A_1453 : vector<16xi32>
    %get3A_1455 = arith.constant 384 : index
    %get3A_1456 = tpu.vector_load %arg5[%get3A_1455] {strides = array<i32>} : memref<512xf32, #tpu.memory_space<vmem>>, vector<16xf32>,
    %add3A_1457 = arith.constant 384 : i32
    %add3A_1458 = vector.broadcast %add3A_1457 : i32 to vector<16xi32>
    %add3A_1459 = arith.addi %iota3A, %add3A_1458 : vector<16xi32>
    %eq3A_1460 = arith.cmpi eq, %add3A_1459, %min3A_706 : vector<16xi32>
    %jit3A_1461 = arith.constant -3.40282347E+38 : f32
    %broadcast_in_dim3A_1462 = vector.broadcast %jit3A_1461 : f32 to vector<16xf32>
    %select_n3A_1463 = arith.select %eq3A_1460, %broadcast_in_dim3A_1462, %get3A_1456 : vector<16xi1>, vector<16xf32>
    %eq3A_1464 = arith.cmpf oeq, %select_n3A_1463, %max3A_1116 : vector<16xf32>
    %jit3A_1465 = arith.constant 512 : i32
    %broadcast_in_dim3A_1466 = vector.broadcast %jit3A_1465 : i32 to vector<16xi32>
    %select_n3A_1467 = arith.select %eq3A_1464, %add3A_1459, %broadcast_in_dim3A_1466 : vector<16xi1>, vector<16xi32>
    %min3A_1468 = arith.minsi %min3A_1454, %select_n3A_1467 : vector<16xi32>
    %get3A_1469 = arith.constant 400 : index
    %get3A_1470 = tpu.vector_load %arg5[%get3A_1469] {strides = array<i32>} : memref<512xf32, #tpu.memory_space<vmem>>, vector<16xf32>,
    %add3A_1471 = arith.constant 400 : i32
    %add3A_1472 = vector.broadcast %add3A_1471 : i32 to vector<16xi32>
    %add3A_1473 = arith.addi %iota3A, %add3A_1472 : vector<16xi32>
    %eq3A_1474 = arith.cmpi eq, %add3A_1473, %min3A_706 : vector<16xi32>
    %jit3A_1475 = arith.constant -3.40282347E+38 : f32
    %broadcast_in_dim3A_1476 = vector.broadcast %jit3A_1475 : f32 to vector<16xf32>
    %select_n3A_1477 = arith.select %eq3A_1474, %broadcast_in_dim3A_1476, %get3A_1470 : vector<16xi1>, vector<16xf32>
    %eq3A_1478 = arith.cmpf oeq, %select_n3A_1477, %max3A_1116 : vector<16xf32>
    %jit3A_1479 = arith.constant 512 : i32
    %broadcast_in_dim3A_1480 = vector.broadcast %jit3A_1479 : i32 to vector<16xi32>
    %select_n3A_1481 = arith.select %eq3A_1478, %add3A_1473, %broadcast_in_dim3A_1480 : vector<16xi1>, vector<16xi32>
    %min3A_1482 = arith.minsi %min3A_1468, %select_n3A_1481 : vector<16xi32>
    %get3A_1483 = arith.constant 416 : index
    %get3A_1484 = tpu.vector_load %arg5[%get3A_1483] {strides = array<i32>} : memref<512xf32, #tpu.memory_space<vmem>>, vector<16xf32>,
    %add3A_1485 = arith.constant 416 : i32
    %add3A_1486 = vector.broadcast %add3A_1485 : i32 to vector<16xi32>
    %add3A_1487 = arith.addi %iota3A, %add3A_1486 : vector<16xi32>
    %eq3A_1488 = arith.cmpi eq, %add3A_1487, %min3A_706 : vector<16xi32>
    %jit3A_1489 = arith.constant -3.40282347E+38 : f32
    %broadcast_in_dim3A_1490 = vector.broadcast %jit3A_1489 : f32 to vector<16xf32>
    %select_n3A_1491 = arith.select %eq3A_1488, %broadcast_in_dim3A_1490, %get3A_1484 : vector<16xi1>, vector<16xf32>
    %eq3A_1492 = arith.cmpf oeq, %select_n3A_1491, %max3A_1116 : vector<16xf32>
    %jit3A_1493 = arith.constant 512 : i32
    %broadcast_in_dim3A_1494 = vector.broadcast %jit3A_1493 : i32 to vector<16xi32>
    %select_n3A_1495 = arith.select %eq3A_1492, %add3A_1487, %broadcast_in_dim3A_1494 : vector<16xi1>, vector<16xi32>
    %min3A_1496 = arith.minsi %min3A_1482, %select_n3A_1495 : vector<16xi32>
    %get3A_1497 = arith.constant 432 : index
    %get3A_1498 = tpu.vector_load %arg5[%get3A_1497] {strides = array<i32>} : memref<512xf32, #tpu.memory_space<vmem>>, vector<16xf32>,
    %add3A_1499 = arith.constant 432 : i32
    %add3A_1500 = vector.broadcast %add3A_1499 : i32 to vector<16xi32>
    %add3A_1501 = arith.addi %iota3A, %add3A_1500 : vector<16xi32>
    %eq3A_1502 = arith.cmpi eq, %add3A_1501, %min3A_706 : vector<16xi32>
    %jit3A_1503 = arith.constant -3.40282347E+38 : f32
    %broadcast_in_dim3A_1504 = vector.broadcast %jit3A_1503 : f32 to vector<16xf32>
    %select_n3A_1505 = arith.select %eq3A_1502, %broadcast_in_dim3A_1504, %get3A_1498 : vector<16xi1>, vector<16xf32>
    %eq3A_1506 = arith.cmpf oeq, %select_n3A_1505, %max3A_1116 : vector<16xf32>
    %jit3A_1507 = arith.constant 512 : i32
    %broadcast_in_dim3A_1508 = vector.broadcast %jit3A_1507 : i32 to vector<16xi32>
    %select_n3A_1509 = arith.select %eq3A_1506, %add3A_1501, %broadcast_in_dim3A_1508 : vector<16xi1>, vector<16xi32>
    %min3A_1510 = arith.minsi %min3A_1496, %select_n3A_1509 : vector<16xi32>
    %get3A_1511 = arith.constant 448 : index
    %get3A_1512 = tpu.vector_load %arg5[%get3A_1511] {strides = array<i32>} : memref<512xf32, #tpu.memory_space<vmem>>, vector<16xf32>,
    %add3A_1513 = arith.constant 448 : i32
    %add3A_1514 = vector.broadcast %add3A_1513 : i32 to vector<16xi32>
    %add3A_1515 = arith.addi %iota3A, %add3A_1514 : vector<16xi32>
    %eq3A_1516 = arith.cmpi eq, %add3A_1515, %min3A_706 : vector<16xi32>
    %jit3A_1517 = arith.constant -3.40282347E+38 : f32
    %broadcast_in_dim3A_1518 = vector.broadcast %jit3A_1517 : f32 to vector<16xf32>
    %select_n3A_1519 = arith.select %eq3A_1516, %broadcast_in_dim3A_1518, %get3A_1512 : vector<16xi1>, vector<16xf32>
    %eq3A_1520 = arith.cmpf oeq, %select_n3A_1519, %max3A_1116 : vector<16xf32>
    %jit3A_1521 = arith.constant 512 : i32
    %broadcast_in_dim3A_1522 = vector.broadcast %jit3A_1521 : i32 to vector<16xi32>
    %select_n3A_1523 = arith.select %eq3A_1520, %add3A_1515, %broadcast_in_dim3A_1522 : vector<16xi1>, vector<16xi32>
    %min3A_1524 = arith.minsi %min3A_1510, %select_n3A_1523 : vector<16xi32>
    %get3A_1525 = arith.constant 464 : index
    %get3A_1526 = tpu.vector_load %arg5[%get3A_1525] {strides = array<i32>} : memref<512xf32, #tpu.memory_space<vmem>>, vector<16xf32>,
    %add3A_1527 = arith.constant 464 : i32
    %add3A_1528 = vector.broadcast %add3A_1527 : i32 to vector<16xi32>
    %add3A_1529 = arith.addi %iota3A, %add3A_1528 : vector<16xi32>
    %eq3A_1530 = arith.cmpi eq, %add3A_1529, %min3A_706 : vector<16xi32>
    %jit3A_1531 = arith.constant -3.40282347E+38 : f32
    %broadcast_in_dim3A_1532 = vector.broadcast %jit3A_1531 : f32 to vector<16xf32>
    %select_n3A_1533 = arith.select %eq3A_1530, %broadcast_in_dim3A_1532, %get3A_1526 : vector<16xi1>, vector<16xf32>
    %eq3A_1534 = arith.cmpf oeq, %select_n3A_1533, %max3A_1116 : vector<16xf32>
    %jit3A_1535 = arith.constant 512 : i32
    %broadcast_in_dim3A_1536 = vector.broadcast %jit3A_1535 : i32 to vector<16xi32>
    %select_n3A_1537 = arith.select %eq3A_1534, %add3A_1529, %broadcast_in_dim3A_1536 : vector<16xi1>, vector<16xi32>
    %min3A_1538 = arith.minsi %min3A_1524, %select_n3A_1537 : vector<16xi32>
    %get3A_1539 = arith.constant 480 : index
    %get3A_1540 = tpu.vector_load %arg5[%get3A_1539] {strides = array<i32>} : memref<512xf32, #tpu.memory_space<vmem>>, vector<16xf32>,
    %add3A_1541 = arith.constant 480 : i32
    %add3A_1542 = vector.broadcast %add3A_1541 : i32 to vector<16xi32>
    %add3A_1543 = arith.addi %iota3A, %add3A_1542 : vector<16xi32>
    %eq3A_1544 = arith.cmpi eq, %add3A_1543, %min3A_706 : vector<16xi32>
    %jit3A_1545 = arith.constant -3.40282347E+38 : f32
    %broadcast_in_dim3A_1546 = vector.broadcast %jit3A_1545 : f32 to vector<16xf32>
    %select_n3A_1547 = arith.select %eq3A_1544, %broadcast_in_dim3A_1546, %get3A_1540 : vector<16xi1>, vector<16xf32>
    %eq3A_1548 = arith.cmpf oeq, %select_n3A_1547, %max3A_1116 : vector<16xf32>
    %jit3A_1549 = arith.constant 512 : i32
    %broadcast_in_dim3A_1550 = vector.broadcast %jit3A_1549 : i32 to vector<16xi32>
    %select_n3A_1551 = arith.select %eq3A_1548, %add3A_1543, %broadcast_in_dim3A_1550 : vector<16xi1>, vector<16xi32>
    %min3A_1552 = arith.minsi %min3A_1538, %select_n3A_1551 : vector<16xi32>
    %get3A_1553 = arith.constant 496 : index
    %get3A_1554 = tpu.vector_load %arg5[%get3A_1553] {strides = array<i32>} : memref<512xf32, #tpu.memory_space<vmem>>, vector<16xf32>,
    %add3A_1555 = arith.constant 496 : i32
    %add3A_1556 = vector.broadcast %add3A_1555 : i32 to vector<16xi32>
    %add3A_1557 = arith.addi %iota3A, %add3A_1556 : vector<16xi32>
    %eq3A_1558 = arith.cmpi eq, %add3A_1557, %min3A_706 : vector<16xi32>
    %jit3A_1559 = arith.constant -3.40282347E+38 : f32
    %broadcast_in_dim3A_1560 = vector.broadcast %jit3A_1559 : f32 to vector<16xf32>
    %select_n3A_1561 = arith.select %eq3A_1558, %broadcast_in_dim3A_1560, %get3A_1554 : vector<16xi1>, vector<16xf32>
    %eq3A_1562 = arith.cmpf oeq, %select_n3A_1561, %max3A_1116 : vector<16xf32>
    %jit3A_1563 = arith.constant 512 : i32
    %broadcast_in_dim3A_1564 = vector.broadcast %jit3A_1563 : i32 to vector<16xi32>
    %select_n3A_1565 = arith.select %eq3A_1562, %add3A_1557, %broadcast_in_dim3A_1564 : vector<16xi1>, vector<16xi32>
    %min3A_1566 = arith.minsi %min3A_1552, %select_n3A_1565 : vector<16xi32>
    %iota3A_1567 = tpu.iota {dimensions = array<i32: 0>} : vector<16xi32>
    %add3A_1568 = arith.constant 1 : i32
    %add3A_1569 = vector.broadcast %add3A_1568 : i32 to vector<16xi32>
    %add3A_1570 = arith.addi %iota3A_1567, %add3A_1569 : vector<16xi32>
    %ge3A_1571 = arith.constant 16 : i32
    %ge3A_1572 = vector.broadcast %ge3A_1571 : i32 to vector<16xi32>
    %ge3A_1573 = arith.cmpi sge, %add3A_1570, %ge3A_1572 : vector<16xi32>
    %sub3A_1574 = arith.constant 16 : i32
    %sub3A_1575 = vector.broadcast %sub3A_1574 : i32 to vector<16xi32>
    %sub3A_1576 = arith.subi %add3A_1570, %sub3A_1575 : vector<16xi32>
    %select_n3A_1577 = arith.select %ge3A_1573, %sub3A_1576, %add3A_1570 : vector<16xi1>, vector<16xi32>
    %lt3A_1578 = arith.constant 0 : i32
    %lt3A_1579 = vector.broadcast %lt3A_1578 : i32 to vector<16xi32>
    %lt3A_1580 = arith.cmpi slt, %select_n3A_1577, %lt3A_1579 : vector<16xi32>
    %add3A_1581 = arith.constant 16 : i32
    %add3A_1582 = vector.broadcast %add3A_1581 : i32 to vector<16xi32>
    %add3A_1583 = arith.addi %select_n3A_1577, %add3A_1582 : vector<16xi32>
    %select_n3A_1584 = arith.select %lt3A_1580, %add3A_1583, %select_n3A_1577 : vector<16xi1>, vector<16xi32>
    %broadcast_in_dim3A_1585 = vector.shape_cast %select_n3A_1584 : vector<16xi32> to vector<16x1xi32>
    %gather3A_1586 = vector.shape_cast %broadcast_in_dim3A_1585 : vector<16x1xi32> to vector<16xi32>
    %gather3A_1587 = tpu.dynamic_gather %min3A_1566[%gather3A_1586] in [0] : vector<16xi32>, vector<16xi32> -> vector<16xi32>
    %min3A_1588 = arith.minsi %min3A_1566, %gather3A_1587 : vector<16xi32>
    %iota3A_1589 = tpu.iota {dimensions = array<i32: 0>} : vector<16xi32>
    %add3A_1590 = arith.constant 2 : i32
    %add3A_1591 = vector.broadcast %add3A_1590 : i32 to vector<16xi32>
    %add3A_1592 = arith.addi %iota3A_1589, %add3A_1591 : vector<16xi32>
    %ge3A_1593 = arith.constant 16 : i32
    %ge3A_1594 = vector.broadcast %ge3A_1593 : i32 to vector<16xi32>
    %ge3A_1595 = arith.cmpi sge, %add3A_1592, %ge3A_1594 : vector<16xi32>
    %sub3A_1596 = arith.constant 16 : i32
    %sub3A_1597 = vector.broadcast %sub3A_1596 : i32 to vector<16xi32>
    %sub3A_1598 = arith.subi %add3A_1592, %sub3A_1597 : vector<16xi32>
    %select_n3A_1599 = arith.select %ge3A_1595, %sub3A_1598, %add3A_1592 : vector<16xi1>, vector<16xi32>
    %lt3A_1600 = arith.constant 0 : i32
    %lt3A_1601 = vector.broadcast %lt3A_1600 : i32 to vector<16xi32>
    %lt3A_1602 = arith.cmpi slt, %select_n3A_1599, %lt3A_1601 : vector<16xi32>
    %add3A_1603 = arith.constant 16 : i32
    %add3A_1604 = vector.broadcast %add3A_1603 : i32 to vector<16xi32>
    %add3A_1605 = arith.addi %select_n3A_1599, %add3A_1604 : vector<16xi32>
    %select_n3A_1606 = arith.select %lt3A_1602, %add3A_1605, %select_n3A_1599 : vector<16xi1>, vector<16xi32>
    %broadcast_in_dim3A_1607 = vector.shape_cast %select_n3A_1606 : vector<16xi32> to vector<16x1xi32>
    %gather3A_1608 = vector.shape_cast %broadcast_in_dim3A_1607 : vector<16x1xi32> to vector<16xi32>
    %gather3A_1609 = tpu.dynamic_gather %min3A_1588[%gather3A_1608] in [0] : vector<16xi32>, vector<16xi32> -> vector<16xi32>
    %min3A_1610 = arith.minsi %min3A_1588, %gather3A_1609 : vector<16xi32>
    %iota3A_1611 = tpu.iota {dimensions = array<i32: 0>} : vector<16xi32>
    %add3A_1612 = arith.constant 4 : i32
    %add3A_1613 = vector.broadcast %add3A_1612 : i32 to vector<16xi32>
    %add3A_1614 = arith.addi %iota3A_1611, %add3A_1613 : vector<16xi32>
    %ge3A_1615 = arith.constant 16 : i32
    %ge3A_1616 = vector.broadcast %ge3A_1615 : i32 to vector<16xi32>
    %ge3A_1617 = arith.cmpi sge, %add3A_1614, %ge3A_1616 : vector<16xi32>
    %sub3A_1618 = arith.constant 16 : i32
    %sub3A_1619 = vector.broadcast %sub3A_1618 : i32 to vector<16xi32>
    %sub3A_1620 = arith.subi %add3A_1614, %sub3A_1619 : vector<16xi32>
    %select_n3A_1621 = arith.select %ge3A_1617, %sub3A_1620, %add3A_1614 : vector<16xi1>, vector<16xi32>
    %lt3A_1622 = arith.constant 0 : i32
    %lt3A_1623 = vector.broadcast %lt3A_1622 : i32 to vector<16xi32>
    %lt3A_1624 = arith.cmpi slt, %select_n3A_1621, %lt3A_1623 : vector<16xi32>
    %add3A_1625 = arith.constant 16 : i32
    %add3A_1626 = vector.broadcast %add3A_1625 : i32 to vector<16xi32>
    %add3A_1627 = arith.addi %select_n3A_1621, %add3A_1626 : vector<16xi32>
    %select_n3A_1628 = arith.select %lt3A_1624, %add3A_1627, %select_n3A_1621 : vector<16xi1>, vector<16xi32>
    %broadcast_in_dim3A_1629 = vector.shape_cast %select_n3A_1628 : vector<16xi32> to vector<16x1xi32>
    %gather3A_1630 = vector.shape_cast %broadcast_in_dim3A_1629 : vector<16x1xi32> to vector<16xi32>
    %gather3A_1631 = tpu.dynamic_gather %min3A_1610[%gather3A_1630] in [0] : vector<16xi32>, vector<16xi32> -> vector<16xi32>
    %min3A_1632 = arith.minsi %min3A_1610, %gather3A_1631 : vector<16xi32>
    %iota3A_1633 = tpu.iota {dimensions = array<i32: 0>} : vector<16xi32>
    %add3A_1634 = arith.constant 8 : i32
    %add3A_1635 = vector.broadcast %add3A_1634 : i32 to vector<16xi32>
    %add3A_1636 = arith.addi %iota3A_1633, %add3A_1635 : vector<16xi32>
    %ge3A_1637 = arith.constant 16 : i32
    %ge3A_1638 = vector.broadcast %ge3A_1637 : i32 to vector<16xi32>
    %ge3A_1639 = arith.cmpi sge, %add3A_1636, %ge3A_1638 : vector<16xi32>
    %sub3A_1640 = arith.constant 16 : i32
    %sub3A_1641 = vector.broadcast %sub3A_1640 : i32 to vector<16xi32>
    %sub3A_1642 = arith.subi %add3A_1636, %sub3A_1641 : vector<16xi32>
    %select_n3A_1643 = arith.select %ge3A_1639, %sub3A_1642, %add3A_1636 : vector<16xi1>, vector<16xi32>
    %lt3A_1644 = arith.constant 0 : i32
    %lt3A_1645 = vector.broadcast %lt3A_1644 : i32 to vector<16xi32>
    %lt3A_1646 = arith.cmpi slt, %select_n3A_1643, %lt3A_1645 : vector<16xi32>
    %add3A_1647 = arith.constant 16 : i32
    %add3A_1648 = vector.broadcast %add3A_1647 : i32 to vector<16xi32>
    %add3A_1649 = arith.addi %select_n3A_1643, %add3A_1648 : vector<16xi32>
    %select_n3A_1650 = arith.select %lt3A_1646, %add3A_1649, %select_n3A_1643 : vector<16xi1>, vector<16xi32>
    %broadcast_in_dim3A_1651 = vector.shape_cast %select_n3A_1650 : vector<16xi32> to vector<16x1xi32>
    %gather3A_1652 = vector.shape_cast %broadcast_in_dim3A_1651 : vector<16x1xi32> to vector<16xi32>
    %gather3A_1653 = tpu.dynamic_gather %min3A_1632[%gather3A_1652] in [0] : vector<16xi32>, vector<16xi32> -> vector<16xi32>
    %min3A_1654 = arith.minsi %min3A_1632, %gather3A_1653 : vector<16xi32>
    %iota3A_1655 = tpu.iota {dimensions = array<i32: 0>} : vector<16xi32>
    %scan3A = arith.constant 0 : i32
    %scan3A_1656 = arith.constant 0 : i32
    %scan3A_1657 = arith.constant 16 : i32
    %scan3A_1658 = arith.addi %scan3A_1656, %scan3A_1657 : i32
    %scan3A_1659 = arith.constant 1 : i32
    scf.for %scan3A_1661 = %scan3A_1656 to %scan3A_1658 step %scan3A_1659  : i32 {
      %mul3A_1662 = arith.constant 4 : i32
      %mul3A_1663 = arith.muli %scan3A_1661, %mul3A_1662 : i32
      %add3A_1664 = arith.constant 0 : i32
      %add3A_1665 = arith.addi %mul3A_1663, %add3A_1664 : i32
      %mul3A_1666 = arith.constant 48 : i32
      %mul3A_1667 = arith.muli %add3A_1665, %mul3A_1666 : i32
      %add3A_1668 = arith.addi %mul3A_2, %mul3A_1667 : i32
      %dma_wait3A = arith.constant 0 : i32
      %dma_wait3A_1669 = tpu.memref_slice %arg3[%add3A_1668, %dma_wait3A] : memref<98304x512xf32, #tpu.memory_space<hbm>> -> memref<48x512xf32, #tpu.memory_space<hbm>>
      %dma_wait3A_1670 = arith.constant 0 : i32
      %dma_wait3A_1671 = tpu.memref_slice %arg3[%add3A_1668, %dma_wait3A_1670] : memref<98304x512xf32, #tpu.memory_space<hbm>> -> memref<48x512xf32, #tpu.memory_space<hbm>>
      tpu.wait_dma2 semaphore(%arg10 : memref<!tpu.dma_semaphore, #tpu.memory_space<semaphore_mem>>) src(%dma_wait3A_1671 : memref<48x512xf32, #tpu.memory_space<hbm>>) dst(%arg6 : memref<48x512xf32, #tpu.memory_space<vmem>>)
      %add3A_1672 = arith.constant 0 : i32
      %add3A_1673 = vector.broadcast %add3A_1672 : i32 to vector<16xi32>
      %add3A_1674 = arith.addi %iota3A_1655, %add3A_1673 : vector<16xi32>
      %gather3A_1675 = tpu.vector_load_idx %arg6[%add3A_1674, %min3A_706] : memref<48x512xf32, #tpu.memory_space<vmem>>[vector<16xi32>, vector<16xi32>], vector<16xf32>,
      %mul3A_1676 = arith.constant 1.000000e-03 : f32
      %mul3A_1677 = vector.broadcast %mul3A_1676 : f32 to vector<16xf32>
      %mul3A_1678 = arith.mulf %gather3A_1675, %mul3A_1677 : vector<16xf32>
      tpu.vector_store_idx %arg6[%add3A_1674, %min3A_706], %mul3A_1678 : memref<48x512xf32, #tpu.memory_space<vmem>>[vector<16xi32>, vector<16xi32>], vector<16xf32>,
      %gather3A_1679 = tpu.vector_load_idx %arg6[%add3A_1674, %min3A_1654] : memref<48x512xf32, #tpu.memory_space<vmem>>[vector<16xi32>, vector<16xi32>], vector<16xf32>,
      %mul3A_1680 = arith.constant 1.000000e-03 : f32
      %mul3A_1681 = vector.broadcast %mul3A_1680 : f32 to vector<16xf32>
      %mul3A_1682 = arith.mulf %gather3A_1679, %mul3A_1681 : vector<16xf32>
      tpu.vector_store_idx %arg6[%add3A_1674, %min3A_1654], %mul3A_1682 : memref<48x512xf32, #tpu.memory_space<vmem>>[vector<16xi32>, vector<16xi32>], vector<16xf32>,
      %add3A_1683 = arith.constant 16 : i32
      %add3A_1684 = vector.broadcast %add3A_1683 : i32 to vector<16xi32>
      %add3A_1685 = arith.addi %iota3A_1655, %add3A_1684 : vector<16xi32>
      %gather3A_1686 = tpu.vector_load_idx %arg6[%add3A_1685, %min3A_706] : memref<48x512xf32, #tpu.memory_space<vmem>>[vector<16xi32>, vector<16xi32>], vector<16xf32>,
      %mul3A_1687 = arith.constant 1.000000e-03 : f32
      %mul3A_1688 = vector.broadcast %mul3A_1687 : f32 to vector<16xf32>
      %mul3A_1689 = arith.mulf %gather3A_1686, %mul3A_1688 : vector<16xf32>
      tpu.vector_store_idx %arg6[%add3A_1685, %min3A_706], %mul3A_1689 : memref<48x512xf32, #tpu.memory_space<vmem>>[vector<16xi32>, vector<16xi32>], vector<16xf32>,
      %gather3A_1690 = tpu.vector_load_idx %arg6[%add3A_1685, %min3A_1654] : memref<48x512xf32, #tpu.memory_space<vmem>>[vector<16xi32>, vector<16xi32>], vector<16xf32>,
      %mul3A_1691 = arith.constant 1.000000e-03 : f32
      %mul3A_1692 = vector.broadcast %mul3A_1691 : f32 to vector<16xf32>
      %mul3A_1693 = arith.mulf %gather3A_1690, %mul3A_1692 : vector<16xf32>
      tpu.vector_store_idx %arg6[%add3A_1685, %min3A_1654], %mul3A_1693 : memref<48x512xf32, #tpu.memory_space<vmem>>[vector<16xi32>, vector<16xi32>], vector<16xf32>,
      %add3A_1694 = arith.constant 32 : i32
      %add3A_1695 = vector.broadcast %add3A_1694 : i32 to vector<16xi32>
      %add3A_1696 = arith.addi %iota3A_1655, %add3A_1695 : vector<16xi32>
      %gather3A_1697 = tpu.vector_load_idx %arg6[%add3A_1696, %min3A_706] : memref<48x512xf32, #tpu.memory_space<vmem>>[vector<16xi32>, vector<16xi32>], vector<16xf32>,
      %mul3A_1698 = arith.constant 1.000000e-03 : f32
      %mul3A_1699 = vector.broadcast %mul3A_1698 : f32 to vector<16xf32>
      %mul3A_1700 = arith.mulf %gather3A_1697, %mul3A_1699 : vector<16xf32>
      tpu.vector_store_idx %arg6[%add3A_1696, %min3A_706], %mul3A_1700 : memref<48x512xf32, #tpu.memory_space<vmem>>[vector<16xi32>, vector<16xi32>], vector<16xf32>,
      %gather3A_1701 = tpu.vector_load_idx %arg6[%add3A_1696, %min3A_1654] : memref<48x512xf32, #tpu.memory_space<vmem>>[vector<16xi32>, vector<16xi32>], vector<16xf32>,
      %mul3A_1702 = arith.constant 1.000000e-03 : f32
      %mul3A_1703 = vector.broadcast %mul3A_1702 : f32 to vector<16xf32>
      %mul3A_1704 = arith.mulf %gather3A_1701, %mul3A_1703 : vector<16xf32>
      tpu.vector_store_idx %arg6[%add3A_1696, %min3A_1654], %mul3A_1704 : memref<48x512xf32, #tpu.memory_space<vmem>>[vector<16xi32>, vector<16xi32>], vector<16xf32>,
      %add3A_1705 = arith.constant 0 : i32
      %add3A_1706 = arith.addi %mul3A_1663, %add3A_1705 : i32
      %mul3A_1707 = arith.constant 48 : i32
      %mul3A_1708 = arith.muli %add3A_1706, %mul3A_1707 : i32
      %add3A_1709 = arith.addi %mul3A_2, %mul3A_1708 : i32
      %dma_start3A_1710 = arith.constant 0 : i32
      %dma_start3A_1711 = tpu.memref_slice %arg4[%add3A_1709, %dma_start3A_1710] : memref<98304x512xf32, #tpu.memory_space<hbm>> -> memref<48x512xf32, #tpu.memory_space<hbm>>
      %dma_start3A_1712 = arith.constant 0 : i32
      %dma_start3A_1713 = tpu.memref_slice %arg4[%add3A_1709, %dma_start3A_1712] : memref<98304x512xf32, #tpu.memory_space<hbm>> -> memref<48x512xf32, #tpu.memory_space<hbm>>
      tpu.enqueue_dma source(%arg6 : memref<48x512xf32, #tpu.memory_space<vmem>>) target(%dma_start3A_1713 : memref<48x512xf32, #tpu.memory_space<hbm>>) target_semaphore(%arg14 : memref<!tpu.dma_semaphore, #tpu.memory_space<semaphore_mem>>)
      %add3A_1714 = arith.constant 1 : i32
      %add3A_1715 = arith.addi %mul3A_1663, %add3A_1714 : i32
      %mul3A_1716 = arith.constant 48 : i32
      %mul3A_1717 = arith.muli %add3A_1715, %mul3A_1716 : i32
      %add3A_1718 = arith.addi %mul3A_2, %mul3A_1717 : i32
      %dma_wait3A_1719 = arith.constant 0 : i32
      %dma_wait3A_1720 = tpu.memref_slice %arg3[%add3A_1718, %dma_wait3A_1719] : memref<98304x512xf32, #tpu.memory_space<hbm>> -> memref<48x512xf32, #tpu.memory_space<hbm>>
      %dma_wait3A_1721 = arith.constant 0 : i32
      %dma_wait3A_1722 = tpu.memref_slice %arg3[%add3A_1718, %dma_wait3A_1721] : memref<98304x512xf32, #tpu.memory_space<hbm>> -> memref<48x512xf32, #tpu.memory_space<hbm>>
      tpu.wait_dma2 semaphore(%arg11 : memref<!tpu.dma_semaphore, #tpu.memory_space<semaphore_mem>>) src(%dma_wait3A_1722 : memref<48x512xf32, #tpu.memory_space<hbm>>) dst(%arg7 : memref<48x512xf32, #tpu.memory_space<vmem>>)
      %add3A_1723 = arith.constant 0 : i32
      %add3A_1724 = vector.broadcast %add3A_1723 : i32 to vector<16xi32>
      %add3A_1725 = arith.addi %iota3A_1655, %add3A_1724 : vector<16xi32>
      %gather3A_1726 = tpu.vector_load_idx %arg7[%add3A_1725, %min3A_706] : memref<48x512xf32, #tpu.memory_space<vmem>>[vector<16xi32>, vector<16xi32>], vector<16xf32>,
      %mul3A_1727 = arith.constant 1.000000e-03 : f32
      %mul3A_1728 = vector.broadcast %mul3A_1727 : f32 to vector<16xf32>
      %mul3A_1729 = arith.mulf %gather3A_1726, %mul3A_1728 : vector<16xf32>
      tpu.vector_store_idx %arg7[%add3A_1725, %min3A_706], %mul3A_1729 : memref<48x512xf32, #tpu.memory_space<vmem>>[vector<16xi32>, vector<16xi32>], vector<16xf32>,
      %gather3A_1730 = tpu.vector_load_idx %arg7[%add3A_1725, %min3A_1654] : memref<48x512xf32, #tpu.memory_space<vmem>>[vector<16xi32>, vector<16xi32>], vector<16xf32>,
      %mul3A_1731 = arith.constant 1.000000e-03 : f32
      %mul3A_1732 = vector.broadcast %mul3A_1731 : f32 to vector<16xf32>
      %mul3A_1733 = arith.mulf %gather3A_1730, %mul3A_1732 : vector<16xf32>
      tpu.vector_store_idx %arg7[%add3A_1725, %min3A_1654], %mul3A_1733 : memref<48x512xf32, #tpu.memory_space<vmem>>[vector<16xi32>, vector<16xi32>], vector<16xf32>,
      %add3A_1734 = arith.constant 16 : i32
      %add3A_1735 = vector.broadcast %add3A_1734 : i32 to vector<16xi32>
      %add3A_1736 = arith.addi %iota3A_1655, %add3A_1735 : vector<16xi32>
      %gather3A_1737 = tpu.vector_load_idx %arg7[%add3A_1736, %min3A_706] : memref<48x512xf32, #tpu.memory_space<vmem>>[vector<16xi32>, vector<16xi32>], vector<16xf32>,
      %mul3A_1738 = arith.constant 1.000000e-03 : f32
      %mul3A_1739 = vector.broadcast %mul3A_1738 : f32 to vector<16xf32>
      %mul3A_1740 = arith.mulf %gather3A_1737, %mul3A_1739 : vector<16xf32>
      tpu.vector_store_idx %arg7[%add3A_1736, %min3A_706], %mul3A_1740 : memref<48x512xf32, #tpu.memory_space<vmem>>[vector<16xi32>, vector<16xi32>], vector<16xf32>,
      %gather3A_1741 = tpu.vector_load_idx %arg7[%add3A_1736, %min3A_1654] : memref<48x512xf32, #tpu.memory_space<vmem>>[vector<16xi32>, vector<16xi32>], vector<16xf32>,
      %mul3A_1742 = arith.constant 1.000000e-03 : f32
      %mul3A_1743 = vector.broadcast %mul3A_1742 : f32 to vector<16xf32>
      %mul3A_1744 = arith.mulf %gather3A_1741, %mul3A_1743 : vector<16xf32>
      tpu.vector_store_idx %arg7[%add3A_1736, %min3A_1654], %mul3A_1744 : memref<48x512xf32, #tpu.memory_space<vmem>>[vector<16xi32>, vector<16xi32>], vector<16xf32>,
      %add3A_1745 = arith.constant 32 : i32
      %add3A_1746 = vector.broadcast %add3A_1745 : i32 to vector<16xi32>
      %add3A_1747 = arith.addi %iota3A_1655, %add3A_1746 : vector<16xi32>
      %gather3A_1748 = tpu.vector_load_idx %arg7[%add3A_1747, %min3A_706] : memref<48x512xf32, #tpu.memory_space<vmem>>[vector<16xi32>, vector<16xi32>], vector<16xf32>,
      %mul3A_1749 = arith.constant 1.000000e-03 : f32
      %mul3A_1750 = vector.broadcast %mul3A_1749 : f32 to vector<16xf32>
      %mul3A_1751 = arith.mulf %gather3A_1748, %mul3A_1750 : vector<16xf32>
      tpu.vector_store_idx %arg7[%add3A_1747, %min3A_706], %mul3A_1751 : memref<48x512xf32, #tpu.memory_space<vmem>>[vector<16xi32>, vector<16xi32>], vector<16xf32>,
      %gather3A_1752 = tpu.vector_load_idx %arg7[%add3A_1747, %min3A_1654] : memref<48x512xf32, #tpu.memory_space<vmem>>[vector<16xi32>, vector<16xi32>], vector<16xf32>,
      %mul3A_1753 = arith.constant 1.000000e-03 : f32
      %mul3A_1754 = vector.broadcast %mul3A_1753 : f32 to vector<16xf32>
      %mul3A_1755 = arith.mulf %gather3A_1752, %mul3A_1754 : vector<16xf32>
      tpu.vector_store_idx %arg7[%add3A_1747, %min3A_1654], %mul3A_1755 : memref<48x512xf32, #tpu.memory_space<vmem>>[vector<16xi32>, vector<16xi32>], vector<16xf32>,
      %add3A_1756 = arith.constant 1 : i32
      %add3A_1757 = arith.addi %mul3A_1663, %add3A_1756 : i32
      %mul3A_1758 = arith.constant 48 : i32
      %mul3A_1759 = arith.muli %add3A_1757, %mul3A_1758 : i32
      %add3A_1760 = arith.addi %mul3A_2, %mul3A_1759 : i32
      %dma_start3A_1761 = arith.constant 0 : i32
      %dma_start3A_1762 = tpu.memref_slice %arg4[%add3A_1760, %dma_start3A_1761] : memref<98304x512xf32, #tpu.memory_space<hbm>> -> memref<48x512xf32, #tpu.memory_space<hbm>>
      %dma_start3A_1763 = arith.constant 0 : i32
      %dma_start3A_1764 = tpu.memref_slice %arg4[%add3A_1760, %dma_start3A_1763] : memref<98304x512xf32, #tpu.memory_space<hbm>> -> memref<48x512xf32, #tpu.memory_space<hbm>>
      tpu.enqueue_dma source(%arg7 : memref<48x512xf32, #tpu.memory_space<vmem>>) target(%dma_start3A_1764 : memref<48x512xf32, #tpu.memory_space<hbm>>) target_semaphore(%arg15 : memref<!tpu.dma_semaphore, #tpu.memory_space<semaphore_mem>>)
      %add3A_1765 = arith.constant 2 : i32
      %add3A_1766 = arith.addi %mul3A_1663, %add3A_1765 : i32
      %mul3A_1767 = arith.constant 48 : i32
      %mul3A_1768 = arith.muli %add3A_1766, %mul3A_1767 : i32
      %add3A_1769 = arith.addi %mul3A_2, %mul3A_1768 : i32
      %dma_wait3A_1770 = arith.constant 0 : i32
      %dma_wait3A_1771 = tpu.memref_slice %arg3[%add3A_1769, %dma_wait3A_1770] : memref<98304x512xf32, #tpu.memory_space<hbm>> -> memref<48x512xf32, #tpu.memory_space<hbm>>
      %dma_wait3A_1772 = arith.constant 0 : i32
      %dma_wait3A_1773 = tpu.memref_slice %arg3[%add3A_1769, %dma_wait3A_1772] : memref<98304x512xf32, #tpu.memory_space<hbm>> -> memref<48x512xf32, #tpu.memory_space<hbm>>
      tpu.wait_dma2 semaphore(%arg12 : memref<!tpu.dma_semaphore, #tpu.memory_space<semaphore_mem>>) src(%dma_wait3A_1773 : memref<48x512xf32, #tpu.memory_space<hbm>>) dst(%arg8 : memref<48x512xf32, #tpu.memory_space<vmem>>)
      %add3A_1774 = arith.constant 0 : i32
      %add3A_1775 = vector.broadcast %add3A_1774 : i32 to vector<16xi32>
      %add3A_1776 = arith.addi %iota3A_1655, %add3A_1775 : vector<16xi32>
      %gather3A_1777 = tpu.vector_load_idx %arg8[%add3A_1776, %min3A_706] : memref<48x512xf32, #tpu.memory_space<vmem>>[vector<16xi32>, vector<16xi32>], vector<16xf32>,
      %mul3A_1778 = arith.constant 1.000000e-03 : f32
      %mul3A_1779 = vector.broadcast %mul3A_1778 : f32 to vector<16xf32>
      %mul3A_1780 = arith.mulf %gather3A_1777, %mul3A_1779 : vector<16xf32>
      tpu.vector_store_idx %arg8[%add3A_1776, %min3A_706], %mul3A_1780 : memref<48x512xf32, #tpu.memory_space<vmem>>[vector<16xi32>, vector<16xi32>], vector<16xf32>,
      %gather3A_1781 = tpu.vector_load_idx %arg8[%add3A_1776, %min3A_1654] : memref<48x512xf32, #tpu.memory_space<vmem>>[vector<16xi32>, vector<16xi32>], vector<16xf32>,
      %mul3A_1782 = arith.constant 1.000000e-03 : f32
      %mul3A_1783 = vector.broadcast %mul3A_1782 : f32 to vector<16xf32>
      %mul3A_1784 = arith.mulf %gather3A_1781, %mul3A_1783 : vector<16xf32>
      tpu.vector_store_idx %arg8[%add3A_1776, %min3A_1654], %mul3A_1784 : memref<48x512xf32, #tpu.memory_space<vmem>>[vector<16xi32>, vector<16xi32>], vector<16xf32>,
      %add3A_1785 = arith.constant 16 : i32
      %add3A_1786 = vector.broadcast %add3A_1785 : i32 to vector<16xi32>
      %add3A_1787 = arith.addi %iota3A_1655, %add3A_1786 : vector<16xi32>
      %gather3A_1788 = tpu.vector_load_idx %arg8[%add3A_1787, %min3A_706] : memref<48x512xf32, #tpu.memory_space<vmem>>[vector<16xi32>, vector<16xi32>], vector<16xf32>,
      %mul3A_1789 = arith.constant 1.000000e-03 : f32
      %mul3A_1790 = vector.broadcast %mul3A_1789 : f32 to vector<16xf32>
      %mul3A_1791 = arith.mulf %gather3A_1788, %mul3A_1790 : vector<16xf32>
      tpu.vector_store_idx %arg8[%add3A_1787, %min3A_706], %mul3A_1791 : memref<48x512xf32, #tpu.memory_space<vmem>>[vector<16xi32>, vector<16xi32>], vector<16xf32>,
      %gather3A_1792 = tpu.vector_load_idx %arg8[%add3A_1787, %min3A_1654] : memref<48x512xf32, #tpu.memory_space<vmem>>[vector<16xi32>, vector<16xi32>], vector<16xf32>,
      %mul3A_1793 = arith.constant 1.000000e-03 : f32
      %mul3A_1794 = vector.broadcast %mul3A_1793 : f32 to vector<16xf32>
      %mul3A_1795 = arith.mulf %gather3A_1792, %mul3A_1794 : vector<16xf32>
      tpu.vector_store_idx %arg8[%add3A_1787, %min3A_1654], %mul3A_1795 : memref<48x512xf32, #tpu.memory_space<vmem>>[vector<16xi32>, vector<16xi32>], vector<16xf32>,
      %add3A_1796 = arith.constant 32 : i32
      %add3A_1797 = vector.broadcast %add3A_1796 : i32 to vector<16xi32>
      %add3A_1798 = arith.addi %iota3A_1655, %add3A_1797 : vector<16xi32>
      %gather3A_1799 = tpu.vector_load_idx %arg8[%add3A_1798, %min3A_706] : memref<48x512xf32, #tpu.memory_space<vmem>>[vector<16xi32>, vector<16xi32>], vector<16xf32>,
      %mul3A_1800 = arith.constant 1.000000e-03 : f32
      %mul3A_1801 = vector.broadcast %mul3A_1800 : f32 to vector<16xf32>
      %mul3A_1802 = arith.mulf %gather3A_1799, %mul3A_1801 : vector<16xf32>
      tpu.vector_store_idx %arg8[%add3A_1798, %min3A_706], %mul3A_1802 : memref<48x512xf32, #tpu.memory_space<vmem>>[vector<16xi32>, vector<16xi32>], vector<16xf32>,
      %gather3A_1803 = tpu.vector_load_idx %arg8[%add3A_1798, %min3A_1654] : memref<48x512xf32, #tpu.memory_space<vmem>>[vector<16xi32>, vector<16xi32>], vector<16xf32>,
      %mul3A_1804 = arith.constant 1.000000e-03 : f32
      %mul3A_1805 = vector.broadcast %mul3A_1804 : f32 to vector<16xf32>
      %mul3A_1806 = arith.mulf %gather3A_1803, %mul3A_1805 : vector<16xf32>
      tpu.vector_store_idx %arg8[%add3A_1798, %min3A_1654], %mul3A_1806 : memref<48x512xf32, #tpu.memory_space<vmem>>[vector<16xi32>, vector<16xi32>], vector<16xf32>,
      %add3A_1807 = arith.constant 2 : i32
      %add3A_1808 = arith.addi %mul3A_1663, %add3A_1807 : i32
      %mul3A_1809 = arith.constant 48 : i32
      %mul3A_1810 = arith.muli %add3A_1808, %mul3A_1809 : i32
      %add3A_1811 = arith.addi %mul3A_2, %mul3A_1810 : i32
      %dma_start3A_1812 = arith.constant 0 : i32
      %dma_start3A_1813 = tpu.memref_slice %arg4[%add3A_1811, %dma_start3A_1812] : memref<98304x512xf32, #tpu.memory_space<hbm>> -> memref<48x512xf32, #tpu.memory_space<hbm>>
      %dma_start3A_1814 = arith.constant 0 : i32
      %dma_start3A_1815 = tpu.memref_slice %arg4[%add3A_1811, %dma_start3A_1814] : memref<98304x512xf32, #tpu.memory_space<hbm>> -> memref<48x512xf32, #tpu.memory_space<hbm>>
      tpu.enqueue_dma source(%arg8 : memref<48x512xf32, #tpu.memory_space<vmem>>) target(%dma_start3A_1815 : memref<48x512xf32, #tpu.memory_space<hbm>>) target_semaphore(%arg16 : memref<!tpu.dma_semaphore, #tpu.memory_space<semaphore_mem>>)
      %add3A_1816 = arith.constant 3 : i32
      %add3A_1817 = arith.addi %mul3A_1663, %add3A_1816 : i32
      %mul3A_1818 = arith.constant 48 : i32
      %mul3A_1819 = arith.muli %add3A_1817, %mul3A_1818 : i32
      %add3A_1820 = arith.addi %mul3A_2, %mul3A_1819 : i32
      %dma_wait3A_1821 = arith.constant 0 : i32
      %dma_wait3A_1822 = tpu.memref_slice %arg3[%add3A_1820, %dma_wait3A_1821] : memref<98304x512xf32, #tpu.memory_space<hbm>> -> memref<48x512xf32, #tpu.memory_space<hbm>>
      %dma_wait3A_1823 = arith.constant 0 : i32
      %dma_wait3A_1824 = tpu.memref_slice %arg3[%add3A_1820, %dma_wait3A_1823] : memref<98304x512xf32, #tpu.memory_space<hbm>> -> memref<48x512xf32, #tpu.memory_space<hbm>>
      tpu.wait_dma2 semaphore(%arg13 : memref<!tpu.dma_semaphore, #tpu.memory_space<semaphore_mem>>) src(%dma_wait3A_1824 : memref<48x512xf32, #tpu.memory_space<hbm>>) dst(%arg9 : memref<48x512xf32, #tpu.memory_space<vmem>>)
      %add3A_1825 = arith.constant 0 : i32
      %add3A_1826 = vector.broadcast %add3A_1825 : i32 to vector<16xi32>
      %add3A_1827 = arith.addi %iota3A_1655, %add3A_1826 : vector<16xi32>
      %gather3A_1828 = tpu.vector_load_idx %arg9[%add3A_1827, %min3A_706] : memref<48x512xf32, #tpu.memory_space<vmem>>[vector<16xi32>, vector<16xi32>], vector<16xf32>,
      %mul3A_1829 = arith.constant 1.000000e-03 : f32
      %mul3A_1830 = vector.broadcast %mul3A_1829 : f32 to vector<16xf32>
      %mul3A_1831 = arith.mulf %gather3A_1828, %mul3A_1830 : vector<16xf32>
      tpu.vector_store_idx %arg9[%add3A_1827, %min3A_706], %mul3A_1831 : memref<48x512xf32, #tpu.memory_space<vmem>>[vector<16xi32>, vector<16xi32>], vector<16xf32>,
      %gather3A_1832 = tpu.vector_load_idx %arg9[%add3A_1827, %min3A_1654] : memref<48x512xf32, #tpu.memory_space<vmem>>[vector<16xi32>, vector<16xi32>], vector<16xf32>,
      %mul3A_1833 = arith.constant 1.000000e-03 : f32
      %mul3A_1834 = vector.broadcast %mul3A_1833 : f32 to vector<16xf32>
      %mul3A_1835 = arith.mulf %gather3A_1832, %mul3A_1834 : vector<16xf32>
      tpu.vector_store_idx %arg9[%add3A_1827, %min3A_1654], %mul3A_1835 : memref<48x512xf32, #tpu.memory_space<vmem>>[vector<16xi32>, vector<16xi32>], vector<16xf32>,
      %add3A_1836 = arith.constant 16 : i32
      %add3A_1837 = vector.broadcast %add3A_1836 : i32 to vector<16xi32>
      %add3A_1838 = arith.addi %iota3A_1655, %add3A_1837 : vector<16xi32>
      %gather3A_1839 = tpu.vector_load_idx %arg9[%add3A_1838, %min3A_706] : memref<48x512xf32, #tpu.memory_space<vmem>>[vector<16xi32>, vector<16xi32>], vector<16xf32>,
      %mul3A_1840 = arith.constant 1.000000e-03 : f32
      %mul3A_1841 = vector.broadcast %mul3A_1840 : f32 to vector<16xf32>
      %mul3A_1842 = arith.mulf %gather3A_1839, %mul3A_1841 : vector<16xf32>
      tpu.vector_store_idx %arg9[%add3A_1838, %min3A_706], %mul3A_1842 : memref<48x512xf32, #tpu.memory_space<vmem>>[vector<16xi32>, vector<16xi32>], vector<16xf32>,
      %gather3A_1843 = tpu.vector_load_idx %arg9[%add3A_1838, %min3A_1654] : memref<48x512xf32, #tpu.memory_space<vmem>>[vector<16xi32>, vector<16xi32>], vector<16xf32>,
      %mul3A_1844 = arith.constant 1.000000e-03 : f32
      %mul3A_1845 = vector.broadcast %mul3A_1844 : f32 to vector<16xf32>
      %mul3A_1846 = arith.mulf %gather3A_1843, %mul3A_1845 : vector<16xf32>
      tpu.vector_store_idx %arg9[%add3A_1838, %min3A_1654], %mul3A_1846 : memref<48x512xf32, #tpu.memory_space<vmem>>[vector<16xi32>, vector<16xi32>], vector<16xf32>,
      %add3A_1847 = arith.constant 32 : i32
      %add3A_1848 = vector.broadcast %add3A_1847 : i32 to vector<16xi32>
      %add3A_1849 = arith.addi %iota3A_1655, %add3A_1848 : vector<16xi32>
      %gather3A_1850 = tpu.vector_load_idx %arg9[%add3A_1849, %min3A_706] : memref<48x512xf32, #tpu.memory_space<vmem>>[vector<16xi32>, vector<16xi32>], vector<16xf32>,
      %mul3A_1851 = arith.constant 1.000000e-03 : f32
      %mul3A_1852 = vector.broadcast %mul3A_1851 : f32 to vector<16xf32>
      %mul3A_1853 = arith.mulf %gather3A_1850, %mul3A_1852 : vector<16xf32>
      tpu.vector_store_idx %arg9[%add3A_1849, %min3A_706], %mul3A_1853 : memref<48x512xf32, #tpu.memory_space<vmem>>[vector<16xi32>, vector<16xi32>], vector<16xf32>,
      %gather3A_1854 = tpu.vector_load_idx %arg9[%add3A_1849, %min3A_1654] : memref<48x512xf32, #tpu.memory_space<vmem>>[vector<16xi32>, vector<16xi32>], vector<16xf32>,
      %mul3A_1855 = arith.constant 1.000000e-03 : f32
      %mul3A_1856 = vector.broadcast %mul3A_1855 : f32 to vector<16xf32>
      %mul3A_1857 = arith.mulf %gather3A_1854, %mul3A_1856 : vector<16xf32>
      tpu.vector_store_idx %arg9[%add3A_1849, %min3A_1654], %mul3A_1857 : memref<48x512xf32, #tpu.memory_space<vmem>>[vector<16xi32>, vector<16xi32>], vector<16xf32>,
      %add3A_1858 = arith.constant 3 : i32
      %add3A_1859 = arith.addi %mul3A_1663, %add3A_1858 : i32
      %mul3A_1860 = arith.constant 48 : i32
      %mul3A_1861 = arith.muli %add3A_1859, %mul3A_1860 : i32
      %add3A_1862 = arith.addi %mul3A_2, %mul3A_1861 : i32
      %dma_start3A_1863 = arith.constant 0 : i32
      %dma_start3A_1864 = tpu.memref_slice %arg4[%add3A_1862, %dma_start3A_1863] : memref<98304x512xf32, #tpu.memory_space<hbm>> -> memref<48x512xf32, #tpu.memory_space<hbm>>
      %dma_start3A_1865 = arith.constant 0 : i32
      %dma_start3A_1866 = tpu.memref_slice %arg4[%add3A_1862, %dma_start3A_1865] : memref<98304x512xf32, #tpu.memory_space<hbm>> -> memref<48x512xf32, #tpu.memory_space<hbm>>
      tpu.enqueue_dma source(%arg9 : memref<48x512xf32, #tpu.memory_space<vmem>>) target(%dma_start3A_1866 : memref<48x512xf32, #tpu.memory_space<hbm>>) target_semaphore(%arg17 : memref<!tpu.dma_semaphore, #tpu.memory_space<semaphore_mem>>)
      %add3A_1867 = arith.constant 0 : i32
      %add3A_1868 = arith.addi %mul3A_1663, %add3A_1867 : i32
      %mul3A_1869 = arith.constant 48 : i32
      %mul3A_1870 = arith.muli %add3A_1868, %mul3A_1869 : i32
      %add3A_1871 = arith.addi %mul3A_2, %mul3A_1870 : i32
      %dma_wait3A_1872 = arith.constant 0 : i32
      %dma_wait3A_1873 = tpu.memref_slice %arg4[%add3A_1871, %dma_wait3A_1872] : memref<98304x512xf32, #tpu.memory_space<hbm>> -> memref<48x512xf32, #tpu.memory_space<hbm>>
      %dma_wait3A_1874 = arith.constant 0 : i32
      %dma_wait3A_1875 = tpu.memref_slice %arg4[%add3A_1871, %dma_wait3A_1874] : memref<98304x512xf32, #tpu.memory_space<hbm>> -> memref<48x512xf32, #tpu.memory_space<hbm>>
      tpu.wait_dma2 semaphore(%arg14 : memref<!tpu.dma_semaphore, #tpu.memory_space<semaphore_mem>>) src(%arg6 : memref<48x512xf32, #tpu.memory_space<vmem>>) dst(%dma_wait3A_1875 : memref<48x512xf32, #tpu.memory_space<hbm>>)
      %add3A_1876 = arith.constant 0 : i32
      %add3A_1877 = arith.addi %mul3A_1663, %add3A_1876 : i32
      %add3A_1878 = arith.constant 4 : i32
      %add3A_1879 = arith.addi %add3A_1877, %add3A_1878 : i32
      %lt3A_1880 = arith.constant 64 : i32
      %lt3A_1881 = arith.cmpi slt, %add3A_1879, %lt3A_1880 : i32
      %convert_element_type3A = arith.extui %lt3A_1881 : i1 to i32
      %cond3A = arith.constant 0 : i32
      %cond3A_1882 = arith.cmpi ne, %convert_element_type3A, %cond3A : i32
      scf.if %cond3A_1882 {
        %add3A_1937 = arith.constant 0 : i32
        %add3A_1938 = arith.addi %mul3A_1663, %add3A_1937 : i32
        %add3A_1939 = arith.constant 4 : i32
        %add3A_1940 = arith.addi %add3A_1938, %add3A_1939 : i32
        %mul3A_1941 = arith.constant 48 : i32
        %mul3A_1942 = arith.muli %add3A_1940, %mul3A_1941 : i32
        %add3A_1943 = arith.addi %mul3A_2, %mul3A_1942 : i32
        %dma_start3A_1944 = arith.constant 0 : i32
        %dma_start3A_1945 = tpu.memref_slice %arg3[%add3A_1943, %dma_start3A_1944] : memref<98304x512xf32, #tpu.memory_space<hbm>> -> memref<48x512xf32, #tpu.memory_space<hbm>>
        %dma_start3A_1946 = arith.constant 0 : i32
        %dma_start3A_1947 = tpu.memref_slice %arg3[%add3A_1943, %dma_start3A_1946] : memref<98304x512xf32, #tpu.memory_space<hbm>> -> memref<48x512xf32, #tpu.memory_space<hbm>>
        tpu.enqueue_dma source(%dma_start3A_1947 : memref<48x512xf32, #tpu.memory_space<hbm>>) target(%arg6 : memref<48x512xf32, #tpu.memory_space<vmem>>) target_semaphore(%arg10 : memref<!tpu.dma_semaphore, #tpu.memory_space<semaphore_mem>>)
      } else {
      }
      %add3A_1883 = arith.constant 1 : i32
      %add3A_1884 = arith.addi %mul3A_1663, %add3A_1883 : i32
      %mul3A_1885 = arith.constant 48 : i32
      %mul3A_1886 = arith.muli %add3A_1884, %mul3A_1885 : i32
      %add3A_1887 = arith.addi %mul3A_2, %mul3A_1886 : i32
      %dma_wait3A_1888 = arith.constant 0 : i32
      %dma_wait3A_1889 = tpu.memref_slice %arg4[%add3A_1887, %dma_wait3A_1888] : memref<98304x512xf32, #tpu.memory_space<hbm>> -> memref<48x512xf32, #tpu.memory_space<hbm>>
      %dma_wait3A_1890 = arith.constant 0 : i32
      %dma_wait3A_1891 = tpu.memref_slice %arg4[%add3A_1887, %dma_wait3A_1890] : memref<98304x512xf32, #tpu.memory_space<hbm>> -> memref<48x512xf32, #tpu.memory_space<hbm>>
      tpu.wait_dma2 semaphore(%arg15 : memref<!tpu.dma_semaphore, #tpu.memory_space<semaphore_mem>>) src(%arg7 : memref<48x512xf32, #tpu.memory_space<vmem>>) dst(%dma_wait3A_1891 : memref<48x512xf32, #tpu.memory_space<hbm>>)
      %add3A_1892 = arith.constant 1 : i32
      %add3A_1893 = arith.addi %mul3A_1663, %add3A_1892 : i32
      %add3A_1894 = arith.constant 4 : i32
      %add3A_1895 = arith.addi %add3A_1893, %add3A_1894 : i32
      %lt3A_1896 = arith.constant 64 : i32
      %lt3A_1897 = arith.cmpi slt, %add3A_1895, %lt3A_1896 : i32
      %convert_element_type3A_1898 = arith.extui %lt3A_1897 : i1 to i32
      %cond3A_1899 = arith.constant 0 : i32
      %cond3A_1900 = arith.cmpi ne, %convert_element_type3A_1898, %cond3A_1899 : i32
      scf.if %cond3A_1900 {
        %add3A_1937 = arith.constant 1 : i32
        %add3A_1938 = arith.addi %mul3A_1663, %add3A_1937 : i32
        %add3A_1939 = arith.constant 4 : i32
        %add3A_1940 = arith.addi %add3A_1938, %add3A_1939 : i32
        %mul3A_1941 = arith.constant 48 : i32
        %mul3A_1942 = arith.muli %add3A_1940, %mul3A_1941 : i32
        %add3A_1943 = arith.addi %mul3A_2, %mul3A_1942 : i32
        %dma_start3A_1944 = arith.constant 0 : i32
        %dma_start3A_1945 = tpu.memref_slice %arg3[%add3A_1943, %dma_start3A_1944] : memref<98304x512xf32, #tpu.memory_space<hbm>> -> memref<48x512xf32, #tpu.memory_space<hbm>>
        %dma_start3A_1946 = arith.constant 0 : i32
        %dma_start3A_1947 = tpu.memref_slice %arg3[%add3A_1943, %dma_start3A_1946] : memref<98304x512xf32, #tpu.memory_space<hbm>> -> memref<48x512xf32, #tpu.memory_space<hbm>>
        tpu.enqueue_dma source(%dma_start3A_1947 : memref<48x512xf32, #tpu.memory_space<hbm>>) target(%arg7 : memref<48x512xf32, #tpu.memory_space<vmem>>) target_semaphore(%arg11 : memref<!tpu.dma_semaphore, #tpu.memory_space<semaphore_mem>>)
      } else {
      }
      %add3A_1901 = arith.constant 2 : i32
      %add3A_1902 = arith.addi %mul3A_1663, %add3A_1901 : i32
      %mul3A_1903 = arith.constant 48 : i32
      %mul3A_1904 = arith.muli %add3A_1902, %mul3A_1903 : i32
      %add3A_1905 = arith.addi %mul3A_2, %mul3A_1904 : i32
      %dma_wait3A_1906 = arith.constant 0 : i32
      %dma_wait3A_1907 = tpu.memref_slice %arg4[%add3A_1905, %dma_wait3A_1906] : memref<98304x512xf32, #tpu.memory_space<hbm>> -> memref<48x512xf32, #tpu.memory_space<hbm>>
      %dma_wait3A_1908 = arith.constant 0 : i32
      %dma_wait3A_1909 = tpu.memref_slice %arg4[%add3A_1905, %dma_wait3A_1908] : memref<98304x512xf32, #tpu.memory_space<hbm>> -> memref<48x512xf32, #tpu.memory_space<hbm>>
      tpu.wait_dma2 semaphore(%arg16 : memref<!tpu.dma_semaphore, #tpu.memory_space<semaphore_mem>>) src(%arg8 : memref<48x512xf32, #tpu.memory_space<vmem>>) dst(%dma_wait3A_1909 : memref<48x512xf32, #tpu.memory_space<hbm>>)
      %add3A_1910 = arith.constant 2 : i32
      %add3A_1911 = arith.addi %mul3A_1663, %add3A_1910 : i32
      %add3A_1912 = arith.constant 4 : i32
      %add3A_1913 = arith.addi %add3A_1911, %add3A_1912 : i32
      %lt3A_1914 = arith.constant 64 : i32
      %lt3A_1915 = arith.cmpi slt, %add3A_1913, %lt3A_1914 : i32
      %convert_element_type3A_1916 = arith.extui %lt3A_1915 : i1 to i32
      %cond3A_1917 = arith.constant 0 : i32
      %cond3A_1918 = arith.cmpi ne, %convert_element_type3A_1916, %cond3A_1917 : i32
      scf.if %cond3A_1918 {
        %add3A_1937 = arith.constant 2 : i32
        %add3A_1938 = arith.addi %mul3A_1663, %add3A_1937 : i32
        %add3A_1939 = arith.constant 4 : i32
        %add3A_1940 = arith.addi %add3A_1938, %add3A_1939 : i32
        %mul3A_1941 = arith.constant 48 : i32
        %mul3A_1942 = arith.muli %add3A_1940, %mul3A_1941 : i32
        %add3A_1943 = arith.addi %mul3A_2, %mul3A_1942 : i32
        %dma_start3A_1944 = arith.constant 0 : i32
        %dma_start3A_1945 = tpu.memref_slice %arg3[%add3A_1943, %dma_start3A_1944] : memref<98304x512xf32, #tpu.memory_space<hbm>> -> memref<48x512xf32, #tpu.memory_space<hbm>>
        %dma_start3A_1946 = arith.constant 0 : i32
        %dma_start3A_1947 = tpu.memref_slice %arg3[%add3A_1943, %dma_start3A_1946] : memref<98304x512xf32, #tpu.memory_space<hbm>> -> memref<48x512xf32, #tpu.memory_space<hbm>>
        tpu.enqueue_dma source(%dma_start3A_1947 : memref<48x512xf32, #tpu.memory_space<hbm>>) target(%arg8 : memref<48x512xf32, #tpu.memory_space<vmem>>) target_semaphore(%arg12 : memref<!tpu.dma_semaphore, #tpu.memory_space<semaphore_mem>>)
      } else {
      }
      %add3A_1919 = arith.constant 3 : i32
      %add3A_1920 = arith.addi %mul3A_1663, %add3A_1919 : i32
      %mul3A_1921 = arith.constant 48 : i32
      %mul3A_1922 = arith.muli %add3A_1920, %mul3A_1921 : i32
      %add3A_1923 = arith.addi %mul3A_2, %mul3A_1922 : i32
      %dma_wait3A_1924 = arith.constant 0 : i32
      %dma_wait3A_1925 = tpu.memref_slice %arg4[%add3A_1923, %dma_wait3A_1924] : memref<98304x512xf32, #tpu.memory_space<hbm>> -> memref<48x512xf32, #tpu.memory_space<hbm>>
      %dma_wait3A_1926 = arith.constant 0 : i32
      %dma_wait3A_1927 = tpu.memref_slice %arg4[%add3A_1923, %dma_wait3A_1926] : memref<98304x512xf32, #tpu.memory_space<hbm>> -> memref<48x512xf32, #tpu.memory_space<hbm>>
      tpu.wait_dma2 semaphore(%arg17 : memref<!tpu.dma_semaphore, #tpu.memory_space<semaphore_mem>>) src(%arg9 : memref<48x512xf32, #tpu.memory_space<vmem>>) dst(%dma_wait3A_1927 : memref<48x512xf32, #tpu.memory_space<hbm>>)
      %add3A_1928 = arith.constant 3 : i32
      %add3A_1929 = arith.addi %mul3A_1663, %add3A_1928 : i32
      %add3A_1930 = arith.constant 4 : i32
      %add3A_1931 = arith.addi %add3A_1929, %add3A_1930 : i32
      %lt3A_1932 = arith.constant 64 : i32
      %lt3A_1933 = arith.cmpi slt, %add3A_1931, %lt3A_1932 : i32
      %convert_element_type3A_1934 = arith.extui %lt3A_1933 : i1 to i32
      %cond3A_1935 = arith.constant 0 : i32
      %cond3A_1936 = arith.cmpi ne, %convert_element_type3A_1934, %cond3A_1935 : i32
      scf.if %cond3A_1936 {
        %add3A_1937 = arith.constant 3 : i32
        %add3A_1938 = arith.addi %mul3A_1663, %add3A_1937 : i32
        %add3A_1939 = arith.constant 4 : i32
        %add3A_1940 = arith.addi %add3A_1938, %add3A_1939 : i32
        %mul3A_1941 = arith.constant 48 : i32
        %mul3A_1942 = arith.muli %add3A_1940, %mul3A_1941 : i32
        %add3A_1943 = arith.addi %mul3A_2, %mul3A_1942 : i32
        %dma_start3A_1944 = arith.constant 0 : i32
        %dma_start3A_1945 = tpu.memref_slice %arg3[%add3A_1943, %dma_start3A_1944] : memref<98304x512xf32, #tpu.memory_space<hbm>> -> memref<48x512xf32, #tpu.memory_space<hbm>>
        %dma_start3A_1946 = arith.constant 0 : i32
        %dma_start3A_1947 = tpu.memref_slice %arg3[%add3A_1943, %dma_start3A_1946] : memref<98304x512xf32, #tpu.memory_space<hbm>> -> memref<48x512xf32, #tpu.memory_space<hbm>>
        tpu.enqueue_dma source(%dma_start3A_1947 : memref<48x512xf32, #tpu.memory_space<hbm>>) target(%arg9 : memref<48x512xf32, #tpu.memory_space<vmem>>) target_semaphore(%arg13 : memref<!tpu.dma_semaphore, #tpu.memory_space<semaphore_mem>>)
      } else {
      }
    }
    %scan3A_1660 = arith.constant 16 : i32
    return
  }
}

</mosaic_0001>

<sc_bundles>
// kernel: kernel.3.cloned.1.call-start
scs
__scs_entry_jumppad:
0x0: {  	(pc) =	sbr.rel $0x88, $3  }
0x1: {  	(tag) =	ssettag $0x0;
	lr =	simm.s32 $0x1  }
0x2: {  	[smem:$0x3FA0] =	sst lr;
	_ =	strace $0xD0000000  }
0x3: {  	_ = 	snop  }
0x4: {  	_ = 	snop  }
0x5: {  	_ = 	snop  }
0x6: {  	_ = 	snop  }
0x7: {  	_ = 	snop  }
__scs_overlays_trampoline_lowered:
0x8: {  	[smem:$0x3FAF] =	sst s0  }
0x9: {  	[smem:$0x3FB0] =	sst s1  }
0xa: {  	[smem:$0x3FB1] =	sst s2  }
0xb: {  	[smem:$0x3FB2] =	sst s3  }
0xc: {  	[smem:$0x3FB3] =	sst s4  }
0xd: {  	[smem:$0x3FB4] =	sst s5  }
0xe: {  	[smem:$0x3FB5] =	sst s6  }
0xf: {  	[smem:$0x3FB6] =	sst s7  }
0x10: {  	[smem:$0x3FB7] =	sst s8  }
0x11: {  	[smem:$0x3FB8] =	sst s9;
	s0 =	simm.s32 @!p0 $0x0  }
0x12: {  	s1 =	sld [smem:$0x3F9E];
	s0 =	simm.s32 @p0 $0x1  }
0x13: {  	[smem:$0x3FB9] =	sst s0;
	s0 =	simm.s32 @!p1 $0x0  }
0x14: {  	s2 =	sld [smem:$0x3F9D];
	s0 =	simm.s32 @p1 $0x1  }
0x15: {  	[smem:$0x3FBA] =	sst s0;
	s0 =	simm.s32 @!p2 $0x0  }
0x16: {  	s3 =	sld [smem:$0x3FDB];
	s0 =	simm.s32 @p2 $0x1  }
0x17: {  	s4 =	simm.s32 $0x1BF5;
	[smem:$0x3FBC] =	sst s0  }
0x18: {  	s0 =	sld [smem:$0x3F9F];
	_ =	swait.ge [sflag:s4], $0x0  }
0x19: {  	s7 =	sld [smem:$0x3FA0]  }
0x1a: {  	s8 =	sadd.s32 $0xFFFFE003, lr  }
0x1b: {  	s9 =	sadd.s32 $0xFFFFFEF7, lr;
	s5 =	simm.s32 $0xFFFFFFFF;
	p2 =	slt.u32 s8, $0xFFFFF086  }
0x1c: {  	p1 =	slt.u32 s9, $0xF7A;
	s5 =	simm.s32 @!p2 $0x0  }
0x1d: {  	s5 =	simm.s32 @p1 $0x1;
	p0 =	seq.s32 s7, s2  }
0x1e: {  	s7 =	smul.u32 @!p0 $0xF7A, s2;
	p2 =	seq.s32 @!p0 s5, $0x0  }
0x1f: {  	s9 =	smul.u32 $0xF7A, s1;
	s8 =	simm.s32 @!p0 $0x1BF5;
	p2 =	por !p2, p0  }
0x20: {  	[sflag:s8] =	ssyncset.s32 @!p0 $0xFFFFF086;
	s6 =	sadd.s32 @!p0 s3, s7;
	s7 =	simm.s32 @!p0 $0x108  }
0x21: {  	s3 =	sadd.s32 s3, s9;
	s6 =	sadd.s32 @!p0 $0x88, s6;
	s7 =	simm.s32 @p2 $0x1082  }
0x22: {  	[simem:s7], [sflag:s8] =	dma.local @!p0 [hbm:s6], $0xF7A  }
0x23: {  	s9 =	sor.u32 $0xD0000000, s2;
	s6 =	simm.s32 $0x108;
	_ =	swait.ge @!p0 [sflag:s8], $0x0  }
0x24: {  	s3 =	sadd.s32 $0x88, s3;
	s6 =	simm.s32 @!p1 $0x1082;
	[sflag:s4] =	ssyncset.s32 $0xFFFFF086  }
0x25: {  	[simem:s6], [sflag:s4] =	dma.local [hbm:s3], $0xF7A  }
0x26: {  	[smem:$0x3FA0] =	sst s1;
	(tag) =	ssettag s2;
	_ =	strace s9  }
0x27: {  	s1 =	sld [smem:$0x3FB0]  }
0x28: {  	s2 =	sld [smem:$0x3FB1]  }
0x29: {  	s4 =	sld [smem:$0x3FB3]  }
0x2a: {  	p0 =	seq.s32 s5, $0x0;
	s5 =	sld [smem:$0x3FB4]  }
0x2b: {  	s6 =	sld [smem:$0x3FB5]  }
0x2c: {  	s7 =	sld [smem:$0x3FB6]  }
0x2d: {  	s3 =	simm.s32 $0x108;
	s8 =	sld [smem:$0x3FB7]  }
0x2e: {  	s3 =	simm.s32 @!p0 $0x1082;
	s9 =	sld [smem:$0x3FB8]  }
0x2f: {  	lr =	sadd.s32 s0, s3;
	s0 =	sld [smem:$0x3FAF]  }
0x30: {  	s3 =	sld [smem:$0x3FB2]  }
0x31: {  	[smem:$0x3FBB] =	sst s10  }
0x32: {  	s10 =	sld [smem:$0x3FB9];
	_ =	sdelay $0x3  }
0x33: {  	p0 =	seq.s32 s10, $0x1;
	s10 =	sld [smem:$0x3FBB];
	_ =	sdelay $0x3  }
0x34: {  	[smem:$0x3FBB] =	sst s10  }
0x35: {  	s10 =	sld [smem:$0x3FBA];
	_ =	sdelay $0x3  }
0x36: {  	p1 =	seq.s32 s10, $0x1;
	s10 =	sld [smem:$0x3FBB];
	_ =	sdelay $0x3  }
0x37: {  	[smem:$0x3FBB] =	sst s10  }
0x38: {  	s10 =	sld [smem:$0x3FBC]  }
0x39: {  	_ = 	snop;
	(pc) =	sbr.ind lr, $3  }
0x3a: {  	_ = 	snop  }
0x3b: {  	_ = 	snop  }
0x3c: {  	p2 =	seq.s32 s10, $0x1;
	s10 =	sld [smem:$0x3FBB]  }
0x3d: {  	_ =	shalt  }
0x3e: {  	_ =	shalt  }
0x3f: {  	_ =	shalt  }
0x40: {  	_ =	shalt  }
0x41: {  	_ =	shalt  }
0x42: {  	_ =	shalt  }
0x43: {  	_ =	shalt  }
0x44: {  	_ =	shalt  }
0x45: {  	_ =	shalt  }
0x46: {  	_ =	shalt  }
0x47: {  	_ =	shalt  }
0x48: {  	_ =	shalt  }
0x49: {  	_ =	shalt  }
0x4a: {  	_ =	shalt  }
0x4b: {  	_ =	shalt  }
0x4c: {  	_ =	shalt  }
0x4d: {  	_ =	shalt  }
0x4e: {  	_ =	shalt  }
0x4f: {  	_ =	shalt  }
0x50: {  	_ =	shalt  }
0x51: {  	_ =	shalt  }
0x52: {  	_ =	shalt  }
0x53: {  	_ =	shalt  }
0x54: {  	_ =	shalt  }
0x55: {  	_ =	shalt  }
0x56: {  	_ =	shalt  }
0x57: {  	_ =	shalt  }
0x58: {  	_ =	shalt  }
0x59: {  	_ =	shalt  }
0x5a: {  	_ =	shalt  }
0x5b: {  	_ =	shalt  }
0x5c: {  	_ =	shalt  }
0x5d: {  	_ =	shalt  }
0x5e: {  	_ =	shalt  }
0x5f: {  	_ =	shalt  }
0x60: {  	_ =	shalt  }
0x61: {  	_ =	shalt  }
0x62: {  	_ =	shalt  }
0x63: {  	_ =	shalt  }
0x64: {  	_ =	shalt  }
0x65: {  	_ =	shalt  }
0x66: {  	_ =	shalt  }
0x67: {  	_ =	shalt  }
0x68: {  	_ =	shalt  }
0x69: {  	_ =	shalt  }
0x6a: {  	_ =	shalt  }
0x6b: {  	_ =	shalt  }
0x6c: {  	_ =	shalt  }
0x6d: {  	_ =	shalt  }
0x6e: {  	_ =	shalt  }
0x6f: {  	_ =	shalt  }
0x70: {  	_ =	shalt  }
0x71: {  	_ =	shalt  }
0x72: {  	_ =	shalt  }
0x73: {  	_ =	shalt  }
0x74: {  	_ =	shalt  }
0x75: {  	_ =	shalt  }
0x76: {  	_ =	shalt  }
0x77: {  	_ =	shalt  }
0x78: {  	_ =	shalt  }
0x79: {  	_ =	shalt  }
0x7a: {  	_ =	shalt  }
0x7b: {  	_ =	shalt  }
0x7c: {  	_ =	shalt  }
0x7d: {  	_ =	shalt  }
0x7e: {  	_ =	shalt  }
0x7f: {  	_ =	shalt  }
0x80: {  	_ =	shalt  }
0x81: {  	_ =	shalt  }
0x82: {  	_ =	shalt  }
0x83: {  	_ =	shalt  }
0x84: {  	_ =	shalt  }
0x85: {  	_ =	shalt  }
0x86: {  	_ =	shalt  }
0x87: {  	_ =	shalt  }
.Lfunc_end0:
.L_simem_size_0:
called_computation_lowered:
.L_overlay_start_0:
0x88: {  	s2 =	sld [smem:$0x3FD9]  }
0x89: {  	s3 =	sld [smem:$0x3FFE];
	_ =	sdelay $0x1  }
0x8a: {  	s1 =	srdreg.scid  }
0x8b: {  	s0 =	sand.u32 $0x1, s1  }
0x8c: {  	s17 =	sshll.u32 s0, $0xA;
	s2 =	sadd.s32 s3, s2  }
0x8d: {  	s2 =	sadd.s32 s2, s17  }
0x8e: {  	[smem:$0x3FC7] =	sst s2  }
0x8f: {  	_ = 	snop  }
0x90: {  	s2 =	sld [smem:$0x3FC9]  }
0x91: {  	s18 =	sld [smem:$0x3FD0];
	(tm) =	ssettm $0x1  }
0x92: {  	s4 =	sld [smem:$0x3FFB];
	_ =	sdelay $0x3  }
0x93: {  	_ =	strace s4  }
0x94: {  	s4 =	sld [smem:$0x3FFC];
	_ =	sdelay $0x3  }
0x95: {  	_ =	strace s4  }
0x96: {  	s4 =	sld [smem:$0x3FFD];
	_ =	sdelay $0x3  }
0x97: {  	_ =	strace s4  }
0x98: {  	_ =	strace $0x8FFFFFFF  }
0x99: {  	s19 =	sld [smem:$0x3FDB];
	_ =	sdelay $0x1  }
0x9a: {  	s5 =	simm.s32 $_scs_section_size  }
0x9b: {  	s6 =	simm.s32 $_size__tile_overlayer_lowered;
	s7 =	simm.s32 $_tile_overlayer_lowered  }
0x9c: {  	s22 =	simm.s32 $0x1BFF;
	s21 =	sshll.u32 s7, $0x1;
	s4 =	sadd.s32 s5, s19  }
0x9d: {  	s8 =	simm.s32 $0x0;
	s20 =	sshll.u32 s6, $0x1;
	s6 =	sadd.s32 s21, s4  }
0x9e: {  	[timem:s8], [sflag:s22] =	dma.local [hbm:s6], s20  }
0x9f: {  	_ =	swait.ge [sflag:s22], s20  }
0xa0: {  	s5 =	ssub.s32 $0x0, s20;
	[sflag:s22] =	ssyncset.done $0x0  }
0xa1: {  	[sflag:s22] =	ssyncadd.s32 s5;
	_ =	sdelay $0x1  }
0xa2: {  	s23 =	simm.s32 $0x1B8B  }
0xa3: {  	_ =	swait.ge [sflag:s23], $0x1  }
0xa4: {  	[sflag:s23] =	ssyncset.done $0x0  }
0xa5: {  	s25 =	simm.s32 $0x1B8E;
	s24 =	sld [smem:$0x3FFE];
	[sflag:s23] =	ssyncadd.s32 $0xFFFFFFFF  }
0xa6: {  	s26 =	simm.s32 $execute0_lowered;
	[smem:$0x3FD2] =	sst s25  }
0xa7: {  	s6 =	sshll.u32 s26, $0x1;
	_ =	strace $0x80000046;
	[dreg:$0x1] =	wrdreg $0xFFFFFFFF  }
0xa8: {  	s28 =	simm.s32 $_size_execute0_lowered;
	s4 =	sadd.s32 s4, s6;
	[dreg:$0x0] =	wrdreg $0x0  }
0xa9: {  	s6 =	sshll.u32 s28, $0x1;
	[dreg:$0x2] =	wrdreg s4  }
0xaa: {  	[dreg:$0x3] =	wrdreg s6  }
0xab: {  	[dreg:$0x4] =	wrdreg $0xC0  }
0xac: {  	_ =	task [dreg:s8], $0x5FFFF  }
0xad: {  	[dreg:$0x1] =	wrdreg $0xFFFFFFFF  }
0xae: {  	[dreg:$0x0] =	wrdreg $0x60  }
0xaf: {  	[dreg:$0x2] =	wrdreg s24  }
0xb0: {  	[dreg:$0x3] =	wrdreg s2  }
0xb1: {  	[dreg:$0x4] =	wrdreg s18  }
0xb2: {  	[dreg:$0x5] =	wrdreg $0x9  }
0xb3: {  	_ =	task.clear_ibuf [dreg:s8], $0x6FFFF;
	_ =	strace $0x90000046  }
0xb4: {  	s29 =	simm.s32 $0x9;
	_ =	strace $0x80000048  }
0xb5: {  	_ =	swait.ge [sflag:s29], $0x1  }
0xb6: {  	[sflag:s29] =	ssyncadd.s32 $0xFFFFFFFF  }
0xb7: {  	_ =	strace $0x90000048  }
0xb8: {  	_ =	sfence  }
0xb9: {  	s30 =	sld [smem:$0x0];
	_ =	sdelay $0x2  }
0xba: {  	s31 =	sshll.u32 s1, $0xD;
	s1 =	sshrl.u32 s1, $0x2  }
0xbb: {  	s3 =	sand.u32 $0x4000, s31;
	s1 =	sadd.s32 s1, s30  }
0xbc: {  	s0 =	sor.u32 s3, s0;
	s1 =	sshll.u32 s1, $0x11  }
0xbd: {  	s0 =	sor.u32 s1, s0  }
0xbe: {  	s0 =	sadd.s32 $0x8F2B, s0  }
0xbf: {  	[sflag:s0] =	ssyncadd.remote.s32 $0x1  }
0xc0: {  	_ =	sfence.sel $0xFFFF  }
0xc1: {  	[dreg:$0x0] =	wrdreg $0xFFFFFFFF;
	(pc) =	sbr.abs _section_cstart, $3  }
0xc2: {  	[dreg:$0x1] =	wrdreg $0xFFFFFFFF  }
0xc3: {  	_ =	task.clear_ibuf [dreg:s8], $0x2FFFF;
	_ =	strace $0x9FFFFFFF  }
0xc4: {  	(tm) =	ssettm $0x7FFFFFFF  }
0xc5: {  	_ =	shalt  }
tec
execute0_lowered:
.L_overlay_start_1:
0x0: {  	(tag) =	ssettag $0x1  }
0x1: {  	v0 =	vimm.s32 $0xFEDCBA9  }
0x2: {  	v1 =	vimm.s32 $0x87654321;
	v2 =	vimm.s32 $0x10FEDCBA;
	v20 =	vimm.s32 $0x98765432  }
0x3: {  	v3 =	vimm.s32 $0x3210FEDC;
	v4 =	vimm.s32 $0xBA987654;
	v5 =	vimm.s32 $0xFEDCBA98  }
0x4: {  	v6 =	vimm.s32 $0x76543210;
	v24 =	vlaneseq.u32;
	v50 =	vimm.s32 $0x1380  }
0x5: {  	vm2 =	vcmask $0x300;
	vm7 =	vcmask $0x704;
	vm6 =	vcmask $0xB08  }
0x6: {  	vm5 =	vcmask $0xF0C;
	vm4 =	vcmask $0x1310;
	vm3 =	vcmask $0x1714  }
0x7: {  	vm1 =	vcmask $0x1B18;
	vm0 =	vcmask $0x1F1C;
	v27 =	vor.u32 $0x1F0, v24  }
0x8: {  	v59 =	vimm.s32 $0x3380;
	v60 =	vimm.s32 $0x5380;
	v28 =	vor.u32 $0x1E0, v24;
	[tilespmem:$0x1FDE0] =	vst v27  }
0x9: {  	vm9 =	vcmask $0x2320;
	vm10 =	vcmask $0x2724;
	v29 =	vor.u32 $0x1D0, v24;
	[tilespmem:$0x1FDF0] =	vst v28  }
0xa: {  	vm11 =	vcmask $0x2B28;
	vm12 =	vcmask $0x2F2C;
	v30 =	vor.u32 $0x1C0, v24;
	[tilespmem:$0x1FE00] =	vst v29  }
0xb: {  	vm13 =	vcmask $0x3330;
	vm14 =	vcmask $0x3734;
	v31 =	vor.u32 $0x1B0, v24;
	[tilespmem:$0x1FE10] =	vst v30  }
0xc: {  	vm15 =	vcmask $0x3B38;
	v0 =	vunpack.c.l.s4.s8 v0;
	v32 =	vor.u32 $0x1A0, v24;
	[tilespmem:$0x1FE20] =	vst v31  }
0xd: {  	v1 =	vunpack.c.l.s4.s8 v1;
	v2 =	vunpack.c.l.s4.s8 v2;
	v33 =	vor.u32 $0x190, v24;
	[tilespmem:$0x1FE30] =	vst v32  }
0xe: {  	v3 =	vunpack.c.l.s4.s8 v3;
	v4 =	vunpack.c.l.s4.s8 v4;
	v34 =	vor.u32 $0x180, v24;
	[tilespmem:$0x1FE40] =	vst v33  }
0xf: {  	v5 =	vunpack.c.l.s4.s8 v5;
	v6 =	vunpack.c.l.s4.s8 v6;
	v35 =	vor.u32 $0x170, v24;
	[tilespmem:$0x1FE50] =	vst v34  }
0x10: {  	v36 =	vor.u32 $0x160, v24;
	v37 =	vor.u32 $0x150, v24;
	v38 =	vor.u32 $0x140, v24;
	[tilespmem:$0x1FE60] =	vst v35  }
0x11: {  	v39 =	vor.u32 $0x130, v24;
	v40 =	vor.u32 $0x120, v24;
	v41 =	vor.u32 $0x110, v24;
	[tilespmem:$0x1FE70] =	vst v36  }
0x12: {  	v42 =	vor.u32 $0x100, v24;
	v43 =	vor.u32 $0xF0, v24;
	v44 =	vor.u32 $0xE0, v24;
	[tilespmem:$0x1FE80] =	vst v37  }
0x13: {  	v45 =	vor.u32 $0xD0, v24;
	v46 =	vor.u32 $0xC0, v24;
	v47 =	vor.u32 $0xB0, v24;
	[tilespmem:$0x1FE90] =	vst v38  }
0x14: {  	v48 =	vor.u32 $0xA0, v24;
	v49 =	vor.u32 $0x90, v24;
	v51 =	vor.u32 $0x80, v24;
	[tilespmem:$0x1FEA0] =	vst v39  }
0x15: {  	v52 =	vor.u32 $0x70, v24;
	v53 =	vor.u32 $0x60, v24;
	v54 =	vor.u32 $0x50, v24;
	[tilespmem:$0x1FEB0] =	vst v40  }
0x16: {  	v55 =	vor.u32 $0x40, v24;
	v56 =	vor.u32 $0x30, v24;
	v57 =	vor.u32 $0x20, v24;
	[tilespmem:$0x1FEC0] =	vst v41  }
0x17: {  	v58 =	vor.u32 $0x10, v24;
	[tilespmem:$0x1FED0] =	vst v42;
	v0 =	vunpack.c.0.s8.s32 v0;
	v1 =	vunpack.c.0.s8.s32 v1  }
0x18: {  	[tilespmem:$0x1FEE0] =	vst v43;
	v19 =	vunpack.c.0.s8.s32 v2;
	v2 =	vunpack.c.l.s4.s8 v20;
	v3 =	vunpack.c.0.s8.s32 v3  }
0x19: {  	[tilespmem:$0x1FEF0] =	vst v44;
	v4 =	vunpack.c.0.s8.s32 v4;
	v21 =	vunpack.c.0.s8.s32 v5;
	v5 =	vsel vm2, $0x2000, v59  }
0x1a: {  	[tilespmem:$0x1FF00] =	vst v45;
	v22 =	vunpack.c.0.s8.s32 v6;
	v6 =	vsel vm2, $0x4000, v60;
	v5 =	vsel vm7, $0x2080, v5  }
0x1b: {  	[tilespmem:$0x1FF10] =	vst v46;
	v6 =	vsel vm7, $0x4080, v6;
	v0 =	vcombine.low v1, v0;
	v2 =	vunpack.c.0.s8.s32 v2  }
0x1c: {  	[tilespmem:$0x1FF20] =	vst v47;
	v3 =	vcombine.low v4, v3;
	v5 =	vsel vm6, $0x2100, v5;
	v6 =	vsel vm6, $0x4100, v6  }
0x1d: {  	[tilespmem:$0x1FF30] =	vst v48;
	v5 =	vsel vm5, $0x2180, v5;
	v1 =	vcombine.low v2, v19;
	v2 =	vand.u32 $0xF, v21  }
0x1e: {  	[tilespmem:$0x1FF40] =	vst v49;
	v6 =	vsel vm5, $0x4180, v6;
	v26 =	vcombine.low v2, v22;
	v2 =	vsel vm2, $0x0, v50  }
0x1f: {  	s0 =	rddreg [dreg:$0x0];
	[tilespmem:$0x1FF50] =	vst v51;
	v0 =	vand.u32 $0xF, v0;
	v25 =	vand.u32 $0xF, v3;
	v2 =	vsel vm7, $0x80, v2  }
0x20: {  	s8 =	rddreg [dreg:$0x1];
	s2 =	srdreg.scid;
	[tilespmem:$0x1FF60] =	vst v52;
	v5 =	vsel vm4, $0x2200, v5;
	v6 =	vsel vm4, $0x4200, v6;
	v2 =	vsel vm6, $0x100, v2  }
0x21: {  	s1 =	stileid.u32;
	s10 =	rddreg [dreg:$0x2];
	s3 =	simm.s32 $0x0;
	[tilespmem:$0x1FF70] =	vst v53;
	v5 =	vsel vm3, $0x2280, v5;
	v6 =	vsel vm3, $0x4280, v6;
	v2 =	vsel vm5, $0x180, v2  }
0x22: {  	s14 =	simm.s32 $0x12200;
	s15 =	simm.s32 $0x9;
	s16 =	simm.s32 $0x1;
	[tilespmem:$0x1FF80] =	vst v54;
	v23 =	vand.u32 $0xF, v1;
	v5 =	vsel vm1, $0x2300, v5;
	v2 =	vsel vm4, $0x200, v2  }
0x23: {  	s17 =	simm.s32 $0x2;
	s18 =	simm.s32 $0x3;
	s19 =	simm.s32 $0x4;
	[tilespmem:$0x1FF90] =	vst v55;
	v6 =	vsel vm1, $0x4300, v6;
	v5 =	vsel vm0, $0x2380, v5;
	v2 =	vsel vm3, $0x280, v2  }
0x24: {  	s20 =	simm.s32 $0x5;
	s21 =	simm.s32 $0x6;
	s22 =	simm.s32 $0x7;
	[tilespmem:$0x1FFA0] =	vst v56;
	v6 =	vsel vm0, $0x4380, v6;
	v5 =	vsel vm9, $0x3000, v5;
	v2 =	vsel vm1, $0x300, v2  }
0x25: {  	s23 =	simm.s32 $0x8;
	s24 =	simm.s32 $0x0;
	s6 =	sand.u32 $0x1, s2;
	[tilespmem:$0x1FFB0] =	vst v57;
	v6 =	vsel vm9, $0x5000, v6;
	v5 =	vsel vm10, $0x3080, v5;
	v2 =	vsel vm0, $0x380, v2  }
0x26: {  	s4 =	sshll.u32 s1, $0x1;
	s2 =	rddreg [dreg:$0x3];
	s11 =	smul.u32 $0x60000, s1;
	[tilespmem:$0x1FFC0] =	vst v58;
	v6 =	vsel vm10, $0x5080, v6;
	v5 =	vsel vm11, $0x3100, v5;
	v2 =	vsel vm9, $0x1000, v2  }
0x27: {  	s4 =	sor.u32 s6, s4;
	s5 =	ssub.s32 $0x2, s6;
	s12 =	smul.u32 $0x30000, s6;
	[tilespmem:$0x1FDA0] =	vst v0;
	v6 =	vsel vm11, $0x5100, v6;
	v5 =	vsel vm12, $0x3180, v5;
	v2 =	vsel vm10, $0x1080, v2  }
0x28: {  	[smem:$0x7FF] =	sst s3;
	s4 =	smul.u32 $0x30000, s4;
	s7 =	sshrl.u32 s5, $0x1;
	[tilespmem:$0x1FDC0] =	vst v25;
	v6 =	vsel vm12, $0x5180, v6;
	v5 =	vsel vm13, $0x3200, v5;
	v2 =	vsel vm11, $0x1100, v2  }
.Ltmp0:
0x29: {  	s13 =	sadd.s32 s11, s8;
	s10 =	sadd.s32 s11, s10;
	[tilespmem:$0x1FDB0] =	vst v23;
	v6 =	vsel vm13, $0x5200, v6;
	v5 =	vsel vm14, $0x3280, v5;
	v2 =	vsel vm12, $0x1180, v2;
	(pc) =	sbr.rel .LBB2_1-.Ltmp0, $4  }
0x2a: {  	s11 =	simm.s32 $0x200;
	s9 =	ssub.s32 s5, s7;
	s10 =	sadd.s32 s12, s10;
	[tilespmem:$0x1FDD0] =	vst v26;
	v6 =	vsel vm14, $0x5280, v6;
	v62 =	vsel vm15, $0x3300, v5;
	v2 =	vsel vm13, $0x1200, v2  }
0x2b: {  	s4 =	sadd.s32 s8, s4;
	s8 =	smax.u32 s9, $0x1;
	_ =	strace $0x80000047;
	v63 =	vsel vm15, $0x5300, v6;
	[tilespmem:$0x1FFE0] =	vst v62;
	v2 =	vsel vm14, $0x1280, v2  }
0x2c: {  	s9 =	sadd.s32 s12, s13;
	s12 =	simm.s32 $0x6200;
	s13 =	simm.s32 $0xC200;
	[tilespmem:$0x1FFF0] =	vst v63;
	v61 =	vsel vm15, $0x1300, v2  }
0x2d: {  	s5 =	sadd.s32 $0xC00, s4;
	s6 =	sadd.s32 $0x1800, s4;
	s7 =	sadd.s32 $0x2400, s4;
	[tilespmem:$0x1FFD0] =	vst v61  }
.LBB2_4:
0x2e: {  	_ =	swait.ge [sflag:s21], $0x6000  }
0x2f: {  	[sflag:s21] =	ssyncset.done $0x0  }
0x30: {  	s24 =	sadd.s32 $0x1, s24;
	[sflag:s21] =	ssyncadd.s32 $0xFFFFA000  }
0x31: {  	p0 =	sne.s32 s24, s8;
	_ =	swait.ge [sflag:s22], $0x6000  }
.Ltmp1:
0x32: {  	[sflag:s22] =	ssyncset.done $0x0;
	(pc) =	sbr.rel @!p0 .LBB2_5-.Ltmp1, $4  }
0x33: {  	[sflag:s22] =	ssyncadd.s32 $0xFFFFA000  }
0x34: {  	_ =	swait.ge [sflag:s23], $0x6000  }
0x35: {  	[sflag:s23] =	ssyncset.done $0x0  }
0x36: {  	[sflag:s23] =	ssyncadd.s32 $0xFFFFA000  }
.LBB2_1:
0x37: {  	[tilespmem:s11], [sflag:$0x1] =	stream.linear.gather [hbm4b:s4+s3], $0x6000, $0x38;
	[tilespmem:$0x18200] =	vst v63  }
0x38: {  	_ = 	snop  }
0x39: {  	[tilespmem:s12], [sflag:$0x2] =	stream.linear.gather [hbm4b:s5+s3], $0x6000, $0x38;
	[tilespmem:$0x18200] =	vst v63  }
0x3a: {  	_ = 	snop  }
0x3b: {  	[tilespmem:s13], [sflag:$0x3] =	stream.linear.gather [hbm4b:s6+s3], $0x6000, $0x38;
	[tilespmem:$0x18200] =	vst v63  }
0x3c: {  	_ = 	snop  }
0x3d: {  	[tilespmem:s14], [sflag:$0x4] =	stream.linear.gather [hbm4b:s7+s3], $0x6000, $0x38;
	[tilespmem:$0x18200] =	vst v63  }
0x3e: {  	_ = 	snop  }
0x3f: {  	[tilespmem:s3], [sflag:$0x9] =	stream.linear.gather [hbm4b:s0+s3], $0x200, $0x38;
	[tilespmem:$0x18200] =	vst v63  }
0x40: {  	_ =	swait.ge [sflag:s15], $0x200  }
0x41: {  	[sflag:s15] =	ssyncset.done $0x0  }
0x42: {  	[sflag:s15] =	ssyncadd.s32 $0xFFFFFE00  }
0x43: {  	v60 =	vld [tilespmem:$0x0]  }
0x44: {  	v37 =	vld [tilespmem:$0x10]  }
0x45: {  	v12 =	vld [tilespmem:$0x20]  }
0x46: {  	v14 =	vld [tilespmem:$0x30]  }
0x47: {  	v15 =	vld [tilespmem:$0x40]  }
0x48: {  	v16 =	vld [tilespmem:$0x50];
	v2 =	vmax.f32 v60, $-3.402823470e+38  }
0x49: {  	v38 =	vld [tilespmem:$0x60];
	v2 =	vmax.f32 v2, v37  }
0x4a: {  	v36 =	vld [tilespmem:$0x70];
	v2 =	vmax.f32 v2, v12  }
0x4b: {  	v17 =	vld [tilespmem:$0x80];
	v39 =	vmax.f32 v2, v14  }
0x4c: {  	v63 =	vld [tilespmem:$0x90];
	v39 =	vmax.f32 v39, v15  }
0x4d: {  	v62 =	vld [tilespmem:$0xA0];
	v39 =	vmax.f32 v39, v16  }
0x4e: {  	v61 =	vld [tilespmem:$0xB0];
	v39 =	vmax.f32 v39, v38  }
0x4f: {  	v59 =	vld [tilespmem:$0xC0];
	v39 =	vmax.f32 v39, v36  }
0x50: {  	v58 =	vld [tilespmem:$0xD0];
	v39 =	vmax.f32 v39, v17  }
0x51: {  	v57 =	vld [tilespmem:$0xE0];
	v39 =	vmax.f32 v39, v63  }
0x52: {  	v56 =	vld [tilespmem:$0xF0];
	v39 =	vmax.f32 v39, v62  }
0x53: {  	v55 =	vld [tilespmem:$0x100];
	v39 =	vmax.f32 v39, v61  }
0x54: {  	v54 =	vld [tilespmem:$0x110];
	v39 =	vmax.f32 v39, v59  }
0x55: {  	v53 =	vld [tilespmem:$0x120];
	v39 =	vmax.f32 v39, v58  }
0x56: {  	v52 =	vld [tilespmem:$0x130];
	v39 =	vmax.f32 v39, v57  }
0x57: {  	v51 =	vld [tilespmem:$0x140];
	v39 =	vmax.f32 v39, v56  }
0x58: {  	v50 =	vld [tilespmem:$0x150];
	v39 =	vmax.f32 v39, v55  }
0x59: {  	v49 =	vld [tilespmem:$0x160];
	v39 =	vmax.f32 v39, v54  }
0x5a: {  	v48 =	vld [tilespmem:$0x170];
	v39 =	vmax.f32 v39, v53  }
0x5b: {  	v47 =	vld [tilespmem:$0x180];
	v39 =	vmax.f32 v39, v52  }
0x5c: {  	v46 =	vld [tilespmem:$0x190];
	v39 =	vmax.f32 v39, v51  }
0x5d: {  	v45 =	vld [tilespmem:$0x1A0];
	v39 =	vmax.f32 v39, v50  }
0x5e: {  	v44 =	vld [tilespmem:$0x1B0];
	v39 =	vmax.f32 v39, v49  }
0x5f: {  	v43 =	vld [tilespmem:$0x1C0];
	v39 =	vmax.f32 v39, v48  }
0x60: {  	v41 =	vld [tilespmem:$0x1D0];
	v39 =	vmax.f32 v39, v47  }
0x61: {  	v40 =	vld [tilespmem:$0x1E0];
	v39 =	vmax.f32 v39, v46  }
0x62: {  	v42 =	vmax.f32 v39, v45;
	v39 =	vld [tilespmem:$0x1F0]  }
0x63: {  	v13 =	vld [tilespmem:$0x1FDA0];
	v42 =	vmax.f32 v42, v44  }
0x64: {  	v42 =	vmax.f32 v42, v43  }
0x65: {  	v42 =	vmax.f32 v42, v41  }
0x66: {  	v18 =	vld [tilespmem:$0x1FDB0];
	v42 =	vmax.f32 v42, v40  }
0x67: {  	v42 =	vmax.f32 v42, v39  }
0x68: {  	v9 =	vperm.xlane v42, v13  }
0x69: {  	v8 =	vld [tilespmem:$0x1FDC0]  }
0x6a: {  	v9 =	vmax.f32 v42, v9  }
0x6b: {  	v42 =	vperm.xlane v9, v18  }
0x6c: {  	v10 =	vld [tilespmem:$0x1FDD0]  }
0x6d: {  	v9 =	vmax.f32 v9, v42  }
0x6e: {  	v42 =	vperm.xlane v9, v8;
	_ =	sdelay $0x1  }
0x6f: {  	v0 =	vld [tilespmem:$0x1FDE0];
	v9 =	vmax.f32 v9, v42  }
0x70: {  	v42 =	vperm.xlane v9, v10;
	_ =	sdelay $0x1  }
0x71: {  	v9 =	vmax.f32 v9, v42  }
0x72: {  	vm0 =	veq.f32 v39, v9  }
0x73: {  	v35 =	vnsel vm0, $0x200, v0;
	v0 =	vld [tilespmem:$0x1FDF0];
	_ =	sdelay $0x3  }
0x74: {  	vm7 =	veq.f32 v40, v9  }
0x75: {  	v42 =	vsel vm7, v0, v35;
	v0 =	vld [tilespmem:$0x1FE00];
	_ =	sdelay $0x3  }
0x76: {  	vm8 =	veq.f32 v41, v9  }
0x77: {  	v42 =	vsel vm8, v0, v42;
	v0 =	vld [tilespmem:$0x1FE10];
	_ =	sdelay $0x3  }
0x78: {  	vm9 =	veq.f32 v43, v9  }
0x79: {  	v42 =	vsel vm9, v0, v42;
	v0 =	vld [tilespmem:$0x1FE20];
	_ =	sdelay $0x3  }
0x7a: {  	vm10 =	veq.f32 v44, v9  }
0x7b: {  	v42 =	vsel vm10, v0, v42;
	v0 =	vld [tilespmem:$0x1FE30];
	_ =	sdelay $0x3  }
0x7c: {  	vm11 =	veq.f32 v45, v9  }
0x7d: {  	v42 =	vsel vm11, v0, v42;
	v0 =	vld [tilespmem:$0x1FE40]  }
0x7e: {  	v19 =	vld [tilespmem:$0x1FE50]  }
0x7f: {  	v20 =	vld [tilespmem:$0x1FE60]  }
0x80: {  	v21 =	vld [tilespmem:$0x1FE70]  }
0x81: {  	v22 =	vld [tilespmem:$0x1FE80];
	vm12 =	veq.f32 v46, v9  }
0x82: {  	v23 =	vld [tilespmem:$0x1FE90];
	vm13 =	veq.f32 v47, v9;
	v42 =	vsel vm12, v0, v42  }
0x83: {  	v24 =	vld [tilespmem:$0x1FEA0];
	vm14 =	veq.f32 v48, v9;
	v42 =	vsel vm13, v19, v42  }
0x84: {  	v25 =	vld [tilespmem:$0x1FEB0];
	vm15 =	veq.f32 v49, v9;
	v42 =	vsel vm14, v20, v42  }
0x85: {  	v26 =	vld [tilespmem:$0x1FEC0];
	vm4 =	veq.f32 v50, v9;
	v42 =	vsel vm15, v21, v42  }
0x86: {  	v27 =	vld [tilespmem:$0x1FED0];
	vm5 =	veq.f32 v51, v9;
	v42 =	vsel vm4, v22, v42  }
0x87: {  	v28 =	vld [tilespmem:$0x1FEE0];
	vm6 =	veq.f32 v52, v9;
	v42 =	vsel vm5, v23, v42  }
0x88: {  	v29 =	vld [tilespmem:$0x1FEF0];
	vm7 =	veq.f32 v53, v9;
	v42 =	vsel vm6, v24, v42  }
0x89: {  	v30 =	vld [tilespmem:$0x1FF00];
	vm8 =	veq.f32 v54, v9;
	v42 =	vsel vm7, v25, v42  }
0x8a: {  	v31 =	vld [tilespmem:$0x1FF10];
	vm9 =	veq.f32 v55, v9;
	v42 =	vsel vm8, v26, v42  }
0x8b: {  	v32 =	vld [tilespmem:$0x1FF20];
	vm10 =	veq.f32 v56, v9;
	v42 =	vsel vm9, v27, v42  }
0x8c: {  	v33 =	vld [tilespmem:$0x1FF30];
	vm11 =	veq.f32 v57, v9;
	v42 =	vsel vm10, v28, v42  }
0x8d: {  	v34 =	vld [tilespmem:$0x1FF40];
	vm12 =	veq.f32 v58, v9;
	v42 =	vsel vm11, v29, v42  }
0x8e: {  	v35 =	vld [tilespmem:$0x1FF50];
	vm13 =	veq.f32 v59, v9;
	v42 =	vsel vm12, v30, v42  }
0x8f: {  	v7 =	vld [tilespmem:$0x1FF60];
	vm14 =	veq.f32 v61, v9;
	v42 =	vsel vm13, v31, v42  }
0x90: {  	v6 =	vld [tilespmem:$0x1FF70];
	vm15 =	veq.f32 v62, v9;
	v42 =	vsel vm14, v32, v42  }
0x91: {  	v5 =	vld [tilespmem:$0x1FF80];
	vm4 =	veq.f32 v63, v9;
	v42 =	vsel vm15, v33, v42  }
0x92: {  	v4 =	vld [tilespmem:$0x1FF90];
	vm5 =	veq.f32 v17, v9;
	v42 =	vsel vm4, v34, v42  }
0x93: {  	v3 =	vld [tilespmem:$0x1FFA0];
	vm6 =	veq.f32 v36, v9;
	v42 =	vsel vm5, v35, v42  }
0x94: {  	v2 =	vld [tilespmem:$0x1FFB0];
	vm7 =	veq.f32 v38, v9;
	v42 =	vsel vm6, v7, v42  }
0x95: {  	v1 =	vld [tilespmem:$0x1FFC0];
	vm8 =	veq.f32 v16, v9;
	v42 =	vsel vm7, v6, v42  }
0x96: {  	vm9 =	veq.f32 v15, v9;
	v42 =	vsel vm8, v5, v42  }
0x97: {  	vm10 =	veq.f32 v14, v9;
	v42 =	vsel vm9, v4, v42  }
0x98: {  	vm11 =	veq.f32 v12, v9;
	v42 =	vsel vm10, v3, v42  }
0x99: {  	vm12 =	veq.f32 v37, v9;
	v42 =	vsel vm11, v2, v42  }
0x9a: {  	v0 =	vlaneseq.u32;
	vm13 =	veq.f32 v60, v9;
	v42 =	vsel vm12, v1, v42  }
0x9b: {  	v9 =	vsel vm13, v0, v42  }
0x9c: {  	v42 =	vperm.xlane v9, v13;
	_ =	sdelay $0x1  }
0x9d: {  	vm0 =	vlt.s32 v9, v42  }
0x9e: {  	v9 =	vsel vm0, v9, v42  }
0x9f: {  	v42 =	vperm.xlane v9, v18;
	_ =	sdelay $0x1  }
0xa0: {  	vm0 =	vlt.s32 v9, v42  }
0xa1: {  	v9 =	vsel vm0, v9, v42  }
0xa2: {  	v42 =	vperm.xlane v9, v8;
	_ =	sdelay $0x1  }
0xa3: {  	vm0 =	vlt.s32 v9, v42  }
0xa4: {  	v9 =	vsel vm0, v9, v42  }
0xa5: {  	v42 =	vperm.xlane v9, v10;
	_ =	sdelay $0x1  }
0xa6: {  	vm0 =	vlt.s32 v9, v42  }
0xa7: {  	v11 =	vlaneseq.u32;
	v42 =	vsel vm0, v9, v42  }
0xa8: {  	vm0 =	veq.s32 v42, v11  }
0xa9: {  	vm14 =	veq.s32 v42, v1;
	v60 =	vsel vm0, $0xFF7FFFFF, v60  }
0xaa: {  	vm15 =	veq.s32 v42, v2;
	v37 =	vsel vm14, $0xFF7FFFFF, v37;
	v9 =	vmax.f32 v60, $-3.402823470e+38  }
0xab: {  	v0 =	vmovc v13;
	v13 =	vmovc v18;
	vm4 =	veq.s32 v42, v3;
	v18 =	vsel vm15, $0xFF7FFFFF, v12;
	v9 =	vmax.f32 v9, v37  }
0xac: {  	vm5 =	veq.s32 v42, v4;
	v8 =	vsel vm4, $0xFF7FFFFF, v14;
	v9 =	vmax.f32 v9, v18  }
0xad: {  	vm6 =	veq.s32 v42, v5;
	v12 =	vsel vm5, $0xFF7FFFFF, v15;
	v9 =	vmax.f32 v9, v8  }
0xae: {  	vm7 =	veq.s32 v42, v6;
	v4 =	vsel vm6, $0xFF7FFFFF, v16;
	v9 =	vmax.f32 v9, v12  }
0xaf: {  	vm8 =	veq.s32 v42, v7;
	v38 =	vsel vm7, $0xFF7FFFFF, v38;
	v9 =	vmax.f32 v9, v4  }
0xb0: {  	vm9 =	veq.s32 v42, v35;
	v36 =	vsel vm8, $0xFF7FFFFF, v36;
	v9 =	vmax.f32 v9, v38  }
0xb1: {  	vm10 =	veq.s32 v42, v34;
	v2 =	vsel vm9, $0xFF7FFFFF, v17;
	v9 =	vmax.f32 v9, v36  }
0xb2: {  	vm11 =	veq.s32 v42, v33;
	v63 =	vsel vm10, $0xFF7FFFFF, v63;
	v9 =	vmax.f32 v9, v2  }
0xb3: {  	vm12 =	veq.s32 v42, v32;
	v62 =	vsel vm11, $0xFF7FFFFF, v62;
	v9 =	vmax.f32 v9, v63  }
0xb4: {  	vm13 =	veq.s32 v42, v31;
	v61 =	vsel vm12, $0xFF7FFFFF, v61;
	v9 =	vmax.f32 v9, v62  }
0xb5: {  	v59 =	vsel vm13, $0xFF7FFFFF, v59;
	vm14 =	veq.s32 v42, v30;
	v9 =	vmax.f32 v9, v61  }
0xb6: {  	vm15 =	veq.s32 v42, v29;
	v58 =	vsel vm14, $0xFF7FFFFF, v58;
	v9 =	vmax.f32 v9, v59  }
0xb7: {  	vm4 =	veq.s32 v42, v28;
	v57 =	vsel vm15, $0xFF7FFFFF, v57;
	v9 =	vmax.f32 v9, v58  }
0xb8: {  	vm5 =	veq.s32 v42, v27;
	v56 =	vsel vm4, $0xFF7FFFFF, v56;
	v9 =	vmax.f32 v9, v57  }
0xb9: {  	vm6 =	veq.s32 v42, v26;
	v55 =	vsel vm5, $0xFF7FFFFF, v55;
	v9 =	vmax.f32 v9, v56  }
0xba: {  	vm7 =	veq.s32 v42, v25;
	v54 =	vsel vm6, $0xFF7FFFFF, v54;
	v9 =	vmax.f32 v9, v55  }
0xbb: {  	vm8 =	veq.s32 v42, v24;
	v53 =	vsel vm7, $0xFF7FFFFF, v53;
	v9 =	vmax.f32 v9, v54  }
0xbc: {  	vm9 =	veq.s32 v42, v23;
	v17 =	vld [tilespmem:$0x1FE40];
	v52 =	vsel vm8, $0xFF7FFFFF, v52;
	v9 =	vmax.f32 v9, v53  }
0xbd: {  	vm10 =	veq.s32 v42, v22;
	v16 =	vld [tilespmem:$0x1FE30];
	v51 =	vsel vm9, $0xFF7FFFFF, v51;
	v9 =	vmax.f32 v9, v52  }
0xbe: {  	vm11 =	veq.s32 v42, v21;
	v15 =	vld [tilespmem:$0x1FE20];
	v50 =	vsel vm10, $0xFF7FFFFF, v50;
	v9 =	vmax.f32 v9, v51  }
0xbf: {  	vm12 =	veq.s32 v42, v20;
	v14 =	vld [tilespmem:$0x1FE10];
	v49 =	vsel vm11, $0xFF7FFFFF, v49;
	v9 =	vmax.f32 v9, v50  }
0xc0: {  	v7 =	vld [tilespmem:$0x1FE00];
	vm13 =	veq.s32 v42, v19;
	v48 =	vsel vm12, $0xFF7FFFFF, v48;
	v9 =	vmax.f32 v9, v49  }
0xc1: {  	v6 =	vld [tilespmem:$0x1FDF0];
	v47 =	vsel vm13, $0xFF7FFFFF, v47;
	vm14 =	veq.s32 v42, v17;
	v9 =	vmax.f32 v9, v48  }
0xc2: {  	v5 =	vld [tilespmem:$0x1FDE0];
	vm15 =	veq.s32 v42, v16;
	v46 =	vsel vm14, $0xFF7FFFFF, v46;
	v9 =	vmax.f32 v9, v47  }
0xc3: {  	vm4 =	veq.s32 v42, v15;
	v45 =	vsel vm15, $0xFF7FFFFF, v45;
	v9 =	vmax.f32 v9, v46  }
0xc4: {  	vm5 =	veq.s32 v42, v14;
	v44 =	vsel vm4, $0xFF7FFFFF, v44;
	v9 =	vmax.f32 v9, v45  }
0xc5: {  	vm6 =	veq.s32 v42, v7;
	v43 =	vsel vm5, $0xFF7FFFFF, v43;
	v9 =	vmax.f32 v9, v44  }
0xc6: {  	vm7 =	veq.s32 v42, v6;
	v41 =	vsel vm6, $0xFF7FFFFF, v41;
	v9 =	vmax.f32 v9, v43  }
0xc7: {  	vm8 =	veq.s32 v42, v5;
	v40 =	vsel vm7, $0xFF7FFFFF, v40;
	v9 =	vmax.f32 v9, v41  }
0xc8: {  	v39 =	vsel vm8, $0xFF7FFFFF, v39;
	v9 =	vmax.f32 v9, v40  }
0xc9: {  	v9 =	vmax.f32 v9, v39  }
0xca: {  	v10 =	vperm.xlane v9, v0  }
0xcb: {  	v3 =	vmov v0;
	v0 =	vld [tilespmem:$0x1FDC0]  }
0xcc: {  	v9 =	vmax.f32 v9, v10  }
0xcd: {  	v10 =	vperm.xlane v9, v13  }
0xce: {  	v11 =	vld [tilespmem:$0x1FDD0]  }
0xcf: {  	v9 =	vmax.f32 v9, v10  }
0xd0: {  	v10 =	vperm.xlane v9, v0;
	_ =	sdelay $0x1  }
0xd1: {  	v9 =	vmax.f32 v9, v10  }
0xd2: {  	v10 =	vperm.xlane v9, v11;
	_ =	sdelay $0x1  }
0xd3: {  	v9 =	vmax.f32 v9, v10  }
0xd4: {  	vm0 =	veq.f32 v39, v9  }
0xd5: {  	vm9 =	veq.f32 v40, v9;
	v10 =	vnsel vm0, $0x200, v5  }
0xd6: {  	vm10 =	veq.f32 v41, v9;
	v10 =	vsel vm9, v6, v10  }
0xd7: {  	vm11 =	veq.f32 v43, v9;
	v10 =	vsel vm10, v7, v10  }
0xd8: {  	vm12 =	veq.f32 v44, v9;
	v10 =	vsel vm11, v14, v10  }
0xd9: {  	vm13 =	veq.f32 v45, v9;
	v10 =	vsel vm12, v15, v10  }
0xda: {  	vm14 =	veq.f32 v46, v9;
	v10 =	vsel vm13, v16, v10  }
0xdb: {  	vm15 =	veq.f32 v47, v9;
	v10 =	vsel vm14, v17, v10  }
0xdc: {  	vm4 =	veq.f32 v48, v9;
	v10 =	vsel vm15, v19, v10  }
0xdd: {  	vm5 =	veq.f32 v49, v9;
	v10 =	vsel vm4, v20, v10  }
0xde: {  	vm6 =	veq.f32 v50, v9;
	v10 =	vsel vm5, v21, v10  }
0xdf: {  	vm7 =	veq.f32 v51, v9;
	v10 =	vsel vm6, v22, v10  }
0xe0: {  	vm8 =	veq.f32 v52, v9;
	v10 =	vsel vm7, v23, v10  }
0xe1: {  	vm9 =	veq.f32 v53, v9;
	v10 =	vsel vm8, v24, v10  }
0xe2: {  	vm10 =	veq.f32 v54, v9;
	v10 =	vsel vm9, v25, v10  }
0xe3: {  	vm11 =	veq.f32 v55, v9;
	v10 =	vsel vm10, v26, v10  }
0xe4: {  	vm12 =	veq.f32 v56, v9;
	v10 =	vsel vm11, v27, v10  }
0xe5: {  	vm13 =	veq.f32 v57, v9;
	v10 =	vsel vm12, v28, v10  }
0xe6: {  	vm14 =	veq.f32 v58, v9;
	v10 =	vsel vm13, v29, v10  }
0xe7: {  	vm15 =	veq.f32 v59, v9;
	v10 =	vsel vm14, v30, v10  }
0xe8: {  	v5 =	vld [tilespmem:$0x1FF60];
	vm4 =	veq.f32 v61, v9;
	v10 =	vsel vm15, v31, v10  }
0xe9: {  	vm5 =	veq.f32 v62, v9;
	v10 =	vsel vm4, v32, v10  }
0xea: {  	vm6 =	veq.f32 v63, v9;
	v10 =	vsel vm5, v33, v10  }
0xeb: {  	vm7 =	veq.f32 v2, v9;
	v10 =	vsel vm6, v34, v10  }
0xec: {  	vm8 =	veq.f32 v36, v9;
	v2 =	vsel vm7, v35, v10  }
0xed: {  	v2 =	vsel vm8, v5, v2;
	v5 =	vld [tilespmem:$0x1FF70]  }
0xee: {  	vm10 =	veq.f32 v4, v9;
	v4 =	vld [tilespmem:$0x1FF80];
	_ =	sdelay $0x2  }
0xef: {  	vm9 =	veq.f32 v38, v9  }
0xf0: {  	v2 =	vsel vm9, v5, v2  }
0xf1: {  	v2 =	vsel vm10, v4, v2;
	v4 =	vld [tilespmem:$0x1FF90];
	_ =	sdelay $0x3  }
0xf2: {  	vm11 =	veq.f32 v12, v9  }
0xf3: {  	v2 =	vsel vm11, v4, v2;
	v4 =	vld [tilespmem:$0x1FFA0];
	_ =	sdelay $0x3  }
0xf4: {  	vm12 =	veq.f32 v8, v9  }
0xf5: {  	v2 =	vsel vm12, v4, v2;
	v4 =	vld [tilespmem:$0x1FFB0];
	_ =	sdelay $0x3  }
0xf6: {  	vm13 =	veq.f32 v18, v9  }
0xf7: {  	v2 =	vsel vm13, v4, v2;
	v4 =	vld [tilespmem:$0x1FFC0];
	_ =	sdelay $0x3  }
0xf8: {  	vm14 =	veq.f32 v37, v9  }
0xf9: {  	vm15 =	veq.f32 v60, v9;
	v2 =	vsel vm14, v4, v2;
	v4 =	vlaneseq.u32  }
0xfa: {  	v2 =	vsel vm15, v4, v2  }
0xfb: {  	v5 =	vperm.xlane v2, v3;
	_ =	sdelay $0x1  }
0xfc: {  	vm0 =	vlt.s32 v2, v5  }
0xfd: {  	v2 =	vsel vm0, v2, v5  }
0xfe: {  	v5 =	vperm.xlane v2, v13;
	_ =	sdelay $0x1  }
0xff: {  	vm0 =	vlt.s32 v2, v5  }
0x100: {  	v2 =	vsel vm0, v2, v5  }
0x101: {  	v5 =	vperm.xlane v2, v0;
	_ =	sdelay $0x1  }
0x102: {  	vm0 =	vlt.s32 v2, v5  }
0x103: {  	v2 =	vsel vm0, v2, v5  }
0x104: {  	v5 =	vperm.xlane v2, v11;
	_ =	sdelay $0x1  }
0x105: {  	v0 =	vld [tilespmem:$0x1FFD0];
	vm0 =	vlt.s32 v2, v5  }
0x106: {  	v6 =	vshll.u32 v42, $0x3;
	v2 =	vsel vm0, v2, v5  }
0x107: {  	v6 =	vand.u32 $0xFFFFFC00, v6;
	v7 =	vshll.u32 v2, $0x3  }
0x108: {  	v5 =	vand.u32 $0x7F, v42;
	v2 =	vand.u32 $0x7F, v2;
	v7 =	vand.u32 $0xFFFFFC00, v7  }
0x109: {  	v8 =	vor.u32 v5, v6;
	v9 =	vor.u32 v2, v7  }
0x10a: {  	v2 =	vadd.s32 v0, v8;
	v5 =	vadd.s32 v0, v9;
	v0 =	vld [tilespmem:$0x1FFE0];
	_ =	sdelay $0x4  }
0x10b: {  	v6 =	vadd.s32 v0, v8;
	v7 =	vadd.s32 v0, v9;
	v0 =	vld [tilespmem:$0x1FFF0];
	_ =	sdelay $0x4  }
0x10c: {  	s25 =	simm.s32 $0x0;
	v8 =	vadd.s32 v0, v8;
	v36 =	vadd.s32 v0, v9  }
.LBB2_2:
0x10d: {  	_ = 	snop  }
0x10e: {  	_ =	swait.ge [sflag:s16], $0x6000  }
0x10f: {  	[sflag:s16] =	ssyncset.done $0x0  }
0x110: {  	[sflag:s16] =	ssyncadd.s32 $0xFFFFA000  }
0x111: {  	v9 =	vld.idx.msk [tilespmem:v2+s11+$0x0], $0xffff;
	_ =	sdelay $0x4  }
0x112: {  	v9 =	vmul.f32 $1.000000050e-03, v9;
	_ =	sdelay $0x1  }
0x113: {  	[tilespmem:v2+s11+$0x0] =	vst.idx.msk $0xffff, v9  }
0x114: {  	v9 =	vld.idx.msk [tilespmem:v5+s11+$0x0], $0xffff;
	_ =	sdelay $0x4  }
0x115: {  	v9 =	vmul.f32 $1.000000050e-03, v9;
	_ =	sdelay $0x1  }
0x116: {  	[tilespmem:v5+s11+$0x0] =	vst.idx.msk $0xffff, v9  }
0x117: {  	v9 =	vld.idx.msk [tilespmem:v6+s11+$0x0], $0xffff;
	_ =	sdelay $0x4  }
0x118: {  	v9 =	vmul.f32 $1.000000050e-03, v9;
	_ =	sdelay $0x1  }
0x119: {  	[tilespmem:v6+s11+$0x0] =	vst.idx.msk $0xffff, v9  }
0x11a: {  	v9 =	vld.idx.msk [tilespmem:v7+s11+$0x0], $0xffff;
	_ =	sdelay $0x4  }
0x11b: {  	v9 =	vmul.f32 $1.000000050e-03, v9;
	_ =	sdelay $0x1  }
0x11c: {  	[tilespmem:v7+s11+$0x0] =	vst.idx.msk $0xffff, v9  }
0x11d: {  	v9 =	vld.idx.msk [tilespmem:v8+s11+$0x0], $0xffff;
	_ =	sdelay $0x4  }
0x11e: {  	v9 =	vmul.f32 $1.000000050e-03, v9;
	_ =	sdelay $0x1  }
0x11f: {  	[tilespmem:v8+s11+$0x0] =	vst.idx.msk $0xffff, v9  }
0x120: {  	v9 =	vld.idx.msk [tilespmem:v36+s11+$0x0], $0xffff;
	_ =	sdelay $0x4  }
0x121: {  	v9 =	vmul.f32 $1.000000050e-03, v9;
	_ =	sdelay $0x1  }
0x122: {  	s26 =	sadd.s32 s25, s10;
	[tilespmem:v36+s11+$0x0] =	vst.idx.msk $0xffff, v9  }
0x123: {  	[hbm4b:s26+s3] =	stream.linear.scatter [tilespmem:s11], [sflag:$0x5], $0x6000, $0x38;
	[tilespmem:$0x18200] =	vst v63  }
0x124: {  	_ =	swait.ge [sflag:s17], $0x6000  }
0x125: {  	[sflag:s17] =	ssyncset.done $0x0  }
0x126: {  	[sflag:s17] =	ssyncadd.s32 $0xFFFFA000  }
0x127: {  	v9 =	vld.idx.msk [tilespmem:v2+s12+$0x0], $0xffff;
	_ =	sdelay $0x4  }
0x128: {  	v9 =	vmul.f32 $1.000000050e-03, v9;
	_ =	sdelay $0x1  }
0x129: {  	[tilespmem:v2+s12+$0x0] =	vst.idx.msk $0xffff, v9  }
0x12a: {  	v9 =	vld.idx.msk [tilespmem:v5+s12+$0x0], $0xffff;
	_ =	sdelay $0x4  }
0x12b: {  	v9 =	vmul.f32 $1.000000050e-03, v9;
	_ =	sdelay $0x1  }
0x12c: {  	[tilespmem:v5+s12+$0x0] =	vst.idx.msk $0xffff, v9  }
0x12d: {  	v9 =	vld.idx.msk [tilespmem:v6+s12+$0x0], $0xffff;
	_ =	sdelay $0x4  }
0x12e: {  	v9 =	vmul.f32 $1.000000050e-03, v9;
	_ =	sdelay $0x1  }
0x12f: {  	[tilespmem:v6+s12+$0x0] =	vst.idx.msk $0xffff, v9  }
0x130: {  	v9 =	vld.idx.msk [tilespmem:v7+s12+$0x0], $0xffff;
	_ =	sdelay $0x4  }
0x131: {  	v9 =	vmul.f32 $1.000000050e-03, v9;
	_ =	sdelay $0x1  }
0x132: {  	[tilespmem:v7+s12+$0x0] =	vst.idx.msk $0xffff, v9  }
0x133: {  	v9 =	vld.idx.msk [tilespmem:v8+s12+$0x0], $0xffff;
	_ =	sdelay $0x4  }
0x134: {  	v9 =	vmul.f32 $1.000000050e-03, v9;
	_ =	sdelay $0x1  }
0x135: {  	[tilespmem:v8+s12+$0x0] =	vst.idx.msk $0xffff, v9  }
0x136: {  	v9 =	vld.idx.msk [tilespmem:v36+s12+$0x0], $0xffff;
	_ =	sdelay $0x4  }
0x137: {  	v9 =	vmul.f32 $1.000000050e-03, v9;
	_ =	sdelay $0x1  }
0x138: {  	s28 =	sadd.s32 $0xC00, s26;
	[tilespmem:v36+s12+$0x0] =	vst.idx.msk $0xffff, v9  }
0x139: {  	[hbm4b:s28+s3] =	stream.linear.scatter [tilespmem:s12], [sflag:$0x6], $0x6000, $0x38;
	[tilespmem:$0x18200] =	vst v63  }
0x13a: {  	_ =	swait.ge [sflag:s18], $0x6000  }
0x13b: {  	[sflag:s18] =	ssyncset.done $0x0  }
0x13c: {  	[sflag:s18] =	ssyncadd.s32 $0xFFFFA000  }
0x13d: {  	v9 =	vld.idx.msk [tilespmem:v2+s13+$0x0], $0xffff;
	_ =	sdelay $0x4  }
0x13e: {  	v9 =	vmul.f32 $1.000000050e-03, v9;
	_ =	sdelay $0x1  }
0x13f: {  	[tilespmem:v2+s13+$0x0] =	vst.idx.msk $0xffff, v9  }
0x140: {  	v9 =	vld.idx.msk [tilespmem:v5+s13+$0x0], $0xffff;
	_ =	sdelay $0x4  }
0x141: {  	v9 =	vmul.f32 $1.000000050e-03, v9;
	_ =	sdelay $0x1  }
0x142: {  	[tilespmem:v5+s13+$0x0] =	vst.idx.msk $0xffff, v9  }
0x143: {  	v9 =	vld.idx.msk [tilespmem:v6+s13+$0x0], $0xffff;
	_ =	sdelay $0x4  }
0x144: {  	v9 =	vmul.f32 $1.000000050e-03, v9;
	_ =	sdelay $0x1  }
0x145: {  	[tilespmem:v6+s13+$0x0] =	vst.idx.msk $0xffff, v9  }
0x146: {  	v9 =	vld.idx.msk [tilespmem:v7+s13+$0x0], $0xffff;
	_ =	sdelay $0x4  }
0x147: {  	v9 =	vmul.f32 $1.000000050e-03, v9;
	_ =	sdelay $0x1  }
0x148: {  	[tilespmem:v7+s13+$0x0] =	vst.idx.msk $0xffff, v9  }
0x149: {  	v9 =	vld.idx.msk [tilespmem:v8+s13+$0x0], $0xffff;
	_ =	sdelay $0x4  }
0x14a: {  	v9 =	vmul.f32 $1.000000050e-03, v9;
	_ =	sdelay $0x1  }
0x14b: {  	[tilespmem:v8+s13+$0x0] =	vst.idx.msk $0xffff, v9  }
0x14c: {  	v9 =	vld.idx.msk [tilespmem:v36+s13+$0x0], $0xffff;
	_ =	sdelay $0x4  }
0x14d: {  	v9 =	vmul.f32 $1.000000050e-03, v9;
	_ =	sdelay $0x1  }
0x14e: {  	s31 =	sadd.s32 $0x1800, s26;
	[tilespmem:v36+s13+$0x0] =	vst.idx.msk $0xffff, v9  }
0x14f: {  	[hbm4b:s31+s3] =	stream.linear.scatter [tilespmem:s13], [sflag:$0x7], $0x6000, $0x38;
	[tilespmem:$0x18200] =	vst v63  }
0x150: {  	_ =	swait.ge [sflag:s19], $0x6000  }
0x151: {  	[sflag:s19] =	ssyncset.done $0x0  }
0x152: {  	[sflag:s19] =	ssyncadd.s32 $0xFFFFA000  }
0x153: {  	v9 =	vld.idx.msk [tilespmem:v2+s14+$0x0], $0xffff;
	_ =	sdelay $0x4  }
0x154: {  	v9 =	vmul.f32 $1.000000050e-03, v9;
	_ =	sdelay $0x1  }
0x155: {  	[tilespmem:v2+s14+$0x0] =	vst.idx.msk $0xffff, v9  }
0x156: {  	v9 =	vld.idx.msk [tilespmem:v5+s14+$0x0], $0xffff;
	_ =	sdelay $0x4  }
0x157: {  	v9 =	vmul.f32 $1.000000050e-03, v9;
	_ =	sdelay $0x1  }
0x158: {  	[tilespmem:v5+s14+$0x0] =	vst.idx.msk $0xffff, v9  }
0x159: {  	v9 =	vld.idx.msk [tilespmem:v6+s14+$0x0], $0xffff;
	_ =	sdelay $0x4  }
0x15a: {  	v9 =	vmul.f32 $1.000000050e-03, v9;
	_ =	sdelay $0x1  }
0x15b: {  	[tilespmem:v6+s14+$0x0] =	vst.idx.msk $0xffff, v9  }
0x15c: {  	v9 =	vld.idx.msk [tilespmem:v7+s14+$0x0], $0xffff;
	_ =	sdelay $0x4  }
0x15d: {  	v9 =	vmul.f32 $1.000000050e-03, v9;
	_ =	sdelay $0x1  }
0x15e: {  	[tilespmem:v7+s14+$0x0] =	vst.idx.msk $0xffff, v9  }
0x15f: {  	v9 =	vld.idx.msk [tilespmem:v8+s14+$0x0], $0xffff;
	_ =	sdelay $0x4  }
0x160: {  	v9 =	vmul.f32 $1.000000050e-03, v9;
	_ =	sdelay $0x1  }
0x161: {  	[tilespmem:v8+s14+$0x0] =	vst.idx.msk $0xffff, v9  }
0x162: {  	v9 =	vld.idx.msk [tilespmem:v36+s14+$0x0], $0xffff;
	_ =	sdelay $0x4  }
0x163: {  	v9 =	vmul.f32 $1.000000050e-03, v9  }
0x164: {  	p0 =	seq.s32 s25, $0x2D000  }
.Ltmp2:
0x165: {  	s26 =	sadd.s32 $0x2400, s26;
	[tilespmem:v36+s14+$0x0] =	vst.idx.msk $0xffff, v9;
	(pc) =	sbr.rel @p0 .LBB2_4-.Ltmp2, $4  }
0x166: {  	[hbm4b:s26+s3] =	stream.linear.scatter [tilespmem:s14], [sflag:$0x8], $0x6000, $0x38;
	[tilespmem:$0x18200] =	vst v63  }
0x167: {  	_ =	swait.ge [sflag:s20], $0x6000  }
0x168: {  	[sflag:s20] =	ssyncset.done $0x0  }
0x169: {  	[sflag:s20] =	ssyncadd.s32 $0xFFFFA000  }
0x16a: {  	s26 =	sadd.s32 s25, s9  }
0x16b: {  	s28 =	sadd.s32 $0x3000, s26  }
0x16c: {  	[tilespmem:s11], [sflag:$0x1] =	stream.linear.gather [hbm4b:s28+s3], $0x6000, $0x38;
	[tilespmem:$0x18200] =	vst v63  }
0x16d: {  	_ =	swait.ge [sflag:s21], $0x6000  }
0x16e: {  	[sflag:s21] =	ssyncset.done $0x0  }
0x16f: {  	s30 =	sadd.s32 $0x3C00, s26;
	[sflag:s21] =	ssyncadd.s32 $0xFFFFA000  }
0x170: {  	[tilespmem:s12], [sflag:$0x2] =	stream.linear.gather [hbm4b:s30+s3], $0x6000, $0x38;
	[tilespmem:$0x18200] =	vst v63  }
0x171: {  	_ =	swait.ge [sflag:s22], $0x6000  }
0x172: {  	[sflag:s22] =	ssyncset.done $0x0  }
0x173: {  	s31 =	sadd.s32 $0x4800, s26;
	[sflag:s22] =	ssyncadd.s32 $0xFFFFA000  }
0x174: {  	[tilespmem:s13], [sflag:$0x3] =	stream.linear.gather [hbm4b:s31+s3], $0x6000, $0x38;
	[tilespmem:$0x18200] =	vst v63  }
.Ltmp3:
0x175: {  	_ = 	snop;
	(pc) =	sbr.rel .LBB2_2-.Ltmp3, $4  }
0x176: {  	_ =	swait.ge [sflag:s23], $0x6000  }
0x177: {  	[sflag:s23] =	ssyncset.done $0x0  }
0x178: {  	s25 =	sadd.s32 $0x3000, s25;
	s26 =	sadd.s32 $0x5400, s26;
	[sflag:s23] =	ssyncadd.s32 $0xFFFFA000  }
0x179: {  	[tilespmem:s14], [sflag:$0x4] =	stream.linear.gather [hbm4b:s26+s3], $0x6000, $0x38;
	[tilespmem:$0x18200] =	vst v63  }
.LBB2_5:
0x17a: {  	_ =	sfence.sel $0x180000  }
0x17b: {  	[bflag:$0x0] =	sbarrier.arrive $0xFFFF  }
0x17c: {  	p0 =	sne.s32 s1, $0x0;
	_ =	strace $0x90000047  }
0x17d: {  	s0 =	sadd.s32 @!p0 $0x100000, s2;
	[bflag:$0x2] =	sbarrier.arrive $0xFFFF  }
0x17e: {  	[sflag:s0] =	ssyncadd.tile.s32 @!p0 $0x1;
	_ =	shalt  }
.Lfunc_end2:
_tile_overlayer_lowered:
.L_overlay_start_2:
0x17f: {  	(tag) =	ssettag $0x2  }
0x180: {  	s0 =	rddreg [dreg:$0x0];
	s2 =	stileid.u32  }
0x181: {  	s1 =	rddreg [dreg:$0x1];
	p0 =	sne.s32 s2, $0x0  }
0x182: {  	s3 =	rddreg [dreg:$0x2];
	[bflag:$0x3] =	sbarrier.arrive $0xFFFF;
	s2 =	simm.s32 @!p0 $0x1C09  }
0x183: {  	[timem:s3], [sflag:s2] =	dma.local @!p0 [hbm:s0], s1  }
0x184: {  	s0 =	simm.s32 @!p0 $0x9  }
0x185: {  	_ =	swait.ge @!p0 [sflag:s0], s1  }
0x186: {  	s1 =	ssub.s32 @!p0 $0x0, s1;
	[sflag:s0] =	ssyncset.done @!p0 $0x0  }
0x187: {  	[sflag:s0] =	ssyncadd.s32 @!p0 s1  }
0x188: {  	[bflag:$0x3] =	sbarrier.arrive $0xFFFF  }
0x189: {  	_ =	shalt  }

</sc_bundles>
